<compile_context>
chip_gen: v7x
topology: tpu7x:2x2x1
jax: 0.10.2.dev20260603
libtpu: 0.0.44.dev20260713+nightly
codegen_flags: <defaults>
</compile_context>

<pallas_src>
import functools

import jax
import jax.numpy as jnp
from jax import lax
from jax.experimental import pallas as pl
from jax.experimental.pallas import tpu as pltpu
from jax.experimental.pallas import tpu_sc as plsc

NC = 2
NS = 16
NW = NC * NS
CR = 39


def _sc_hist(npad, rows):
  mesh = plsc.VectorSubcoreMesh(core_axis_name="c", subcore_axis_name="s")
  rb = rows // NW
  ex = rows % NW
  npairs = rb // (2 * CR)

  @functools.partial(
      pl.kernel,
      out_type=jax.ShapeDtypeStruct((NC, NS, npad), jnp.float32),
      mesh=mesh,
      compiler_params=pltpu.CompilerParams(use_tc_tiling_on_sc=False,
                                           needs_layout_passes=False),
      scratch_types=[
          pltpu.VMEM((CR, 128), jnp.int32),
          pltpu.VMEM((CR, 128), jnp.int32),
          pltpu.VMEM((npad,), jnp.float32),
          pltpu.SemaphoreType.DMA,
          pltpu.SemaphoreType.DMA,
      ],
  )
  def k(edge_hbm, zeros_hbm, out_hbm, idx_a, idx_b, hist_v, sem_a, sem_b):
    cid = lax.axis_index("c")
    sid = lax.axis_index("s")
    wid = sid * NC + cid
    start = wid * rb + jnp.minimum(wid, ex)
    extra = (wid < ex).astype(jnp.int32)
    ones16 = jnp.ones((16,), jnp.float32)
    pltpu.sync_copy(zeros_hbm, hist_v)

    def scat(buf):
      @pl.loop(0, CR)
      def _(j):
        for i in range(8):
          plsc.addupdate_scatter(
              hist_v, [buf[j, pl.ds(i * 16, 16)]], ones16)

    @pl.loop(0, npairs)
    def _(t):
      base = start + t * 2 * CR
      cp_a = pltpu.async_copy(edge_hbm.at[1, pl.ds(base, CR)], idx_a, sem_a)
      cp_b = pltpu.async_copy(edge_hbm.at[1, pl.ds(base + CR, CR)], idx_b,
                              sem_b)
      cp_a.wait()
      scat(idx_a)
      cp_b.wait()
      scat(idx_b)

    @pl.loop(start + npairs * 2 * CR, start + rb + extra)
    def _(r):
      pltpu.sync_copy(edge_hbm.at[1, pl.ds(r, 1)], idx_a.at[pl.ds(0, 1)])
      for i in range(8):
        plsc.addupdate_scatter(
            hist_v, [idx_a[0, pl.ds(i * 16, 16)]], ones16)

    pltpu.sync_copy(hist_v, out_hbm.at[cid, sid])

  return k


def _sc_scatter(npad, rows):
  mesh = plsc.VectorSubcoreMesh(core_axis_name="c", subcore_axis_name="s")
  rb = rows // NW
  ex = rows % NW
  npairs = rb // (2 * CR)

  @functools.partial(
      pl.kernel,
      out_type=jax.ShapeDtypeStruct((NC, NS, 2, npad), jnp.float32),
      mesh=mesh,
      compiler_params=pltpu.CompilerParams(use_tc_tiling_on_sc=False,
                                           needs_layout_passes=False),
      scratch_types=[
          pltpu.VMEM((CR, 128), jnp.int32),
          pltpu.VMEM((CR, 128), jnp.int32),
          pltpu.VMEM((CR, 128), jnp.float32),
          pltpu.VMEM((CR, 128), jnp.int32),
          pltpu.VMEM((CR, 128), jnp.int32),
          pltpu.VMEM((CR, 128), jnp.float32),
          pltpu.VMEM((npad,), jnp.float32),
          pltpu.SemaphoreType.DMA,
          pltpu.SemaphoreType.DMA,
      ],
  )
  def k(edge_hbm, s_hbm, zeros_hbm, out_hbm,
        row_a, col_a, val_a, row_b, col_b, val_b, acc_v, sem_a, sem_b):
    cid = lax.axis_index("c")
    sid = lax.axis_index("s")
    wid = sid * NC + cid
    start = wid * rb + jnp.minimum(wid, ex)
    extra = (wid < ex).astype(jnp.int32)

    for plane in range(2):
      pltpu.sync_copy(zeros_hbm, acc_v)
      splane = s_hbm.at[plane]

      def fire(row_v, val_v, sem):
        @pl.loop(0, CR)
        def _(j):
          pltpu.async_copy(splane.at[row_v.at[j]], val_v.at[j], sem)

      def drain(row_v, val_v, sem):
        @pl.loop(0, CR)
        def _(j):
          pltpu.make_async_copy(splane.at[row_v.at[j]], val_v.at[j],
                                sem).wait()

      def scat(col_v, val_v):
        @pl.loop(0, CR)
        def _(j):
          for i in range(8):
            plsc.addupdate_scatter(
                acc_v, [col_v[j, pl.ds(i * 16, 16)]],
                val_v[j, pl.ds(i * 16, 16)])

      @pl.loop(0, npairs)
      def _(t):
        base = start + t * 2 * CR
        pltpu.sync_copy(edge_hbm.at[0, pl.ds(base, CR)], row_a)
        pltpu.sync_copy(edge_hbm.at[1, pl.ds(base, CR)], col_a)
        fire(row_a, val_a, sem_a)
        pltpu.sync_copy(edge_hbm.at[0, pl.ds(base + CR, CR)], row_b)
        pltpu.sync_copy(edge_hbm.at[1, pl.ds(base + CR, CR)], col_b)
        fire(row_b, val_b, sem_b)
        drain(row_a, val_a, sem_a)
        scat(col_a, val_a)
        drain(row_b, val_b, sem_b)
        scat(col_b, val_b)

      @pl.loop(start + npairs * 2 * CR, start + rb + extra)
      def _(r):
        pltpu.sync_copy(edge_hbm.at[0, pl.ds(r, 1)], row_a.at[pl.ds(0, 1)])
        pltpu.sync_copy(edge_hbm.at[1, pl.ds(r, 1)], col_a.at[pl.ds(0, 1)])
        pltpu.sync_copy(splane.at[row_a.at[0]], val_a.at[0])
        for i in range(8):
          plsc.addupdate_scatter(
              acc_v, [col_a[0, pl.ds(i * 16, 16)]],
              val_a[0, pl.ds(i * 16, 16)])

      pltpu.sync_copy(acc_v, out_hbm.at[cid, sid, plane])

  return k


def _tc_prep(npad):
  m = npad // 128

  def body(h_ref, x_ref, s_ref, d_ref):
    deg = jnp.sum(h_ref[...], axis=(0, 1)) + 1.0
    dinv = 1.0 / jnp.sqrt(deg)
    d_ref[...] = dinv
    s_ref[0] = x_ref[0] * dinv
    s_ref[1] = x_ref[1] * dinv

  return pl.pallas_call(
      body,
      grid=(1,),
      in_specs=[
          pl.BlockSpec((NC, NS, m, 128), lambda i: (0, 0, 0, 0)),
          pl.BlockSpec((2, m, 128), lambda i: (0, 0, 0)),
      ],
      out_specs=[
          pl.BlockSpec((2, m, 128), lambda i: (0, 0, 0)),
          pl.BlockSpec((m, 128), lambda i: (0, 0)),
      ],
      out_shape=[
          jax.ShapeDtypeStruct((2, m, 128), jnp.float32),
          jax.ShapeDtypeStruct((m, 128), jnp.float32),
      ],
  )


def _tc_final(n, npad, br, hid, res, out_dim):
  m = npad // 128
  grid = m // br

  def body(acc_ref, s_ref, d_ref, esn_ref, wg_ref, bg_ref, lnw_ref, lnb_ref,
           w1a_ref, w1b_ref, b1_ref, w2_ref, b2_ref, o_ref, g_acc):
    i = pl.program_id(0)

    @pl.when(i == 0)
    def _():
      g_acc[...] = jnp.zeros_like(g_acc)

    acc = jnp.sum(acc_ref[...], axis=(0, 1))
    d = d_ref[...]
    a0 = (acc[0] + s_ref[0]) * d
    a1 = (acc[1] + s_ref[1]) * d
    w0 = wg_ref[...][0].reshape(hid, 1, 1)
    w1 = wg_ref[...][1].reshape(hid, 1, 1)
    bg = bg_ref[...].reshape(hid, 1, 1)
    h = w0 * a0[None] + w1 * a1[None] + bg
    h = jnp.maximum(h, 0.0)
    mu = jnp.mean(h, axis=0, keepdims=True)
    hc = h - mu
    var = jnp.mean(hc * hc, axis=0, keepdims=True)
    normed = (hc / jnp.sqrt(var + 1e-5) * lnw_ref[...].reshape(hid, 1, 1)
              + lnb_ref[...].reshape(hid, 1, 1))
    node = ((i * br) * 128
            + lax.broadcasted_iota(jnp.int32, (br, 128), 0) * 128
            + lax.broadcasted_iota(jnp.int32, (br, 128), 1))
    normed = jnp.where((node < n)[None], normed, 0.0)
    g_acc[...] += jnp.sum(normed, axis=(1, 2)).reshape(hid, 1)

    @pl.when(i == grid - 1)
    def _():
      g = g_acc[...].reshape(1, hid)
      z = (jnp.dot(g, w1a_ref[...], preferred_element_type=jnp.float32,
                   precision=lax.Precision.HIGHEST)
           + jnp.dot(esn_ref[...], w1b_ref[...],
                     preferred_element_type=jnp.float32,
                     precision=lax.Precision.HIGHEST)
           + b1_ref[...])
      z = jnp.maximum(z, 0.0)
      logits = jnp.dot(z, w2_ref[...], preferred_element_type=jnp.float32,
                       precision=lax.Precision.HIGHEST) + b2_ref[...]
      mx = jnp.max(logits, axis=1, keepdims=True)
      lse = jnp.log(jnp.sum(jnp.exp(logits - mx), axis=1, keepdims=True)) + mx
      o_ref[...] = logits - lse

  z0 = lambda i: (0, 0)
  return pl.pallas_call(
      body,
      grid=(grid,),
      in_specs=[
          pl.BlockSpec((NC, NS, 2, br, 128), lambda i: (0, 0, 0, i, 0)),
          pl.BlockSpec((2, br, 128), lambda i: (0, i, 0)),
          pl.BlockSpec((br, 128), lambda i: (i, 0)),
          pl.BlockSpec((1, res), z0),
          pl.BlockSpec((2, hid), z0),
          pl.BlockSpec((1, hid), z0),
          pl.BlockSpec((1, hid), z0),
          pl.BlockSpec((1, hid), z0),
          pl.BlockSpec((hid, hid), z0),
          pl.BlockSpec((res, hid), z0),
          pl.BlockSpec((1, hid), z0),
          pl.BlockSpec((hid, out_dim), z0),
          pl.BlockSpec((1, out_dim), z0),
      ],
      out_specs=pl.BlockSpec((1, out_dim), z0),
      out_shape=jax.ShapeDtypeStruct((1, out_dim), jnp.float32),
      scratch_shapes=[pltpu.VMEM((128, 1), jnp.float32)],
  )


def kernel(node_features, edge_index, esn_state, W_gcn, b_gcn, ln_w, ln_b,
           W1, b1, W2, b2):
  n, _ = node_features.shape
  e = edge_index.shape[1]
  hid = W_gcn.shape[1]
  res = esn_state.shape[1]
  out_dim = W2.shape[1]

  npad = ((n + 1 + 2047) // 2048) * 2048
  rows = e // 128
  if e % 128:
    pad = 128 - e % 128
    edge_index = jnp.concatenate(
        [edge_index,
         jnp.concatenate([jnp.zeros((1, pad), jnp.int32),
                          jnp.full((1, pad), n, jnp.int32)])], axis=1)
    rows += 1
  edge3 = edge_index.reshape(2, rows, 128)

  m = npad // 128
  zeros1 = jnp.zeros((npad,), jnp.float32)

  hist = _sc_hist(npad, rows)(edge3, zeros1)
  xt = jnp.pad(node_features, ((0, npad - n), (0, 0))).T.reshape(2, m, 128)
  s, dinv = _tc_prep(npad)(hist.reshape(NC, NS, m, 128), xt)
  s2 = s.reshape(2, npad)
  acc = _sc_scatter(npad, rows)(edge3, s2, zeros1)

  br = 112
  return _tc_final(n, npad, br, hid, res, out_dim)(
      acc.reshape(NC, NS, 2, m, 128), s, dinv, esn_state,
      W_gcn, b_gcn.reshape(1, hid), ln_w.reshape(1, hid),
      ln_b.reshape(1, hid), W1[:hid], W1[hid:], b1.reshape(1, hid),
      W2, b2.reshape(1, out_dim))

# --- scband reference (transcript-rebuilt; emitter-appended) ---
"""Pipeline reference for scband-graph-reinforce-agent-27436251087263 (READ-ONLY COPY).

The authoritative reference and input builder live on the scoring server;
editing this copy changes nothing except your own understanding.
"""

import jax, jax.numpy as jnp
import numpy as np

N_NODES = 100000
N_EDGES = 1600000
IN_FEAT = 2
HID = 128
RES = 500
OUT = 10


def setup_inputs(seed: int = 0) -> dict:
    key = jax.random.key(seed)
    ks = jax.random.split(key, 12)
    node_features = jax.random.normal(ks[0], (N_NODES, IN_FEAT), dtype=jnp.float32)
    edge_index = jax.random.randint(ks[1], (2, N_EDGES), 0, N_NODES, dtype=jnp.int32)
    esn_state = jax.random.normal(ks[2], (1, RES), dtype=jnp.float32)
    # GCNConv parameters
    W_gcn = jax.random.normal(ks[3], (IN_FEAT, HID), dtype=jnp.float32) * (1.0 / np.sqrt(IN_FEAT))
    b_gcn = jnp.zeros((HID,), dtype=jnp.float32)
    # LayerNorm parameters
    ln_w = jnp.ones((HID,), dtype=jnp.float32)
    ln_b = jnp.zeros((HID,), dtype=jnp.float32)
    # hidden linear: (HID + RES) -> HID
    W1 = jax.random.normal(ks[4], (HID + RES, HID), dtype=jnp.float32) * (1.0 / np.sqrt(HID + RES))
    b1 = jnp.zeros((HID,), dtype=jnp.float32)
    # output linear: HID -> OUT
    W2 = jax.random.normal(ks[5], (HID, OUT), dtype=jnp.float32) * (1.0 / np.sqrt(HID))
    b2 = jnp.zeros((OUT,), dtype=jnp.float32)
    return {
        'node_features': node_features,
        'edge_index': edge_index,
        'esn_state': esn_state,
        'W_gcn': W_gcn,
        'b_gcn': b_gcn,
        'ln_w': ln_w,
        'ln_b': ln_b,
        'W1': W1,
        'b1': b1,
        'W2': W2,
        'b2': b2,
    }


def _gcn_conv(x, edge_index, W, b):
    # torch_geometric GCNConv with default add_self_loops=True, normalize=True
    n = x.shape[0]
    loop = jnp.arange(n, dtype=edge_index.dtype)
    row = jnp.concatenate([edge_index[0], loop])  # source
    col = jnp.concatenate([edge_index[1], loop])  # destination
    xw = x @ W
    deg = jnp.zeros((n,), dtype=xw.dtype).at[col].add(1.0)
    dinv = jnp.where(deg > 0, deg ** -0.5, 0.0)
    norm = dinv[row] * dinv[col]
    msg = xw[row] * norm[:, None]
    out = jnp.zeros((n, xw.shape[1]), dtype=xw.dtype).at[col].add(msg)
    return out + b


def _layer_norm(h, w, b, eps=1e-5):
    mu = h.mean(axis=-1, keepdims=True)
    var = h.var(axis=-1, keepdims=True)
    return (h - mu) / jnp.sqrt(var + eps) * w + b


def reference(node_features, edge_index, esn_state, W_gcn, b_gcn, ln_w, ln_b, W1, b1, W2, b2):
    h = jax.nn.relu(_gcn_conv(node_features, edge_index, W_gcn, b_gcn))
    h = _layer_norm(h, ln_w, ln_b)
    # global_add_pool with batch = zeros -> sum over all nodes, single graph
    g = h.sum(axis=0, keepdims=True)  # [1, HID]
    z = jnp.concatenate([g, esn_state], axis=1)  # [1, HID + RES]
    z = jax.nn.relu(z @ W1 + b1)
    logits = z @ W2 + b2
    return jax.nn.log_softmax(logits, axis=1)

if __name__ == "__main__":
    import jax
    _d = setup_inputs()
    print(jax.jit(kernel)(*tuple(_d.values())))

</pallas_src>

<mosaic_0001>
#map = affine_map<(d0, d1) -> (0, 0, 0)>
#map1 = affine_map<(d0, d1) -> (0)>
module attributes {stable_mosaic.version = 14 : i64} {
  func.func @k(%arg0: i32, %arg1: i32, %arg2: memref<2x12500x128xi32, #tpu.memory_space<hbm>>, %arg3: memref<100352xf32, #tpu.memory_space<hbm>>, %arg4: memref<2x16x100352xf32, #tpu.memory_space<hbm>>, %arg5: memref<39x128xi32, #tpu.memory_space<vmem>>, %arg6: memref<39x128xi32, #tpu.memory_space<vmem>>, %arg7: memref<100352xf32, #tpu.memory_space<vmem>>, %arg8: memref<!tpu.dma_semaphore, #tpu.memory_space<semaphore_mem>>, %arg9: memref<!tpu.dma_semaphore, #tpu.memory_space<semaphore_mem>>) attributes {dimension_semantics = [#tpu.dimension_semantics<core_parallel>, #tpu.dimension_semantics<subcore_parallel>], iteration_bounds = array<i64: 2, 16>, scalar_prefetch = 0 : i64, scratch_operands = 5 : i64, tpu.core_type = #tpu.core_type<sc_vector_subcore>, window_params = [{transform_indices = #map}, {transform_indices = #map1}, {transform_indices = #map}]} {
    %mul3A = arith.constant 2 : i32
    %mul3A_0 = arith.muli %arg1, %mul3A : i32
    %add3A = arith.addi %mul3A_0, %arg0 : i32
    %mul3A_1 = arith.constant 390 : i32
    %mul3A_2 = arith.muli %add3A, %mul3A_1 : i32
    %min3A = arith.constant 20 : i32
    %min3A_3 = arith.minsi %add3A, %min3A : i32
    %add3A_4 = arith.addi %mul3A_2, %min3A_3 : i32
    %lt3A = arith.constant 20 : i32
    %lt3A_5 = arith.cmpi slt, %add3A, %lt3A : i32
    %convert_element_type3A = arith.extui %lt3A_5 : i1 to i32
    %broadcast_in_dim3A = arith.constant 1.000000e+00 : f32
    %broadcast_in_dim3A_6 = vector.broadcast %broadcast_in_dim3A : f32 to vector<16xf32>
    "tpu.region"() ({
      %run_scoped3A = tpu.sem_alloc : memref<!tpu.dma_semaphore, #tpu.memory_space<semaphore_mem>>
      tpu.enqueue_dma source(%arg3 : memref<100352xf32, #tpu.memory_space<hbm>>) target(%arg7 : memref<100352xf32, #tpu.memory_space<vmem>>) target_semaphore(%run_scoped3A : memref<!tpu.dma_semaphore, #tpu.memory_space<semaphore_mem>>)
      tpu.wait_dma2 semaphore(%run_scoped3A : memref<!tpu.dma_semaphore, #tpu.memory_space<semaphore_mem>>) src(%arg3 : memref<100352xf32, #tpu.memory_space<hbm>>) dst(%arg7 : memref<100352xf32, #tpu.memory_space<vmem>>)
      tpu.yield
    }) : () -> ()
    %scan3A = arith.constant 0 : i32
    %scan3A_7 = arith.constant 5 : i32
    %scan3A_8 = arith.addi %scan3A, %scan3A_7 : i32
    %scan3A_9 = arith.constant 1 : i32
    scf.for %scan3A_30 = %scan3A to %scan3A_8 step %scan3A_9  : i32 {
      %mul3A_31 = arith.constant 1 : i32
      %mul3A_32 = arith.muli %scan3A_30, %mul3A_31 : i32
      %add3A_33 = arith.constant 0 : i32
      %add3A_34 = arith.addi %add3A_33, %mul3A_32 : i32
      %mul3A_35 = arith.constant 2 : i32
      %mul3A_36 = arith.muli %add3A_34, %mul3A_35 : i32
      %mul3A_37 = arith.constant 39 : i32
      %mul3A_38 = arith.muli %mul3A_36, %mul3A_37 : i32
      %add3A_39 = arith.addi %add3A_4, %mul3A_38 : i32
      %dma_start3A = arith.constant 1 : i32
      %dma_start3A_40 = arith.constant 0 : i32
      %dma_start3A_41 = tpu.memref_slice %arg2[%dma_start3A, %add3A_39, %dma_start3A_40] : memref<2x12500x128xi32, #tpu.memory_space<hbm>> -> memref<1x39x128xi32, #tpu.memory_space<hbm>>
      %dma_start3A_42 = tpu.memref_squeeze %dma_start3A_41 : memref<1x39x128xi32, #tpu.memory_space<hbm>> -> memref<39x128xi32, #tpu.memory_space<hbm>>
      %dma_start3A_43 = arith.constant 0 : i32
      %dma_start3A_44 = tpu.memref_slice %arg2[%dma_start3A, %add3A_39, %dma_start3A_43] : memref<2x12500x128xi32, #tpu.memory_space<hbm>> -> memref<1x39x128xi32, #tpu.memory_space<hbm>>
      %dma_start3A_45 = tpu.memref_squeeze %dma_start3A_44 : memref<1x39x128xi32, #tpu.memory_space<hbm>> -> memref<39x128xi32, #tpu.memory_space<hbm>>
      tpu.enqueue_dma source(%dma_start3A_45 : memref<39x128xi32, #tpu.memory_space<hbm>>) target(%arg5 : memref<39x128xi32, #tpu.memory_space<vmem>>) target_semaphore(%arg8 : memref<!tpu.dma_semaphore, #tpu.memory_space<semaphore_mem>>)
      %add3A_46 = arith.constant 39 : i32
      %add3A_47 = arith.addi %add3A_39, %add3A_46 : i32
      %dma_start3A_48 = arith.constant 1 : i32
      %dma_start3A_49 = arith.constant 0 : i32
      %dma_start3A_50 = tpu.memref_slice %arg2[%dma_start3A_48, %add3A_47, %dma_start3A_49] : memref<2x12500x128xi32, #tpu.memory_space<hbm>> -> memref<1x39x128xi32, #tpu.memory_space<hbm>>
      %dma_start3A_51 = tpu.memref_squeeze %dma_start3A_50 : memref<1x39x128xi32, #tpu.memory_space<hbm>> -> memref<39x128xi32, #tpu.memory_space<hbm>>
      %dma_start3A_52 = arith.constant 0 : i32
      %dma_start3A_53 = tpu.memref_slice %arg2[%dma_start3A_48, %add3A_47, %dma_start3A_52] : memref<2x12500x128xi32, #tpu.memory_space<hbm>> -> memref<1x39x128xi32, #tpu.memory_space<hbm>>
      %dma_start3A_54 = tpu.memref_squeeze %dma_start3A_53 : memref<1x39x128xi32, #tpu.memory_space<hbm>> -> memref<39x128xi32, #tpu.memory_space<hbm>>
      tpu.enqueue_dma source(%dma_start3A_54 : memref<39x128xi32, #tpu.memory_space<hbm>>) target(%arg6 : memref<39x128xi32, #tpu.memory_space<vmem>>) target_semaphore(%arg9 : memref<!tpu.dma_semaphore, #tpu.memory_space<semaphore_mem>>)
      %dma_wait3A = arith.constant 1 : i32
      %dma_wait3A_55 = arith.constant 0 : i32
      %dma_wait3A_56 = tpu.memref_slice %arg2[%dma_wait3A, %add3A_39, %dma_wait3A_55] : memref<2x12500x128xi32, #tpu.memory_space<hbm>> -> memref<1x39x128xi32, #tpu.memory_space<hbm>>
      %dma_wait3A_57 = tpu.memref_squeeze %dma_wait3A_56 : memref<1x39x128xi32, #tpu.memory_space<hbm>> -> memref<39x128xi32, #tpu.memory_space<hbm>>
      %dma_wait3A_58 = arith.constant 0 : i32
      %dma_wait3A_59 = tpu.memref_slice %arg2[%dma_wait3A, %add3A_39, %dma_wait3A_58] : memref<2x12500x128xi32, #tpu.memory_space<hbm>> -> memref<1x39x128xi32, #tpu.memory_space<hbm>>
      %dma_wait3A_60 = tpu.memref_squeeze %dma_wait3A_59 : memref<1x39x128xi32, #tpu.memory_space<hbm>> -> memref<39x128xi32, #tpu.memory_space<hbm>>
      tpu.wait_dma2 semaphore(%arg8 : memref<!tpu.dma_semaphore, #tpu.memory_space<semaphore_mem>>) src(%dma_wait3A_60 : memref<39x128xi32, #tpu.memory_space<hbm>>) dst(%arg5 : memref<39x128xi32, #tpu.memory_space<vmem>>)
      %scan3A_61 = arith.constant 0 : i32
      %scan3A_62 = arith.constant 39 : i32
      %scan3A_63 = arith.addi %scan3A_61, %scan3A_62 : i32
      %scan3A_64 = arith.constant 1 : i32
      scf.for %scan3A_78 = %scan3A_61 to %scan3A_63 step %scan3A_64  : i32 {
        %mul3A_79 = arith.constant 1 : i32
        %mul3A_80 = arith.muli %scan3A_78, %mul3A_79 : i32
        %add3A_81 = arith.constant 0 : i32
        %add3A_82 = arith.addi %add3A_81, %mul3A_80 : i32
        %get3A = arith.index_cast %add3A_82 : i32 to index
        %get3A_83 = arith.constant 0 : index
        %get3A_84 = tpu.vector_load %arg5[%get3A, %get3A_83] {strides = array<i32>} : memref<39x128xi32, #tpu.memory_space<vmem>>, vector<16xi32>,
        tpu.vector_store_idx %arg7[%get3A_84], %broadcast_in_dim3A_6 {add = true} : memref<100352xf32, #tpu.memory_space<vmem>>[vector<16xi32>], vector<16xf32>,
        %get3A_85 = arith.index_cast %add3A_82 : i32 to index
        %get3A_86 = arith.constant 16 : index
        %get3A_87 = tpu.vector_load %arg5[%get3A_85, %get3A_86] {strides = array<i32>} : memref<39x128xi32, #tpu.memory_space<vmem>>, vector<16xi32>,
        tpu.vector_store_idx %arg7[%get3A_87], %broadcast_in_dim3A_6 {add = true} : memref<100352xf32, #tpu.memory_space<vmem>>[vector<16xi32>], vector<16xf32>,
        %get3A_88 = arith.index_cast %add3A_82 : i32 to index
        %get3A_89 = arith.constant 32 : index
        %get3A_90 = tpu.vector_load %arg5[%get3A_88, %get3A_89] {strides = array<i32>} : memref<39x128xi32, #tpu.memory_space<vmem>>, vector<16xi32>,
        tpu.vector_store_idx %arg7[%get3A_90], %broadcast_in_dim3A_6 {add = true} : memref<100352xf32, #tpu.memory_space<vmem>>[vector<16xi32>], vector<16xf32>,
        %get3A_91 = arith.index_cast %add3A_82 : i32 to index
        %get3A_92 = arith.constant 48 : index
        %get3A_93 = tpu.vector_load %arg5[%get3A_91, %get3A_92] {strides = array<i32>} : memref<39x128xi32, #tpu.memory_space<vmem>>, vector<16xi32>,
        tpu.vector_store_idx %arg7[%get3A_93], %broadcast_in_dim3A_6 {add = true} : memref<100352xf32, #tpu.memory_space<vmem>>[vector<16xi32>], vector<16xf32>,
        %get3A_94 = arith.index_cast %add3A_82 : i32 to index
        %get3A_95 = arith.constant 64 : index
        %get3A_96 = tpu.vector_load %arg5[%get3A_94, %get3A_95] {strides = array<i32>} : memref<39x128xi32, #tpu.memory_space<vmem>>, vector<16xi32>,
        tpu.vector_store_idx %arg7[%get3A_96], %broadcast_in_dim3A_6 {add = true} : memref<100352xf32, #tpu.memory_space<vmem>>[vector<16xi32>], vector<16xf32>,
        %get3A_97 = arith.index_cast %add3A_82 : i32 to index
        %get3A_98 = arith.constant 80 : index
        %get3A_99 = tpu.vector_load %arg5[%get3A_97, %get3A_98] {strides = array<i32>} : memref<39x128xi32, #tpu.memory_space<vmem>>, vector<16xi32>,
        tpu.vector_store_idx %arg7[%get3A_99], %broadcast_in_dim3A_6 {add = true} : memref<100352xf32, #tpu.memory_space<vmem>>[vector<16xi32>], vector<16xf32>,
        %get3A_100 = arith.index_cast %add3A_82 : i32 to index
        %get3A_101 = arith.constant 96 : index
        %get3A_102 = tpu.vector_load %arg5[%get3A_100, %get3A_101] {strides = array<i32>} : memref<39x128xi32, #tpu.memory_space<vmem>>, vector<16xi32>,
        tpu.vector_store_idx %arg7[%get3A_102], %broadcast_in_dim3A_6 {add = true} : memref<100352xf32, #tpu.memory_space<vmem>>[vector<16xi32>], vector<16xf32>,
        %get3A_103 = arith.index_cast %add3A_82 : i32 to index
        %get3A_104 = arith.constant 112 : index
        %get3A_105 = tpu.vector_load %arg5[%get3A_103, %get3A_104] {strides = array<i32>} : memref<39x128xi32, #tpu.memory_space<vmem>>, vector<16xi32>,
        tpu.vector_store_idx %arg7[%get3A_105], %broadcast_in_dim3A_6 {add = true} : memref<100352xf32, #tpu.memory_space<vmem>>[vector<16xi32>], vector<16xf32>,
      }
      %scan3A_65 = arith.constant 39 : i32
      %dma_wait3A_66 = arith.constant 1 : i32
      %dma_wait3A_67 = arith.constant 0 : i32
      %dma_wait3A_68 = tpu.memref_slice %arg2[%dma_wait3A_66, %add3A_47, %dma_wait3A_67] : memref<2x12500x128xi32, #tpu.memory_space<hbm>> -> memref<1x39x128xi32, #tpu.memory_space<hbm>>
      %dma_wait3A_69 = tpu.memref_squeeze %dma_wait3A_68 : memref<1x39x128xi32, #tpu.memory_space<hbm>> -> memref<39x128xi32, #tpu.memory_space<hbm>>
      %dma_wait3A_70 = arith.constant 0 : i32
      %dma_wait3A_71 = tpu.memref_slice %arg2[%dma_wait3A_66, %add3A_47, %dma_wait3A_70] : memref<2x12500x128xi32, #tpu.memory_space<hbm>> -> memref<1x39x128xi32, #tpu.memory_space<hbm>>
      %dma_wait3A_72 = tpu.memref_squeeze %dma_wait3A_71 : memref<1x39x128xi32, #tpu.memory_space<hbm>> -> memref<39x128xi32, #tpu.memory_space<hbm>>
      tpu.wait_dma2 semaphore(%arg9 : memref<!tpu.dma_semaphore, #tpu.memory_space<semaphore_mem>>) src(%dma_wait3A_72 : memref<39x128xi32, #tpu.memory_space<hbm>>) dst(%arg6 : memref<39x128xi32, #tpu.memory_space<vmem>>)
      %scan3A_73 = arith.constant 0 : i32
      %scan3A_74 = arith.constant 39 : i32
      %scan3A_75 = arith.addi %scan3A_73, %scan3A_74 : i32
      %scan3A_76 = arith.constant 1 : i32
      scf.for %scan3A_78 = %scan3A_73 to %scan3A_75 step %scan3A_76  : i32 {
        %mul3A_79 = arith.constant 1 : i32
        %mul3A_80 = arith.muli %scan3A_78, %mul3A_79 : i32
        %add3A_81 = arith.constant 0 : i32
        %add3A_82 = arith.addi %add3A_81, %mul3A_80 : i32
        %get3A = arith.index_cast %add3A_82 : i32 to index
        %get3A_83 = arith.constant 0 : index
        %get3A_84 = tpu.vector_load %arg6[%get3A, %get3A_83] {strides = array<i32>} : memref<39x128xi32, #tpu.memory_space<vmem>>, vector<16xi32>,
        tpu.vector_store_idx %arg7[%get3A_84], %broadcast_in_dim3A_6 {add = true} : memref<100352xf32, #tpu.memory_space<vmem>>[vector<16xi32>], vector<16xf32>,
        %get3A_85 = arith.index_cast %add3A_82 : i32 to index
        %get3A_86 = arith.constant 16 : index
        %get3A_87 = tpu.vector_load %arg6[%get3A_85, %get3A_86] {strides = array<i32>} : memref<39x128xi32, #tpu.memory_space<vmem>>, vector<16xi32>,
        tpu.vector_store_idx %arg7[%get3A_87], %broadcast_in_dim3A_6 {add = true} : memref<100352xf32, #tpu.memory_space<vmem>>[vector<16xi32>], vector<16xf32>,
        %get3A_88 = arith.index_cast %add3A_82 : i32 to index
        %get3A_89 = arith.constant 32 : index
        %get3A_90 = tpu.vector_load %arg6[%get3A_88, %get3A_89] {strides = array<i32>} : memref<39x128xi32, #tpu.memory_space<vmem>>, vector<16xi32>,
        tpu.vector_store_idx %arg7[%get3A_90], %broadcast_in_dim3A_6 {add = true} : memref<100352xf32, #tpu.memory_space<vmem>>[vector<16xi32>], vector<16xf32>,
        %get3A_91 = arith.index_cast %add3A_82 : i32 to index
        %get3A_92 = arith.constant 48 : index
        %get3A_93 = tpu.vector_load %arg6[%get3A_91, %get3A_92] {strides = array<i32>} : memref<39x128xi32, #tpu.memory_space<vmem>>, vector<16xi32>,
        tpu.vector_store_idx %arg7[%get3A_93], %broadcast_in_dim3A_6 {add = true} : memref<100352xf32, #tpu.memory_space<vmem>>[vector<16xi32>], vector<16xf32>,
        %get3A_94 = arith.index_cast %add3A_82 : i32 to index
        %get3A_95 = arith.constant 64 : index
        %get3A_96 = tpu.vector_load %arg6[%get3A_94, %get3A_95] {strides = array<i32>} : memref<39x128xi32, #tpu.memory_space<vmem>>, vector<16xi32>,
        tpu.vector_store_idx %arg7[%get3A_96], %broadcast_in_dim3A_6 {add = true} : memref<100352xf32, #tpu.memory_space<vmem>>[vector<16xi32>], vector<16xf32>,
        %get3A_97 = arith.index_cast %add3A_82 : i32 to index
        %get3A_98 = arith.constant 80 : index
        %get3A_99 = tpu.vector_load %arg6[%get3A_97, %get3A_98] {strides = array<i32>} : memref<39x128xi32, #tpu.memory_space<vmem>>, vector<16xi32>,
        tpu.vector_store_idx %arg7[%get3A_99], %broadcast_in_dim3A_6 {add = true} : memref<100352xf32, #tpu.memory_space<vmem>>[vector<16xi32>], vector<16xf32>,
        %get3A_100 = arith.index_cast %add3A_82 : i32 to index
        %get3A_101 = arith.constant 96 : index
        %get3A_102 = tpu.vector_load %arg6[%get3A_100, %get3A_101] {strides = array<i32>} : memref<39x128xi32, #tpu.memory_space<vmem>>, vector<16xi32>,
        tpu.vector_store_idx %arg7[%get3A_102], %broadcast_in_dim3A_6 {add = true} : memref<100352xf32, #tpu.memory_space<vmem>>[vector<16xi32>], vector<16xf32>,
        %get3A_103 = arith.index_cast %add3A_82 : i32 to index
        %get3A_104 = arith.constant 112 : index
        %get3A_105 = tpu.vector_load %arg6[%get3A_103, %get3A_104] {strides = array<i32>} : memref<39x128xi32, #tpu.memory_space<vmem>>, vector<16xi32>,
        tpu.vector_store_idx %arg7[%get3A_105], %broadcast_in_dim3A_6 {add = true} : memref<100352xf32, #tpu.memory_space<vmem>>[vector<16xi32>], vector<16xf32>,
      }
      %scan3A_77 = arith.constant 39 : i32
    }
    %scan3A_10 = arith.constant 5 : i32
    %add3A_11 = arith.constant 390 : i32
    %add3A_12 = arith.addi %add3A_4, %add3A_11 : i32
    %add3A_13 = arith.constant 390 : i32
    %add3A_14 = arith.addi %add3A_4, %add3A_13 : i32
    %add3A_15 = arith.addi %add3A_14, %convert_element_type3A : i32
    %sub3A = arith.subi %add3A_15, %add3A_12 : i32
    %sub3A_16 = arith.constant 1 : i32
    %sub3A_17 = arith.constant 1 : i32
    %sub3A_18 = arith.subi %sub3A_16, %sub3A_17 : i32
    %add3A_19 = arith.addi %sub3A, %sub3A_18 : i32
    %div3A = arith.constant 1 : i32
    %div3A_20 = arith.divsi %add3A_19, %div3A : i32
    %while3A = arith.constant 1 : i32
    %while3A_21 = arith.constant 0 : i32
    %while3A_22 = arith.subi %div3A_20, %while3A_21 : i32
    %while3A_23 = arith.addi %while3A_21, %while3A_22 : i32
    %while3A_24 = arith.constant 1 : i32
    %while3A_25 = arith.divsi %while3A_22, %while3A_24 : i32
    %while3A_26 = arith.muli %while3A_25, %while3A_24 : i32
    %while3A_27 = arith.addi %while3A_21, %while3A_26 : i32
    %while3A_28 = arith.constant 1 : i32
    scf.for %while3A_30 = %while3A_21 to %while3A_27 step %while3A_28  : i32 {
      %mul3A_31 = arith.muli %while3A_30, %while3A : i32
      %add3A_32 = arith.addi %add3A_12, %mul3A_31 : i32
      %run_scoped3A = arith.constant 1 : i32
      "tpu.region"() ({
        %run_scoped3A_64 = tpu.sem_alloc : memref<!tpu.dma_semaphore, #tpu.memory_space<semaphore_mem>>
        %dma_start3A = arith.constant 0 : i32
        %dma_start3A_65 = arith.constant 0 : i32
        %dma_start3A_66 = tpu.memref_slice %arg5[%dma_start3A, %dma_start3A_65] : memref<39x128xi32, #tpu.memory_space<vmem>> -> memref<1x128xi32, #tpu.memory_space<vmem>>
        %dma_start3A_67 = arith.constant 0 : i32
        %dma_start3A_68 = tpu.memref_slice %arg2[%run_scoped3A, %add3A_32, %dma_start3A_67] : memref<2x12500x128xi32, #tpu.memory_space<hbm>> -> memref<1x1x128xi32, #tpu.memory_space<hbm>>
        %dma_start3A_69 = tpu.memref_squeeze %dma_start3A_68 : memref<1x1x128xi32, #tpu.memory_space<hbm>> -> memref<1x128xi32, #tpu.memory_space<hbm>>
        %dma_start3A_70 = arith.constant 0 : i32
        %dma_start3A_71 = arith.constant 0 : i32
        %dma_start3A_72 = tpu.memref_slice %arg5[%dma_start3A_70, %dma_start3A_71] : memref<39x128xi32, #tpu.memory_space<vmem>> -> memref<1x128xi32, #tpu.memory_space<vmem>>
        %dma_start3A_73 = arith.constant 0 : i32
        %dma_start3A_74 = tpu.memref_slice %arg2[%run_scoped3A, %add3A_32, %dma_start3A_73] : memref<2x12500x128xi32, #tpu.memory_space<hbm>> -> memref<1x1x128xi32, #tpu.memory_space<hbm>>
        %dma_start3A_75 = tpu.memref_squeeze %dma_start3A_74 : memref<1x1x128xi32, #tpu.memory_space<hbm>> -> memref<1x128xi32, #tpu.memory_space<hbm>>
        tpu.enqueue_dma source(%dma_start3A_75 : memref<1x128xi32, #tpu.memory_space<hbm>>) target(%dma_start3A_72 : memref<1x128xi32, #tpu.memory_space<vmem>>) target_semaphore(%run_scoped3A_64 : memref<!tpu.dma_semaphore, #tpu.memory_space<semaphore_mem>>)
        %dma_wait3A = arith.constant 0 : i32
        %dma_wait3A_76 = arith.constant 0 : i32
        %dma_wait3A_77 = tpu.memref_slice %arg5[%dma_wait3A, %dma_wait3A_76] : memref<39x128xi32, #tpu.memory_space<vmem>> -> memref<1x128xi32, #tpu.memory_space<vmem>>
        %dma_wait3A_78 = arith.constant 0 : i32
        %dma_wait3A_79 = tpu.memref_slice %arg2[%run_scoped3A, %add3A_32, %dma_wait3A_78] : memref<2x12500x128xi32, #tpu.memory_space<hbm>> -> memref<1x1x128xi32, #tpu.memory_space<hbm>>
        %dma_wait3A_80 = tpu.memref_squeeze %dma_wait3A_79 : memref<1x1x128xi32, #tpu.memory_space<hbm>> -> memref<1x128xi32, #tpu.memory_space<hbm>>
        %dma_wait3A_81 = arith.constant 0 : i32
        %dma_wait3A_82 = arith.constant 0 : i32
        %dma_wait3A_83 = tpu.memref_slice %arg5[%dma_wait3A_81, %dma_wait3A_82] : memref<39x128xi32, #tpu.memory_space<vmem>> -> memref<1x128xi32, #tpu.memory_space<vmem>>
        %dma_wait3A_84 = arith.constant 0 : i32
        %dma_wait3A_85 = tpu.memref_slice %arg2[%run_scoped3A, %add3A_32, %dma_wait3A_84] : memref<2x12500x128xi32, #tpu.memory_space<hbm>> -> memref<1x1x128xi32, #tpu.memory_space<hbm>>
        %dma_wait3A_86 = tpu.memref_squeeze %dma_wait3A_85 : memref<1x1x128xi32, #tpu.memory_space<hbm>> -> memref<1x128xi32, #tpu.memory_space<hbm>>
        tpu.wait_dma2 semaphore(%run_scoped3A_64 : memref<!tpu.dma_semaphore, #tpu.memory_space<semaphore_mem>>) src(%dma_wait3A_86 : memref<1x128xi32, #tpu.memory_space<hbm>>) dst(%dma_wait3A_83 : memref<1x128xi32, #tpu.memory_space<vmem>>)
        tpu.yield
      }) : () -> ()
      %get3A = arith.constant 0 : i32
      %get3A_33 = arith.index_cast %get3A : i32 to index
      %get3A_34 = arith.constant 0 : index
      %get3A_35 = tpu.vector_load %arg5[%get3A_33, %get3A_34] {strides = array<i32>} : memref<39x128xi32, #tpu.memory_space<vmem>>, vector<16xi32>,
      tpu.vector_store_idx %arg7[%get3A_35], %broadcast_in_dim3A_6 {add = true} : memref<100352xf32, #tpu.memory_space<vmem>>[vector<16xi32>], vector<16xf32>,
      %get3A_36 = arith.constant 0 : i32
      %get3A_37 = arith.index_cast %get3A_36 : i32 to index
      %get3A_38 = arith.constant 16 : index
      %get3A_39 = tpu.vector_load %arg5[%get3A_37, %get3A_38] {strides = array<i32>} : memref<39x128xi32, #tpu.memory_space<vmem>>, vector<16xi32>,
      tpu.vector_store_idx %arg7[%get3A_39], %broadcast_in_dim3A_6 {add = true} : memref<100352xf32, #tpu.memory_space<vmem>>[vector<16xi32>], vector<16xf32>,
      %get3A_40 = arith.constant 0 : i32
      %get3A_41 = arith.index_cast %get3A_40 : i32 to index
      %get3A_42 = arith.constant 32 : index
      %get3A_43 = tpu.vector_load %arg5[%get3A_41, %get3A_42] {strides = array<i32>} : memref<39x128xi32, #tpu.memory_space<vmem>>, vector<16xi32>,
      tpu.vector_store_idx %arg7[%get3A_43], %broadcast_in_dim3A_6 {add = true} : memref<100352xf32, #tpu.memory_space<vmem>>[vector<16xi32>], vector<16xf32>,
      %get3A_44 = arith.constant 0 : i32
      %get3A_45 = arith.index_cast %get3A_44 : i32 to index
      %get3A_46 = arith.constant 48 : index
      %get3A_47 = tpu.vector_load %arg5[%get3A_45, %get3A_46] {strides = array<i32>} : memref<39x128xi32, #tpu.memory_space<vmem>>, vector<16xi32>,
      tpu.vector_store_idx %arg7[%get3A_47], %broadcast_in_dim3A_6 {add = true} : memref<100352xf32, #tpu.memory_space<vmem>>[vector<16xi32>], vector<16xf32>,
      %get3A_48 = arith.constant 0 : i32
      %get3A_49 = arith.index_cast %get3A_48 : i32 to index
      %get3A_50 = arith.constant 64 : index
      %get3A_51 = tpu.vector_load %arg5[%get3A_49, %get3A_50] {strides = array<i32>} : memref<39x128xi32, #tpu.memory_space<vmem>>, vector<16xi32>,
      tpu.vector_store_idx %arg7[%get3A_51], %broadcast_in_dim3A_6 {add = true} : memref<100352xf32, #tpu.memory_space<vmem>>[vector<16xi32>], vector<16xf32>,
      %get3A_52 = arith.constant 0 : i32
      %get3A_53 = arith.index_cast %get3A_52 : i32 to index
      %get3A_54 = arith.constant 80 : index
      %get3A_55 = tpu.vector_load %arg5[%get3A_53, %get3A_54] {strides = array<i32>} : memref<39x128xi32, #tpu.memory_space<vmem>>, vector<16xi32>,
      tpu.vector_store_idx %arg7[%get3A_55], %broadcast_in_dim3A_6 {add = true} : memref<100352xf32, #tpu.memory_space<vmem>>[vector<16xi32>], vector<16xf32>,
      %get3A_56 = arith.constant 0 : i32
      %get3A_57 = arith.index_cast %get3A_56 : i32 to index
      %get3A_58 = arith.constant 96 : index
      %get3A_59 = tpu.vector_load %arg5[%get3A_57, %get3A_58] {strides = array<i32>} : memref<39x128xi32, #tpu.memory_space<vmem>>, vector<16xi32>,
      tpu.vector_store_idx %arg7[%get3A_59], %broadcast_in_dim3A_6 {add = true} : memref<100352xf32, #tpu.memory_space<vmem>>[vector<16xi32>], vector<16xf32>,
      %get3A_60 = arith.constant 0 : i32
      %get3A_61 = arith.index_cast %get3A_60 : i32 to index
      %get3A_62 = arith.constant 112 : index
      %get3A_63 = tpu.vector_load %arg5[%get3A_61, %get3A_62] {strides = array<i32>} : memref<39x128xi32, #tpu.memory_space<vmem>>, vector<16xi32>,
      tpu.vector_store_idx %arg7[%get3A_63], %broadcast_in_dim3A_6 {add = true} : memref<100352xf32, #tpu.memory_space<vmem>>[vector<16xi32>], vector<16xf32>,
    }
    %while3A_29 = arith.constant 1 : i32
    scf.for %while3A_30 = %while3A_27 to %while3A_23 step %while3A_29  : i32 {
      %mul3A_31 = arith.muli %while3A_30, %while3A : i32
      %add3A_32 = arith.addi %add3A_12, %mul3A_31 : i32
      %run_scoped3A = arith.constant 1 : i32
      "tpu.region"() ({
        %run_scoped3A_64 = tpu.sem_alloc : memref<!tpu.dma_semaphore, #tpu.memory_space<semaphore_mem>>
        %dma_start3A = arith.constant 0 : i32
        %dma_start3A_65 = arith.constant 0 : i32
        %dma_start3A_66 = tpu.memref_slice %arg5[%dma_start3A, %dma_start3A_65] : memref<39x128xi32, #tpu.memory_space<vmem>> -> memref<1x128xi32, #tpu.memory_space<vmem>>
        %dma_start3A_67 = arith.constant 0 : i32
        %dma_start3A_68 = tpu.memref_slice %arg2[%run_scoped3A, %add3A_32, %dma_start3A_67] : memref<2x12500x128xi32, #tpu.memory_space<hbm>> -> memref<1x1x128xi32, #tpu.memory_space<hbm>>
        %dma_start3A_69 = tpu.memref_squeeze %dma_start3A_68 : memref<1x1x128xi32, #tpu.memory_space<hbm>> -> memref<1x128xi32, #tpu.memory_space<hbm>>
        %dma_start3A_70 = arith.constant 0 : i32
        %dma_start3A_71 = arith.constant 0 : i32
        %dma_start3A_72 = tpu.memref_slice %arg5[%dma_start3A_70, %dma_start3A_71] : memref<39x128xi32, #tpu.memory_space<vmem>> -> memref<1x128xi32, #tpu.memory_space<vmem>>
        %dma_start3A_73 = arith.constant 0 : i32
        %dma_start3A_74 = tpu.memref_slice %arg2[%run_scoped3A, %add3A_32, %dma_start3A_73] : memref<2x12500x128xi32, #tpu.memory_space<hbm>> -> memref<1x1x128xi32, #tpu.memory_space<hbm>>
        %dma_start3A_75 = tpu.memref_squeeze %dma_start3A_74 : memref<1x1x128xi32, #tpu.memory_space<hbm>> -> memref<1x128xi32, #tpu.memory_space<hbm>>
        tpu.enqueue_dma source(%dma_start3A_75 : memref<1x128xi32, #tpu.memory_space<hbm>>) target(%dma_start3A_72 : memref<1x128xi32, #tpu.memory_space<vmem>>) target_semaphore(%run_scoped3A_64 : memref<!tpu.dma_semaphore, #tpu.memory_space<semaphore_mem>>)
        %dma_wait3A = arith.constant 0 : i32
        %dma_wait3A_76 = arith.constant 0 : i32
        %dma_wait3A_77 = tpu.memref_slice %arg5[%dma_wait3A, %dma_wait3A_76] : memref<39x128xi32, #tpu.memory_space<vmem>> -> memref<1x128xi32, #tpu.memory_space<vmem>>
        %dma_wait3A_78 = arith.constant 0 : i32
        %dma_wait3A_79 = tpu.memref_slice %arg2[%run_scoped3A, %add3A_32, %dma_wait3A_78] : memref<2x12500x128xi32, #tpu.memory_space<hbm>> -> memref<1x1x128xi32, #tpu.memory_space<hbm>>
        %dma_wait3A_80 = tpu.memref_squeeze %dma_wait3A_79 : memref<1x1x128xi32, #tpu.memory_space<hbm>> -> memref<1x128xi32, #tpu.memory_space<hbm>>
        %dma_wait3A_81 = arith.constant 0 : i32
        %dma_wait3A_82 = arith.constant 0 : i32
        %dma_wait3A_83 = tpu.memref_slice %arg5[%dma_wait3A_81, %dma_wait3A_82] : memref<39x128xi32, #tpu.memory_space<vmem>> -> memref<1x128xi32, #tpu.memory_space<vmem>>
        %dma_wait3A_84 = arith.constant 0 : i32
        %dma_wait3A_85 = tpu.memref_slice %arg2[%run_scoped3A, %add3A_32, %dma_wait3A_84] : memref<2x12500x128xi32, #tpu.memory_space<hbm>> -> memref<1x1x128xi32, #tpu.memory_space<hbm>>
        %dma_wait3A_86 = tpu.memref_squeeze %dma_wait3A_85 : memref<1x1x128xi32, #tpu.memory_space<hbm>> -> memref<1x128xi32, #tpu.memory_space<hbm>>
        tpu.wait_dma2 semaphore(%run_scoped3A_64 : memref<!tpu.dma_semaphore, #tpu.memory_space<semaphore_mem>>) src(%dma_wait3A_86 : memref<1x128xi32, #tpu.memory_space<hbm>>) dst(%dma_wait3A_83 : memref<1x128xi32, #tpu.memory_space<vmem>>)
        tpu.yield
      }) : () -> ()
      %get3A = arith.constant 0 : i32
      %get3A_33 = arith.index_cast %get3A : i32 to index
      %get3A_34 = arith.constant 0 : index
      %get3A_35 = tpu.vector_load %arg5[%get3A_33, %get3A_34] {strides = array<i32>} : memref<39x128xi32, #tpu.memory_space<vmem>>, vector<16xi32>,
      tpu.vector_store_idx %arg7[%get3A_35], %broadcast_in_dim3A_6 {add = true} : memref<100352xf32, #tpu.memory_space<vmem>>[vector<16xi32>], vector<16xf32>,
      %get3A_36 = arith.constant 0 : i32
      %get3A_37 = arith.index_cast %get3A_36 : i32 to index
      %get3A_38 = arith.constant 16 : index
      %get3A_39 = tpu.vector_load %arg5[%get3A_37, %get3A_38] {strides = array<i32>} : memref<39x128xi32, #tpu.memory_space<vmem>>, vector<16xi32>,
      tpu.vector_store_idx %arg7[%get3A_39], %broadcast_in_dim3A_6 {add = true} : memref<100352xf32, #tpu.memory_space<vmem>>[vector<16xi32>], vector<16xf32>,
      %get3A_40 = arith.constant 0 : i32
      %get3A_41 = arith.index_cast %get3A_40 : i32 to index
      %get3A_42 = arith.constant 32 : index
      %get3A_43 = tpu.vector_load %arg5[%get3A_41, %get3A_42] {strides = array<i32>} : memref<39x128xi32, #tpu.memory_space<vmem>>, vector<16xi32>,
      tpu.vector_store_idx %arg7[%get3A_43], %broadcast_in_dim3A_6 {add = true} : memref<100352xf32, #tpu.memory_space<vmem>>[vector<16xi32>], vector<16xf32>,
      %get3A_44 = arith.constant 0 : i32
      %get3A_45 = arith.index_cast %get3A_44 : i32 to index
      %get3A_46 = arith.constant 48 : index
      %get3A_47 = tpu.vector_load %arg5[%get3A_45, %get3A_46] {strides = array<i32>} : memref<39x128xi32, #tpu.memory_space<vmem>>, vector<16xi32>,
      tpu.vector_store_idx %arg7[%get3A_47], %broadcast_in_dim3A_6 {add = true} : memref<100352xf32, #tpu.memory_space<vmem>>[vector<16xi32>], vector<16xf32>,
      %get3A_48 = arith.constant 0 : i32
      %get3A_49 = arith.index_cast %get3A_48 : i32 to index
      %get3A_50 = arith.constant 64 : index
      %get3A_51 = tpu.vector_load %arg5[%get3A_49, %get3A_50] {strides = array<i32>} : memref<39x128xi32, #tpu.memory_space<vmem>>, vector<16xi32>,
      tpu.vector_store_idx %arg7[%get3A_51], %broadcast_in_dim3A_6 {add = true} : memref<100352xf32, #tpu.memory_space<vmem>>[vector<16xi32>], vector<16xf32>,
      %get3A_52 = arith.constant 0 : i32
      %get3A_53 = arith.index_cast %get3A_52 : i32 to index
      %get3A_54 = arith.constant 80 : index
      %get3A_55 = tpu.vector_load %arg5[%get3A_53, %get3A_54] {strides = array<i32>} : memref<39x128xi32, #tpu.memory_space<vmem>>, vector<16xi32>,
      tpu.vector_store_idx %arg7[%get3A_55], %broadcast_in_dim3A_6 {add = true} : memref<100352xf32, #tpu.memory_space<vmem>>[vector<16xi32>], vector<16xf32>,
      %get3A_56 = arith.constant 0 : i32
      %get3A_57 = arith.index_cast %get3A_56 : i32 to index
      %get3A_58 = arith.constant 96 : index
      %get3A_59 = tpu.vector_load %arg5[%get3A_57, %get3A_58] {strides = array<i32>} : memref<39x128xi32, #tpu.memory_space<vmem>>, vector<16xi32>,
      tpu.vector_store_idx %arg7[%get3A_59], %broadcast_in_dim3A_6 {add = true} : memref<100352xf32, #tpu.memory_space<vmem>>[vector<16xi32>], vector<16xf32>,
      %get3A_60 = arith.constant 0 : i32
      %get3A_61 = arith.index_cast %get3A_60 : i32 to index
      %get3A_62 = arith.constant 112 : index
      %get3A_63 = tpu.vector_load %arg5[%get3A_61, %get3A_62] {strides = array<i32>} : memref<39x128xi32, #tpu.memory_space<vmem>>, vector<16xi32>,
      tpu.vector_store_idx %arg7[%get3A_63], %broadcast_in_dim3A_6 {add = true} : memref<100352xf32, #tpu.memory_space<vmem>>[vector<16xi32>], vector<16xf32>,
    }
    "tpu.region"() ({
      %run_scoped3A = tpu.sem_alloc : memref<!tpu.dma_semaphore, #tpu.memory_space<semaphore_mem>>
      %dma_start3A = arith.constant 0 : i32
      %dma_start3A_30 = tpu.memref_slice %arg4[%arg0, %arg1, %dma_start3A] : memref<2x16x100352xf32, #tpu.memory_space<hbm>> -> memref<1x1x100352xf32, #tpu.memory_space<hbm>>
      %dma_start3A_31 = tpu.memref_squeeze %dma_start3A_30 : memref<1x1x100352xf32, #tpu.memory_space<hbm>> -> memref<100352xf32, #tpu.memory_space<hbm>>
      %dma_start3A_32 = arith.constant 0 : i32
      %dma_start3A_33 = tpu.memref_slice %arg4[%arg0, %arg1, %dma_start3A_32] : memref<2x16x100352xf32, #tpu.memory_space<hbm>> -> memref<1x1x100352xf32, #tpu.memory_space<hbm>>
      %dma_start3A_34 = tpu.memref_squeeze %dma_start3A_33 : memref<1x1x100352xf32, #tpu.memory_space<hbm>> -> memref<100352xf32, #tpu.memory_space<hbm>>
      tpu.enqueue_dma source(%arg7 : memref<100352xf32, #tpu.memory_space<vmem>>) target(%dma_start3A_34 : memref<100352xf32, #tpu.memory_space<hbm>>) target_semaphore(%run_scoped3A : memref<!tpu.dma_semaphore, #tpu.memory_space<semaphore_mem>>)
      %dma_wait3A = arith.constant 0 : i32
      %dma_wait3A_35 = tpu.memref_slice %arg4[%arg0, %arg1, %dma_wait3A] : memref<2x16x100352xf32, #tpu.memory_space<hbm>> -> memref<1x1x100352xf32, #tpu.memory_space<hbm>>
      %dma_wait3A_36 = tpu.memref_squeeze %dma_wait3A_35 : memref<1x1x100352xf32, #tpu.memory_space<hbm>> -> memref<100352xf32, #tpu.memory_space<hbm>>
      %dma_wait3A_37 = arith.constant 0 : i32
      %dma_wait3A_38 = tpu.memref_slice %arg4[%arg0, %arg1, %dma_wait3A_37] : memref<2x16x100352xf32, #tpu.memory_space<hbm>> -> memref<1x1x100352xf32, #tpu.memory_space<hbm>>
      %dma_wait3A_39 = tpu.memref_squeeze %dma_wait3A_38 : memref<1x1x100352xf32, #tpu.memory_space<hbm>> -> memref<100352xf32, #tpu.memory_space<hbm>>
      tpu.wait_dma2 semaphore(%run_scoped3A : memref<!tpu.dma_semaphore, #tpu.memory_space<semaphore_mem>>) src(%arg7 : memref<100352xf32, #tpu.memory_space<vmem>>) dst(%dma_wait3A_39 : memref<100352xf32, #tpu.memory_space<hbm>>)
      tpu.yield
    }) : () -> ()
    return
  }
}

#map = affine_map<(d0, d1) -> (0, 0, 0)>
#map1 = affine_map<(d0, d1) -> (0, 0)>
#map2 = affine_map<(d0, d1) -> (0)>
#map3 = affine_map<(d0, d1) -> (0, 0, 0, 0)>
module attributes {stable_mosaic.version = 14 : i64} {
  func.func @k(%arg0: i32, %arg1: i32, %arg2: memref<2x12500x128xi32, #tpu.memory_space<hbm>>, %arg3: memref<2x100352xf32, #tpu.memory_space<hbm>>, %arg4: memref<100352xf32, #tpu.memory_space<hbm>>, %arg5: memref<2x16x2x100352xf32, #tpu.memory_space<hbm>>, %arg6: memref<39x128xi32, #tpu.memory_space<vmem>>, %arg7: memref<39x128xi32, #tpu.memory_space<vmem>>, %arg8: memref<39x128xf32, #tpu.memory_space<vmem>>, %arg9: memref<39x128xi32, #tpu.memory_space<vmem>>, %arg10: memref<39x128xi32, #tpu.memory_space<vmem>>, %arg11: memref<39x128xf32, #tpu.memory_space<vmem>>, %arg12: memref<100352xf32, #tpu.memory_space<vmem>>, %arg13: memref<!tpu.dma_semaphore, #tpu.memory_space<semaphore_mem>>, %arg14: memref<!tpu.dma_semaphore, #tpu.memory_space<semaphore_mem>>) attributes {dimension_semantics = [#tpu.dimension_semantics<core_parallel>, #tpu.dimension_semantics<subcore_parallel>], iteration_bounds = array<i64: 2, 16>, scalar_prefetch = 0 : i64, scratch_operands = 9 : i64, tpu.core_type = #tpu.core_type<sc_vector_subcore>, window_params = [{transform_indices = #map}, {transform_indices = #map1}, {transform_indices = #map2}, {transform_indices = #map3}]} {
    %mul3A = arith.constant 2 : i32
    %mul3A_0 = arith.muli %arg1, %mul3A : i32
    %add3A = arith.addi %mul3A_0, %arg0 : i32
    %mul3A_1 = arith.constant 390 : i32
    %mul3A_2 = arith.muli %add3A, %mul3A_1 : i32
    %min3A = arith.constant 20 : i32
    %min3A_3 = arith.minsi %add3A, %min3A : i32
    %add3A_4 = arith.addi %mul3A_2, %min3A_3 : i32
    %lt3A = arith.constant 20 : i32
    %lt3A_5 = arith.cmpi slt, %add3A, %lt3A : i32
    %convert_element_type3A = arith.extui %lt3A_5 : i1 to i32
    "tpu.region"() ({
      %run_scoped3A_61 = tpu.sem_alloc : memref<!tpu.dma_semaphore, #tpu.memory_space<semaphore_mem>>
      tpu.enqueue_dma source(%arg4 : memref<100352xf32, #tpu.memory_space<hbm>>) target(%arg12 : memref<100352xf32, #tpu.memory_space<vmem>>) target_semaphore(%run_scoped3A_61 : memref<!tpu.dma_semaphore, #tpu.memory_space<semaphore_mem>>)
      tpu.wait_dma2 semaphore(%run_scoped3A_61 : memref<!tpu.dma_semaphore, #tpu.memory_space<semaphore_mem>>) src(%arg4 : memref<100352xf32, #tpu.memory_space<hbm>>) dst(%arg12 : memref<100352xf32, #tpu.memory_space<vmem>>)
      tpu.yield
    }) : () -> ()
    %scan3A = arith.constant 0 : i32
    %scan3A_6 = arith.constant 0 : i32
    %scan3A_7 = arith.constant 5 : i32
    %scan3A_8 = arith.addi %scan3A_6, %scan3A_7 : i32
    %scan3A_9 = arith.constant 1 : i32
    scf.for %scan3A_61 = %scan3A_6 to %scan3A_8 step %scan3A_9  : i32 {
      %mul3A_62 = arith.constant 1 : i32
      %mul3A_63 = arith.muli %scan3A_61, %mul3A_62 : i32
      %add3A_64 = arith.constant 0 : i32
      %add3A_65 = arith.addi %add3A_64, %mul3A_63 : i32
      %mul3A_66 = arith.constant 2 : i32
      %mul3A_67 = arith.muli %add3A_65, %mul3A_66 : i32
      %mul3A_68 = arith.constant 39 : i32
      %mul3A_69 = arith.muli %mul3A_67, %mul3A_68 : i32
      %add3A_70 = arith.addi %add3A_4, %mul3A_69 : i32
      %run_scoped3A_71 = arith.constant 0 : i32
      "tpu.region"() ({
        %run_scoped3A_109 = tpu.sem_alloc : memref<!tpu.dma_semaphore, #tpu.memory_space<semaphore_mem>>
        %dma_start3A = arith.constant 0 : i32
        %dma_start3A_110 = tpu.memref_slice %arg2[%run_scoped3A_71, %add3A_70, %dma_start3A] : memref<2x12500x128xi32, #tpu.memory_space<hbm>> -> memref<1x39x128xi32, #tpu.memory_space<hbm>>
        %dma_start3A_111 = tpu.memref_squeeze %dma_start3A_110 : memref<1x39x128xi32, #tpu.memory_space<hbm>> -> memref<39x128xi32, #tpu.memory_space<hbm>>
        %dma_start3A_112 = arith.constant 0 : i32
        %dma_start3A_113 = tpu.memref_slice %arg2[%run_scoped3A_71, %add3A_70, %dma_start3A_112] : memref<2x12500x128xi32, #tpu.memory_space<hbm>> -> memref<1x39x128xi32, #tpu.memory_space<hbm>>
        %dma_start3A_114 = tpu.memref_squeeze %dma_start3A_113 : memref<1x39x128xi32, #tpu.memory_space<hbm>> -> memref<39x128xi32, #tpu.memory_space<hbm>>
        tpu.enqueue_dma source(%dma_start3A_114 : memref<39x128xi32, #tpu.memory_space<hbm>>) target(%arg6 : memref<39x128xi32, #tpu.memory_space<vmem>>) target_semaphore(%run_scoped3A_109 : memref<!tpu.dma_semaphore, #tpu.memory_space<semaphore_mem>>)
        %dma_wait3A = arith.constant 0 : i32
        %dma_wait3A_115 = tpu.memref_slice %arg2[%run_scoped3A_71, %add3A_70, %dma_wait3A] : memref<2x12500x128xi32, #tpu.memory_space<hbm>> -> memref<1x39x128xi32, #tpu.memory_space<hbm>>
        %dma_wait3A_116 = tpu.memref_squeeze %dma_wait3A_115 : memref<1x39x128xi32, #tpu.memory_space<hbm>> -> memref<39x128xi32, #tpu.memory_space<hbm>>
        %dma_wait3A_117 = arith.constant 0 : i32
        %dma_wait3A_118 = tpu.memref_slice %arg2[%run_scoped3A_71, %add3A_70, %dma_wait3A_117] : memref<2x12500x128xi32, #tpu.memory_space<hbm>> -> memref<1x39x128xi32, #tpu.memory_space<hbm>>
        %dma_wait3A_119 = tpu.memref_squeeze %dma_wait3A_118 : memref<1x39x128xi32, #tpu.memory_space<hbm>> -> memref<39x128xi32, #tpu.memory_space<hbm>>
        tpu.wait_dma2 semaphore(%run_scoped3A_109 : memref<!tpu.dma_semaphore, #tpu.memory_space<semaphore_mem>>) src(%dma_wait3A_119 : memref<39x128xi32, #tpu.memory_space<hbm>>) dst(%arg6 : memref<39x128xi32, #tpu.memory_space<vmem>>)
        tpu.yield
      }) : () -> ()
      %run_scoped3A_72 = arith.constant 1 : i32
      "tpu.region"() ({
        %run_scoped3A_109 = tpu.sem_alloc : memref<!tpu.dma_semaphore, #tpu.memory_space<semaphore_mem>>
        %dma_start3A = arith.constant 0 : i32
        %dma_start3A_110 = tpu.memref_slice %arg2[%run_scoped3A_72, %add3A_70, %dma_start3A] : memref<2x12500x128xi32, #tpu.memory_space<hbm>> -> memref<1x39x128xi32, #tpu.memory_space<hbm>>
        %dma_start3A_111 = tpu.memref_squeeze %dma_start3A_110 : memref<1x39x128xi32, #tpu.memory_space<hbm>> -> memref<39x128xi32, #tpu.memory_space<hbm>>
        %dma_start3A_112 = arith.constant 0 : i32
        %dma_start3A_113 = tpu.memref_slice %arg2[%run_scoped3A_72, %add3A_70, %dma_start3A_112] : memref<2x12500x128xi32, #tpu.memory_space<hbm>> -> memref<1x39x128xi32, #tpu.memory_space<hbm>>
        %dma_start3A_114 = tpu.memref_squeeze %dma_start3A_113 : memref<1x39x128xi32, #tpu.memory_space<hbm>> -> memref<39x128xi32, #tpu.memory_space<hbm>>
        tpu.enqueue_dma source(%dma_start3A_114 : memref<39x128xi32, #tpu.memory_space<hbm>>) target(%arg7 : memref<39x128xi32, #tpu.memory_space<vmem>>) target_semaphore(%run_scoped3A_109 : memref<!tpu.dma_semaphore, #tpu.memory_space<semaphore_mem>>)
        %dma_wait3A = arith.constant 0 : i32
        %dma_wait3A_115 = tpu.memref_slice %arg2[%run_scoped3A_72, %add3A_70, %dma_wait3A] : memref<2x12500x128xi32, #tpu.memory_space<hbm>> -> memref<1x39x128xi32, #tpu.memory_space<hbm>>
        %dma_wait3A_116 = tpu.memref_squeeze %dma_wait3A_115 : memref<1x39x128xi32, #tpu.memory_space<hbm>> -> memref<39x128xi32, #tpu.memory_space<hbm>>
        %dma_wait3A_117 = arith.constant 0 : i32
        %dma_wait3A_118 = tpu.memref_slice %arg2[%run_scoped3A_72, %add3A_70, %dma_wait3A_117] : memref<2x12500x128xi32, #tpu.memory_space<hbm>> -> memref<1x39x128xi32, #tpu.memory_space<hbm>>
        %dma_wait3A_119 = tpu.memref_squeeze %dma_wait3A_118 : memref<1x39x128xi32, #tpu.memory_space<hbm>> -> memref<39x128xi32, #tpu.memory_space<hbm>>
        tpu.wait_dma2 semaphore(%run_scoped3A_109 : memref<!tpu.dma_semaphore, #tpu.memory_space<semaphore_mem>>) src(%dma_wait3A_119 : memref<39x128xi32, #tpu.memory_space<hbm>>) dst(%arg7 : memref<39x128xi32, #tpu.memory_space<vmem>>)
        tpu.yield
      }) : () -> ()
      %scan3A_73 = arith.constant 0 : i32
      %scan3A_74 = arith.constant 39 : i32
      %scan3A_75 = arith.addi %scan3A_73, %scan3A_74 : i32
      %scan3A_76 = arith.constant 1 : i32
      scf.for %scan3A_109 = %scan3A_73 to %scan3A_75 step %scan3A_76  : i32 {
        %mul3A_110 = arith.constant 1 : i32
        %mul3A_111 = arith.muli %scan3A_109, %mul3A_110 : i32
        %add3A_112 = arith.constant 0 : i32
        %add3A_113 = arith.addi %add3A_112, %mul3A_111 : i32
        %dma_start3A = arith.constant 0 : i32
        %dma_start3A_114 = tpu.memref_slice %arg8[%add3A_113, %dma_start3A] : memref<39x128xf32, #tpu.memory_space<vmem>> -> memref<1x128xf32, #tpu.memory_space<vmem>>
        %dma_start3A_115 = tpu.memref_squeeze %dma_start3A_114 : memref<1x128xf32, #tpu.memory_space<vmem>> -> memref<128xf32, #tpu.memory_space<vmem>>
        %dma_start3A_116 = arith.constant 0 : i32
        %dma_start3A_117 = tpu.memref_slice %arg6[%add3A_113, %dma_start3A_116] : memref<39x128xi32, #tpu.memory_space<vmem>> -> memref<1x128xi32, #tpu.memory_space<vmem>>
        %dma_start3A_118 = tpu.memref_squeeze %dma_start3A_117 : memref<1x128xi32, #tpu.memory_space<vmem>> -> memref<128xi32, #tpu.memory_space<vmem>>
        %dma_start3A_119 = arith.constant 0 : i32
        %dma_start3A_120 = tpu.memref_slice %arg3[%scan3A, %dma_start3A_119] : memref<2x100352xf32, #tpu.memory_space<hbm>> -> memref<1x100352xf32, #tpu.memory_space<hbm>>
        %dma_start3A_121 = tpu.memref_squeeze %dma_start3A_120 : memref<1x100352xf32, #tpu.memory_space<hbm>> -> memref<100352xf32, #tpu.memory_space<hbm>>
        %dma_start3A_122 = arith.constant 0 : i32
        %dma_start3A_123 = tpu.memref_slice %dma_start3A_121[%dma_start3A_122] : memref<100352xf32, #tpu.memory_space<hbm>> -> memref<100352xf32, #tpu.memory_space<hbm>>
        tpu.enqueue_indirect_dma source(%dma_start3A_123 : memref<100352xf32, #tpu.memory_space<hbm>>) target(%dma_start3A_115 : memref<128xf32, #tpu.memory_space<vmem>>) offsets(%dma_start3A_118 : memref<128xi32, #tpu.memory_space<vmem>>) semaphore(%arg13 : memref<!tpu.dma_semaphore, #tpu.memory_space<semaphore_mem>>)
      }
      %scan3A_77 = arith.constant 39 : i32
      %add3A_78 = arith.constant 39 : i32
      %add3A_79 = arith.addi %add3A_70, %add3A_78 : i32
      %run_scoped3A_80 = arith.constant 0 : i32
      "tpu.region"() ({
        %run_scoped3A_109 = tpu.sem_alloc : memref<!tpu.dma_semaphore, #tpu.memory_space<semaphore_mem>>
        %dma_start3A = arith.constant 0 : i32
        %dma_start3A_110 = tpu.memref_slice %arg2[%run_scoped3A_80, %add3A_79, %dma_start3A] : memref<2x12500x128xi32, #tpu.memory_space<hbm>> -> memref<1x39x128xi32, #tpu.memory_space<hbm>>
        %dma_start3A_111 = tpu.memref_squeeze %dma_start3A_110 : memref<1x39x128xi32, #tpu.memory_space<hbm>> -> memref<39x128xi32, #tpu.memory_space<hbm>>
        %dma_start3A_112 = arith.constant 0 : i32
        %dma_start3A_113 = tpu.memref_slice %arg2[%run_scoped3A_80, %add3A_79, %dma_start3A_112] : memref<2x12500x128xi32, #tpu.memory_space<hbm>> -> memref<1x39x128xi32, #tpu.memory_space<hbm>>
        %dma_start3A_114 = tpu.memref_squeeze %dma_start3A_113 : memref<1x39x128xi32, #tpu.memory_space<hbm>> -> memref<39x128xi32, #tpu.memory_space<hbm>>
        tpu.enqueue_dma source(%dma_start3A_114 : memref<39x128xi32, #tpu.memory_space<hbm>>) target(%arg9 : memref<39x128xi32, #tpu.memory_space<vmem>>) target_semaphore(%run_scoped3A_109 : memref<!tpu.dma_semaphore, #tpu.memory_space<semaphore_mem>>)
        %dma_wait3A = arith.constant 0 : i32
        %dma_wait3A_115 = tpu.memref_slice %arg2[%run_scoped3A_80, %add3A_79, %dma_wait3A] : memref<2x12500x128xi32, #tpu.memory_space<hbm>> -> memref<1x39x128xi32, #tpu.memory_space<hbm>>
        %dma_wait3A_116 = tpu.memref_squeeze %dma_wait3A_115 : memref<1x39x128xi32, #tpu.memory_space<hbm>> -> memref<39x128xi32, #tpu.memory_space<hbm>>
        %dma_wait3A_117 = arith.constant 0 : i32
        %dma_wait3A_118 = tpu.memref_slice %arg2[%run_scoped3A_80, %add3A_79, %dma_wait3A_117] : memref<2x12500x128xi32, #tpu.memory_space<hbm>> -> memref<1x39x128xi32, #tpu.memory_space<hbm>>
        %dma_wait3A_119 = tpu.memref_squeeze %dma_wait3A_118 : memref<1x39x128xi32, #tpu.memory_space<hbm>> -> memref<39x128xi32, #tpu.memory_space<hbm>>
        tpu.wait_dma2 semaphore(%run_scoped3A_109 : memref<!tpu.dma_semaphore, #tpu.memory_space<semaphore_mem>>) src(%dma_wait3A_119 : memref<39x128xi32, #tpu.memory_space<hbm>>) dst(%arg9 : memref<39x128xi32, #tpu.memory_space<vmem>>)
        tpu.yield
      }) : () -> ()
      %add3A_81 = arith.constant 39 : i32
      %add3A_82 = arith.addi %add3A_70, %add3A_81 : i32
      %run_scoped3A_83 = arith.constant 1 : i32
      "tpu.region"() ({
        %run_scoped3A_109 = tpu.sem_alloc : memref<!tpu.dma_semaphore, #tpu.memory_space<semaphore_mem>>
        %dma_start3A = arith.constant 0 : i32
        %dma_start3A_110 = tpu.memref_slice %arg2[%run_scoped3A_83, %add3A_82, %dma_start3A] : memref<2x12500x128xi32, #tpu.memory_space<hbm>> -> memref<1x39x128xi32, #tpu.memory_space<hbm>>
        %dma_start3A_111 = tpu.memref_squeeze %dma_start3A_110 : memref<1x39x128xi32, #tpu.memory_space<hbm>> -> memref<39x128xi32, #tpu.memory_space<hbm>>
        %dma_start3A_112 = arith.constant 0 : i32
        %dma_start3A_113 = tpu.memref_slice %arg2[%run_scoped3A_83, %add3A_82, %dma_start3A_112] : memref<2x12500x128xi32, #tpu.memory_space<hbm>> -> memref<1x39x128xi32, #tpu.memory_space<hbm>>
        %dma_start3A_114 = tpu.memref_squeeze %dma_start3A_113 : memref<1x39x128xi32, #tpu.memory_space<hbm>> -> memref<39x128xi32, #tpu.memory_space<hbm>>
        tpu.enqueue_dma source(%dma_start3A_114 : memref<39x128xi32, #tpu.memory_space<hbm>>) target(%arg10 : memref<39x128xi32, #tpu.memory_space<vmem>>) target_semaphore(%run_scoped3A_109 : memref<!tpu.dma_semaphore, #tpu.memory_space<semaphore_mem>>)
        %dma_wait3A = arith.constant 0 : i32
        %dma_wait3A_115 = tpu.memref_slice %arg2[%run_scoped3A_83, %add3A_82, %dma_wait3A] : memref<2x12500x128xi32, #tpu.memory_space<hbm>> -> memref<1x39x128xi32, #tpu.memory_space<hbm>>
        %dma_wait3A_116 = tpu.memref_squeeze %dma_wait3A_115 : memref<1x39x128xi32, #tpu.memory_space<hbm>> -> memref<39x128xi32, #tpu.memory_space<hbm>>
        %dma_wait3A_117 = arith.constant 0 : i32
        %dma_wait3A_118 = tpu.memref_slice %arg2[%run_scoped3A_83, %add3A_82, %dma_wait3A_117] : memref<2x12500x128xi32, #tpu.memory_space<hbm>> -> memref<1x39x128xi32, #tpu.memory_space<hbm>>
        %dma_wait3A_119 = tpu.memref_squeeze %dma_wait3A_118 : memref<1x39x128xi32, #tpu.memory_space<hbm>> -> memref<39x128xi32, #tpu.memory_space<hbm>>
        tpu.wait_dma2 semaphore(%run_scoped3A_109 : memref<!tpu.dma_semaphore, #tpu.memory_space<semaphore_mem>>) src(%dma_wait3A_119 : memref<39x128xi32, #tpu.memory_space<hbm>>) dst(%arg10 : memref<39x128xi32, #tpu.memory_space<vmem>>)
        tpu.yield
      }) : () -> ()
      %scan3A_84 = arith.constant 0 : i32
      %scan3A_85 = arith.constant 39 : i32
      %scan3A_86 = arith.addi %scan3A_84, %scan3A_85 : i32
      %scan3A_87 = arith.constant 1 : i32
      scf.for %scan3A_109 = %scan3A_84 to %scan3A_86 step %scan3A_87  : i32 {
        %mul3A_110 = arith.constant 1 : i32
        %mul3A_111 = arith.muli %scan3A_109, %mul3A_110 : i32
        %add3A_112 = arith.constant 0 : i32
        %add3A_113 = arith.addi %add3A_112, %mul3A_111 : i32
        %dma_start3A = arith.constant 0 : i32
        %dma_start3A_114 = tpu.memref_slice %arg11[%add3A_113, %dma_start3A] : memref<39x128xf32, #tpu.memory_space<vmem>> -> memref<1x128xf32, #tpu.memory_space<vmem>>
        %dma_start3A_115 = tpu.memref_squeeze %dma_start3A_114 : memref<1x128xf32, #tpu.memory_space<vmem>> -> memref<128xf32, #tpu.memory_space<vmem>>
        %dma_start3A_116 = arith.constant 0 : i32
        %dma_start3A_117 = tpu.memref_slice %arg9[%add3A_113, %dma_start3A_116] : memref<39x128xi32, #tpu.memory_space<vmem>> -> memref<1x128xi32, #tpu.memory_space<vmem>>
        %dma_start3A_118 = tpu.memref_squeeze %dma_start3A_117 : memref<1x128xi32, #tpu.memory_space<vmem>> -> memref<128xi32, #tpu.memory_space<vmem>>
        %dma_start3A_119 = arith.constant 0 : i32
        %dma_start3A_120 = tpu.memref_slice %arg3[%scan3A, %dma_start3A_119] : memref<2x100352xf32, #tpu.memory_space<hbm>> -> memref<1x100352xf32, #tpu.memory_space<hbm>>
        %dma_start3A_121 = tpu.memref_squeeze %dma_start3A_120 : memref<1x100352xf32, #tpu.memory_space<hbm>> -> memref<100352xf32, #tpu.memory_space<hbm>>
        %dma_start3A_122 = arith.constant 0 : i32
        %dma_start3A_123 = tpu.memref_slice %dma_start3A_121[%dma_start3A_122] : memref<100352xf32, #tpu.memory_space<hbm>> -> memref<100352xf32, #tpu.memory_space<hbm>>
        tpu.enqueue_indirect_dma source(%dma_start3A_123 : memref<100352xf32, #tpu.memory_space<hbm>>) target(%dma_start3A_115 : memref<128xf32, #tpu.memory_space<vmem>>) offsets(%dma_start3A_118 : memref<128xi32, #tpu.memory_space<vmem>>) semaphore(%arg14 : memref<!tpu.dma_semaphore, #tpu.memory_space<semaphore_mem>>)
      }
      %scan3A_88 = arith.constant 39 : i32
      %scan3A_89 = arith.constant 0 : i32
      %scan3A_90 = arith.constant 39 : i32
      %scan3A_91 = arith.addi %scan3A_89, %scan3A_90 : i32
      %scan3A_92 = arith.constant 1 : i32
      scf.for %scan3A_109 = %scan3A_89 to %scan3A_91 step %scan3A_92  : i32 {
        %mul3A_110 = arith.constant 1 : i32
        %mul3A_111 = arith.muli %scan3A_109, %mul3A_110 : i32
        %add3A_112 = arith.constant 0 : i32
        %add3A_113 = arith.addi %add3A_112, %mul3A_111 : i32
        %dma_wait3A = arith.constant 0 : i32
        %dma_wait3A_114 = tpu.memref_slice %arg8[%add3A_113, %dma_wait3A] : memref<39x128xf32, #tpu.memory_space<vmem>> -> memref<1x128xf32, #tpu.memory_space<vmem>>
        %dma_wait3A_115 = tpu.memref_squeeze %dma_wait3A_114 : memref<1x128xf32, #tpu.memory_space<vmem>> -> memref<128xf32, #tpu.memory_space<vmem>>
        %dma_wait3A_116 = arith.constant 0 : i32
        %dma_wait3A_117 = tpu.memref_slice %arg6[%add3A_113, %dma_wait3A_116] : memref<39x128xi32, #tpu.memory_space<vmem>> -> memref<1x128xi32, #tpu.memory_space<vmem>>
        %dma_wait3A_118 = tpu.memref_squeeze %dma_wait3A_117 : memref<1x128xi32, #tpu.memory_space<vmem>> -> memref<128xi32, #tpu.memory_space<vmem>>
        %dma_wait3A_119 = arith.constant 0 : i32
        %dma_wait3A_120 = tpu.memref_slice %arg3[%scan3A, %dma_wait3A_119] : memref<2x100352xf32, #tpu.memory_space<hbm>> -> memref<1x100352xf32, #tpu.memory_space<hbm>>
        %dma_wait3A_121 = tpu.memref_squeeze %dma_wait3A_120 : memref<1x100352xf32, #tpu.memory_space<hbm>> -> memref<100352xf32, #tpu.memory_space<hbm>>
        %dma_wait3A_122 = arith.constant 0 : i32
        %dma_wait3A_123 = tpu.memref_slice %dma_wait3A_121[%dma_wait3A_122] : memref<100352xf32, #tpu.memory_space<hbm>> -> memref<100352xf32, #tpu.memory_space<hbm>>
        tpu.wait_indirect_dma semaphore(%arg13 : memref<!tpu.dma_semaphore, #tpu.memory_space<semaphore_mem>>) src(%dma_wait3A_123 : memref<100352xf32, #tpu.memory_space<hbm>>) dst(%dma_wait3A_115 : memref<128xf32, #tpu.memory_space<vmem>>)
      }
      %scan3A_93 = arith.constant 39 : i32
      %scan3A_94 = arith.constant 0 : i32
      %scan3A_95 = arith.constant 39 : i32
      %scan3A_96 = arith.addi %scan3A_94, %scan3A_95 : i32
      %scan3A_97 = arith.constant 1 : i32
      scf.for %scan3A_109 = %scan3A_94 to %scan3A_96 step %scan3A_97  : i32 {
        %mul3A_110 = arith.constant 1 : i32
        %mul3A_111 = arith.muli %scan3A_109, %mul3A_110 : i32
        %add3A_112 = arith.constant 0 : i32
        %add3A_113 = arith.addi %add3A_112, %mul3A_111 : i32
        %get3A = arith.index_cast %add3A_113 : i32 to index
        %get3A_114 = arith.constant 0 : index
        %get3A_115 = tpu.vector_load %arg7[%get3A, %get3A_114] {strides = array<i32>} : memref<39x128xi32, #tpu.memory_space<vmem>>, vector<16xi32>,
        %get3A_116 = arith.index_cast %add3A_113 : i32 to index
        %get3A_117 = arith.constant 0 : index
        %get3A_118 = tpu.vector_load %arg8[%get3A_116, %get3A_117] {strides = array<i32>} : memref<39x128xf32, #tpu.memory_space<vmem>>, vector<16xf32>,
        tpu.vector_store_idx %arg12[%get3A_115], %get3A_118 {add = true} : memref<100352xf32, #tpu.memory_space<vmem>>[vector<16xi32>], vector<16xf32>,
        %get3A_119 = arith.index_cast %add3A_113 : i32 to index
        %get3A_120 = arith.constant 16 : index
        %get3A_121 = tpu.vector_load %arg7[%get3A_119, %get3A_120] {strides = array<i32>} : memref<39x128xi32, #tpu.memory_space<vmem>>, vector<16xi32>,
        %get3A_122 = arith.index_cast %add3A_113 : i32 to index
        %get3A_123 = arith.constant 16 : index
        %get3A_124 = tpu.vector_load %arg8[%get3A_122, %get3A_123] {strides = array<i32>} : memref<39x128xf32, #tpu.memory_space<vmem>>, vector<16xf32>,
        tpu.vector_store_idx %arg12[%get3A_121], %get3A_124 {add = true} : memref<100352xf32, #tpu.memory_space<vmem>>[vector<16xi32>], vector<16xf32>,
        %get3A_125 = arith.index_cast %add3A_113 : i32 to index
        %get3A_126 = arith.constant 32 : index
        %get3A_127 = tpu.vector_load %arg7[%get3A_125, %get3A_126] {strides = array<i32>} : memref<39x128xi32, #tpu.memory_space<vmem>>, vector<16xi32>,
        %get3A_128 = arith.index_cast %add3A_113 : i32 to index
        %get3A_129 = arith.constant 32 : index
        %get3A_130 = tpu.vector_load %arg8[%get3A_128, %get3A_129] {strides = array<i32>} : memref<39x128xf32, #tpu.memory_space<vmem>>, vector<16xf32>,
        tpu.vector_store_idx %arg12[%get3A_127], %get3A_130 {add = true} : memref<100352xf32, #tpu.memory_space<vmem>>[vector<16xi32>], vector<16xf32>,
        %get3A_131 = arith.index_cast %add3A_113 : i32 to index
        %get3A_132 = arith.constant 48 : index
        %get3A_133 = tpu.vector_load %arg7[%get3A_131, %get3A_132] {strides = array<i32>} : memref<39x128xi32, #tpu.memory_space<vmem>>, vector<16xi32>,
        %get3A_134 = arith.index_cast %add3A_113 : i32 to index
        %get3A_135 = arith.constant 48 : index
        %get3A_136 = tpu.vector_load %arg8[%get3A_134, %get3A_135] {strides = array<i32>} : memref<39x128xf32, #tpu.memory_space<vmem>>, vector<16xf32>,
        tpu.vector_store_idx %arg12[%get3A_133], %get3A_136 {add = true} : memref<100352xf32, #tpu.memory_space<vmem>>[vector<16xi32>], vector<16xf32>,
        %get3A_137 = arith.index_cast %add3A_113 : i32 to index
        %get3A_138 = arith.constant 64 : index
        %get3A_139 = tpu.vector_load %arg7[%get3A_137, %get3A_138] {strides = array<i32>} : memref<39x128xi32, #tpu.memory_space<vmem>>, vector<16xi32>,
        %get3A_140 = arith.index_cast %add3A_113 : i32 to index
        %get3A_141 = arith.constant 64 : index
        %get3A_142 = tpu.vector_load %arg8[%get3A_140, %get3A_141] {strides = array<i32>} : memref<39x128xf32, #tpu.memory_space<vmem>>, vector<16xf32>,
        tpu.vector_store_idx %arg12[%get3A_139], %get3A_142 {add = true} : memref<100352xf32, #tpu.memory_space<vmem>>[vector<16xi32>], vector<16xf32>,
        %get3A_143 = arith.index_cast %add3A_113 : i32 to index
        %get3A_144 = arith.constant 80 : index
        %get3A_145 = tpu.vector_load %arg7[%get3A_143, %get3A_144] {strides = array<i32>} : memref<39x128xi32, #tpu.memory_space<vmem>>, vector<16xi32>,
        %get3A_146 = arith.index_cast %add3A_113 : i32 to index
        %get3A_147 = arith.constant 80 : index
        %get3A_148 = tpu.vector_load %arg8[%get3A_146, %get3A_147] {strides = array<i32>} : memref<39x128xf32, #tpu.memory_space<vmem>>, vector<16xf32>,
        tpu.vector_store_idx %arg12[%get3A_145], %get3A_148 {add = true} : memref<100352xf32, #tpu.memory_space<vmem>>[vector<16xi32>], vector<16xf32>,
        %get3A_149 = arith.index_cast %add3A_113 : i32 to index
        %get3A_150 = arith.constant 96 : index
        %get3A_151 = tpu.vector_load %arg7[%get3A_149, %get3A_150] {strides = array<i32>} : memref<39x128xi32, #tpu.memory_space<vmem>>, vector<16xi32>,
        %get3A_152 = arith.index_cast %add3A_113 : i32 to index
        %get3A_153 = arith.constant 96 : index
        %get3A_154 = tpu.vector_load %arg8[%get3A_152, %get3A_153] {strides = array<i32>} : memref<39x128xf32, #tpu.memory_space<vmem>>, vector<16xf32>,
        tpu.vector_store_idx %arg12[%get3A_151], %get3A_154 {add = true} : memref<100352xf32, #tpu.memory_space<vmem>>[vector<16xi32>], vector<16xf32>,
        %get3A_155 = arith.index_cast %add3A_113 : i32 to index
        %get3A_156 = arith.constant 112 : index
        %get3A_157 = tpu.vector_load %arg7[%get3A_155, %get3A_156] {strides = array<i32>} : memref<39x128xi32, #tpu.memory_space<vmem>>, vector<16xi32>,
        %get3A_158 = arith.index_cast %add3A_113 : i32 to index
        %get3A_159 = arith.constant 112 : index
        %get3A_160 = tpu.vector_load %arg8[%get3A_158, %get3A_159] {strides = array<i32>} : memref<39x128xf32, #tpu.memory_space<vmem>>, vector<16xf32>,
        tpu.vector_store_idx %arg12[%get3A_157], %get3A_160 {add = true} : memref<100352xf32, #tpu.memory_space<vmem>>[vector<16xi32>], vector<16xf32>,
      }
      %scan3A_98 = arith.constant 39 : i32
      %scan3A_99 = arith.constant 0 : i32
      %scan3A_100 = arith.constant 39 : i32
      %scan3A_101 = arith.addi %scan3A_99, %scan3A_100 : i32
      %scan3A_102 = arith.constant 1 : i32
      scf.for %scan3A_109 = %scan3A_99 to %scan3A_101 step %scan3A_102  : i32 {
        %mul3A_110 = arith.constant 1 : i32
        %mul3A_111 = arith.muli %scan3A_109, %mul3A_110 : i32
        %add3A_112 = arith.constant 0 : i32
        %add3A_113 = arith.addi %add3A_112, %mul3A_111 : i32
        %dma_wait3A = arith.constant 0 : i32
        %dma_wait3A_114 = tpu.memref_slice %arg11[%add3A_113, %dma_wait3A] : memref<39x128xf32, #tpu.memory_space<vmem>> -> memref<1x128xf32, #tpu.memory_space<vmem>>
        %dma_wait3A_115 = tpu.memref_squeeze %dma_wait3A_114 : memref<1x128xf32, #tpu.memory_space<vmem>> -> memref<128xf32, #tpu.memory_space<vmem>>
        %dma_wait3A_116 = arith.constant 0 : i32
        %dma_wait3A_117 = tpu.memref_slice %arg9[%add3A_113, %dma_wait3A_116] : memref<39x128xi32, #tpu.memory_space<vmem>> -> memref<1x128xi32, #tpu.memory_space<vmem>>
        %dma_wait3A_118 = tpu.memref_squeeze %dma_wait3A_117 : memref<1x128xi32, #tpu.memory_space<vmem>> -> memref<128xi32, #tpu.memory_space<vmem>>
        %dma_wait3A_119 = arith.constant 0 : i32
        %dma_wait3A_120 = tpu.memref_slice %arg3[%scan3A, %dma_wait3A_119] : memref<2x100352xf32, #tpu.memory_space<hbm>> -> memref<1x100352xf32, #tpu.memory_space<hbm>>
        %dma_wait3A_121 = tpu.memref_squeeze %dma_wait3A_120 : memref<1x100352xf32, #tpu.memory_space<hbm>> -> memref<100352xf32, #tpu.memory_space<hbm>>
        %dma_wait3A_122 = arith.constant 0 : i32
        %dma_wait3A_123 = tpu.memref_slice %dma_wait3A_121[%dma_wait3A_122] : memref<100352xf32, #tpu.memory_space<hbm>> -> memref<100352xf32, #tpu.memory_space<hbm>>
        tpu.wait_indirect_dma semaphore(%arg14 : memref<!tpu.dma_semaphore, #tpu.memory_space<semaphore_mem>>) src(%dma_wait3A_123 : memref<100352xf32, #tpu.memory_space<hbm>>) dst(%dma_wait3A_115 : memref<128xf32, #tpu.memory_space<vmem>>)
      }
      %scan3A_103 = arith.constant 39 : i32
      %scan3A_104 = arith.constant 0 : i32
      %scan3A_105 = arith.constant 39 : i32
      %scan3A_106 = arith.addi %scan3A_104, %scan3A_105 : i32
      %scan3A_107 = arith.constant 1 : i32
      scf.for %scan3A_109 = %scan3A_104 to %scan3A_106 step %scan3A_107  : i32 {
        %mul3A_110 = arith.constant 1 : i32
        %mul3A_111 = arith.muli %scan3A_109, %mul3A_110 : i32
        %add3A_112 = arith.constant 0 : i32
        %add3A_113 = arith.addi %add3A_112, %mul3A_111 : i32
        %get3A = arith.index_cast %add3A_113 : i32 to index
        %get3A_114 = arith.constant 0 : index
        %get3A_115 = tpu.vector_load %arg10[%get3A, %get3A_114] {strides = array<i32>} : memref<39x128xi32, #tpu.memory_space<vmem>>, vector<16xi32>,
        %get3A_116 = arith.index_cast %add3A_113 : i32 to index
        %get3A_117 = arith.constant 0 : index
        %get3A_118 = tpu.vector_load %arg11[%get3A_116, %get3A_117] {strides = array<i32>} : memref<39x128xf32, #tpu.memory_space<vmem>>, vector<16xf32>,
        tpu.vector_store_idx %arg12[%get3A_115], %get3A_118 {add = true} : memref<100352xf32, #tpu.memory_space<vmem>>[vector<16xi32>], vector<16xf32>,
        %get3A_119 = arith.index_cast %add3A_113 : i32 to index
        %get3A_120 = arith.constant 16 : index
        %get3A_121 = tpu.vector_load %arg10[%get3A_119, %get3A_120] {strides = array<i32>} : memref<39x128xi32, #tpu.memory_space<vmem>>, vector<16xi32>,
        %get3A_122 = arith.index_cast %add3A_113 : i32 to index
        %get3A_123 = arith.constant 16 : index
        %get3A_124 = tpu.vector_load %arg11[%get3A_122, %get3A_123] {strides = array<i32>} : memref<39x128xf32, #tpu.memory_space<vmem>>, vector<16xf32>,
        tpu.vector_store_idx %arg12[%get3A_121], %get3A_124 {add = true} : memref<100352xf32, #tpu.memory_space<vmem>>[vector<16xi32>], vector<16xf32>,
        %get3A_125 = arith.index_cast %add3A_113 : i32 to index
        %get3A_126 = arith.constant 32 : index
        %get3A_127 = tpu.vector_load %arg10[%get3A_125, %get3A_126] {strides = array<i32>} : memref<39x128xi32, #tpu.memory_space<vmem>>, vector<16xi32>,
        %get3A_128 = arith.index_cast %add3A_113 : i32 to index
        %get3A_129 = arith.constant 32 : index
        %get3A_130 = tpu.vector_load %arg11[%get3A_128, %get3A_129] {strides = array<i32>} : memref<39x128xf32, #tpu.memory_space<vmem>>, vector<16xf32>,
        tpu.vector_store_idx %arg12[%get3A_127], %get3A_130 {add = true} : memref<100352xf32, #tpu.memory_space<vmem>>[vector<16xi32>], vector<16xf32>,
        %get3A_131 = arith.index_cast %add3A_113 : i32 to index
        %get3A_132 = arith.constant 48 : index
        %get3A_133 = tpu.vector_load %arg10[%get3A_131, %get3A_132] {strides = array<i32>} : memref<39x128xi32, #tpu.memory_space<vmem>>, vector<16xi32>,
        %get3A_134 = arith.index_cast %add3A_113 : i32 to index
        %get3A_135 = arith.constant 48 : index
        %get3A_136 = tpu.vector_load %arg11[%get3A_134, %get3A_135] {strides = array<i32>} : memref<39x128xf32, #tpu.memory_space<vmem>>, vector<16xf32>,
        tpu.vector_store_idx %arg12[%get3A_133], %get3A_136 {add = true} : memref<100352xf32, #tpu.memory_space<vmem>>[vector<16xi32>], vector<16xf32>,
        %get3A_137 = arith.index_cast %add3A_113 : i32 to index
        %get3A_138 = arith.constant 64 : index
        %get3A_139 = tpu.vector_load %arg10[%get3A_137, %get3A_138] {strides = array<i32>} : memref<39x128xi32, #tpu.memory_space<vmem>>, vector<16xi32>,
        %get3A_140 = arith.index_cast %add3A_113 : i32 to index
        %get3A_141 = arith.constant 64 : index
        %get3A_142 = tpu.vector_load %arg11[%get3A_140, %get3A_141] {strides = array<i32>} : memref<39x128xf32, #tpu.memory_space<vmem>>, vector<16xf32>,
        tpu.vector_store_idx %arg12[%get3A_139], %get3A_142 {add = true} : memref<100352xf32, #tpu.memory_space<vmem>>[vector<16xi32>], vector<16xf32>,
        %get3A_143 = arith.index_cast %add3A_113 : i32 to index
        %get3A_144 = arith.constant 80 : index
        %get3A_145 = tpu.vector_load %arg10[%get3A_143, %get3A_144] {strides = array<i32>} : memref<39x128xi32, #tpu.memory_space<vmem>>, vector<16xi32>,
        %get3A_146 = arith.index_cast %add3A_113 : i32 to index
        %get3A_147 = arith.constant 80 : index
        %get3A_148 = tpu.vector_load %arg11[%get3A_146, %get3A_147] {strides = array<i32>} : memref<39x128xf32, #tpu.memory_space<vmem>>, vector<16xf32>,
        tpu.vector_store_idx %arg12[%get3A_145], %get3A_148 {add = true} : memref<100352xf32, #tpu.memory_space<vmem>>[vector<16xi32>], vector<16xf32>,
        %get3A_149 = arith.index_cast %add3A_113 : i32 to index
        %get3A_150 = arith.constant 96 : index
        %get3A_151 = tpu.vector_load %arg10[%get3A_149, %get3A_150] {strides = array<i32>} : memref<39x128xi32, #tpu.memory_space<vmem>>, vector<16xi32>,
        %get3A_152 = arith.index_cast %add3A_113 : i32 to index
        %get3A_153 = arith.constant 96 : index
        %get3A_154 = tpu.vector_load %arg11[%get3A_152, %get3A_153] {strides = array<i32>} : memref<39x128xf32, #tpu.memory_space<vmem>>, vector<16xf32>,
        tpu.vector_store_idx %arg12[%get3A_151], %get3A_154 {add = true} : memref<100352xf32, #tpu.memory_space<vmem>>[vector<16xi32>], vector<16xf32>,
        %get3A_155 = arith.index_cast %add3A_113 : i32 to index
        %get3A_156 = arith.constant 112 : index
        %get3A_157 = tpu.vector_load %arg10[%get3A_155, %get3A_156] {strides = array<i32>} : memref<39x128xi32, #tpu.memory_space<vmem>>, vector<16xi32>,
        %get3A_158 = arith.index_cast %add3A_113 : i32 to index
        %get3A_159 = arith.constant 112 : index
        %get3A_160 = tpu.vector_load %arg11[%get3A_158, %get3A_159] {strides = array<i32>} : memref<39x128xf32, #tpu.memory_space<vmem>>, vector<16xf32>,
        tpu.vector_store_idx %arg12[%get3A_157], %get3A_160 {add = true} : memref<100352xf32, #tpu.memory_space<vmem>>[vector<16xi32>], vector<16xf32>,
      }
      %scan3A_108 = arith.constant 39 : i32
    }
    %scan3A_10 = arith.constant 5 : i32
    %add3A_11 = arith.constant 390 : i32
    %add3A_12 = arith.addi %add3A_4, %add3A_11 : i32
    %add3A_13 = arith.constant 390 : i32
    %add3A_14 = arith.addi %add3A_4, %add3A_13 : i32
    %add3A_15 = arith.addi %add3A_14, %convert_element_type3A : i32
    %sub3A = arith.subi %add3A_15, %add3A_12 : i32
    %sub3A_16 = arith.constant 1 : i32
    %sub3A_17 = arith.constant 1 : i32
    %sub3A_18 = arith.subi %sub3A_16, %sub3A_17 : i32
    %add3A_19 = arith.addi %sub3A, %sub3A_18 : i32
    %div3A = arith.constant 1 : i32
    %div3A_20 = arith.divsi %add3A_19, %div3A : i32
    %while3A = arith.constant 1 : i32
    %while3A_21 = arith.constant 0 : i32
    %while3A_22 = arith.constant 0 : i32
    %while3A_23 = arith.subi %div3A_20, %while3A_22 : i32
    %while3A_24 = arith.addi %while3A_22, %while3A_23 : i32
    %while3A_25 = arith.constant 1 : i32
    %while3A_26 = arith.divsi %while3A_23, %while3A_25 : i32
    %while3A_27 = arith.muli %while3A_26, %while3A_25 : i32
    %while3A_28 = arith.addi %while3A_22, %while3A_27 : i32
    %while3A_29 = arith.constant 1 : i32
    scf.for %while3A_61 = %while3A_22 to %while3A_28 step %while3A_29  : i32 {
      %mul3A_62 = arith.muli %while3A_61, %while3A : i32
      %add3A_63 = arith.addi %add3A_12, %mul3A_62 : i32
      %run_scoped3A_64 = arith.constant 0 : i32
      "tpu.region"() ({
        %run_scoped3A_131 = tpu.sem_alloc : memref<!tpu.dma_semaphore, #tpu.memory_space<semaphore_mem>>
        %dma_start3A = arith.constant 0 : i32
        %dma_start3A_132 = arith.constant 0 : i32
        %dma_start3A_133 = tpu.memref_slice %arg6[%dma_start3A, %dma_start3A_132] : memref<39x128xi32, #tpu.memory_space<vmem>> -> memref<1x128xi32, #tpu.memory_space<vmem>>
        %dma_start3A_134 = arith.constant 0 : i32
        %dma_start3A_135 = tpu.memref_slice %arg2[%run_scoped3A_64, %add3A_63, %dma_start3A_134] : memref<2x12500x128xi32, #tpu.memory_space<hbm>> -> memref<1x1x128xi32, #tpu.memory_space<hbm>>
        %dma_start3A_136 = tpu.memref_squeeze %dma_start3A_135 : memref<1x1x128xi32, #tpu.memory_space<hbm>> -> memref<1x128xi32, #tpu.memory_space<hbm>>
        %dma_start3A_137 = arith.constant 0 : i32
        %dma_start3A_138 = arith.constant 0 : i32
        %dma_start3A_139 = tpu.memref_slice %arg6[%dma_start3A_137, %dma_start3A_138] : memref<39x128xi32, #tpu.memory_space<vmem>> -> memref<1x128xi32, #tpu.memory_space<vmem>>
        %dma_start3A_140 = arith.constant 0 : i32
        %dma_start3A_141 = tpu.memref_slice %arg2[%run_scoped3A_64, %add3A_63, %dma_start3A_140] : memref<2x12500x128xi32, #tpu.memory_space<hbm>> -> memref<1x1x128xi32, #tpu.memory_space<hbm>>
        %dma_start3A_142 = tpu.memref_squeeze %dma_start3A_141 : memref<1x1x128xi32, #tpu.memory_space<hbm>> -> memref<1x128xi32, #tpu.memory_space<hbm>>
        tpu.enqueue_dma source(%dma_start3A_142 : memref<1x128xi32, #tpu.memory_space<hbm>>) target(%dma_start3A_139 : memref<1x128xi32, #tpu.memory_space<vmem>>) target_semaphore(%run_scoped3A_131 : memref<!tpu.dma_semaphore, #tpu.memory_space<semaphore_mem>>)
        %dma_wait3A = arith.constant 0 : i32
        %dma_wait3A_143 = arith.constant 0 : i32
        %dma_wait3A_144 = tpu.memref_slice %arg6[%dma_wait3A, %dma_wait3A_143] : memref<39x128xi32, #tpu.memory_space<vmem>> -> memref<1x128xi32, #tpu.memory_space<vmem>>
        %dma_wait3A_145 = arith.constant 0 : i32
        %dma_wait3A_146 = tpu.memref_slice %arg2[%run_scoped3A_64, %add3A_63, %dma_wait3A_145] : memref<2x12500x128xi32, #tpu.memory_space<hbm>> -> memref<1x1x128xi32, #tpu.memory_space<hbm>>
        %dma_wait3A_147 = tpu.memref_squeeze %dma_wait3A_146 : memref<1x1x128xi32, #tpu.memory_space<hbm>> -> memref<1x128xi32, #tpu.memory_space<hbm>>
        %dma_wait3A_148 = arith.constant 0 : i32
        %dma_wait3A_149 = arith.constant 0 : i32
        %dma_wait3A_150 = tpu.memref_slice %arg6[%dma_wait3A_148, %dma_wait3A_149] : memref<39x128xi32, #tpu.memory_space<vmem>> -> memref<1x128xi32, #tpu.memory_space<vmem>>
        %dma_wait3A_151 = arith.constant 0 : i32
        %dma_wait3A_152 = tpu.memref_slice %arg2[%run_scoped3A_64, %add3A_63, %dma_wait3A_151] : memref<2x12500x128xi32, #tpu.memory_space<hbm>> -> memref<1x1x128xi32, #tpu.memory_space<hbm>>
        %dma_wait3A_153 = tpu.memref_squeeze %dma_wait3A_152 : memref<1x1x128xi32, #tpu.memory_space<hbm>> -> memref<1x128xi32, #tpu.memory_space<hbm>>
        tpu.wait_dma2 semaphore(%run_scoped3A_131 : memref<!tpu.dma_semaphore, #tpu.memory_space<semaphore_mem>>) src(%dma_wait3A_153 : memref<1x128xi32, #tpu.memory_space<hbm>>) dst(%dma_wait3A_150 : memref<1x128xi32, #tpu.memory_space<vmem>>)
        tpu.yield
      }) : () -> ()
      %run_scoped3A_65 = arith.constant 1 : i32
      "tpu.region"() ({
        %run_scoped3A_131 = tpu.sem_alloc : memref<!tpu.dma_semaphore, #tpu.memory_space<semaphore_mem>>
        %dma_start3A = arith.constant 0 : i32
        %dma_start3A_132 = arith.constant 0 : i32
        %dma_start3A_133 = tpu.memref_slice %arg7[%dma_start3A, %dma_start3A_132] : memref<39x128xi32, #tpu.memory_space<vmem>> -> memref<1x128xi32, #tpu.memory_space<vmem>>
        %dma_start3A_134 = arith.constant 0 : i32
        %dma_start3A_135 = tpu.memref_slice %arg2[%run_scoped3A_65, %add3A_63, %dma_start3A_134] : memref<2x12500x128xi32, #tpu.memory_space<hbm>> -> memref<1x1x128xi32, #tpu.memory_space<hbm>>
        %dma_start3A_136 = tpu.memref_squeeze %dma_start3A_135 : memref<1x1x128xi32, #tpu.memory_space<hbm>> -> memref<1x128xi32, #tpu.memory_space<hbm>>
        %dma_start3A_137 = arith.constant 0 : i32
        %dma_start3A_138 = arith.constant 0 : i32
        %dma_start3A_139 = tpu.memref_slice %arg7[%dma_start3A_137, %dma_start3A_138] : memref<39x128xi32, #tpu.memory_space<vmem>> -> memref<1x128xi32, #tpu.memory_space<vmem>>
        %dma_start3A_140 = arith.constant 0 : i32
        %dma_start3A_141 = tpu.memref_slice %arg2[%run_scoped3A_65, %add3A_63, %dma_start3A_140] : memref<2x12500x128xi32, #tpu.memory_space<hbm>> -> memref<1x1x128xi32, #tpu.memory_space<hbm>>
        %dma_start3A_142 = tpu.memref_squeeze %dma_start3A_141 : memref<1x1x128xi32, #tpu.memory_space<hbm>> -> memref<1x128xi32, #tpu.memory_space<hbm>>
        tpu.enqueue_dma source(%dma_start3A_142 : memref<1x128xi32, #tpu.memory_space<hbm>>) target(%dma_start3A_139 : memref<1x128xi32, #tpu.memory_space<vmem>>) target_semaphore(%run_scoped3A_131 : memref<!tpu.dma_semaphore, #tpu.memory_space<semaphore_mem>>)
        %dma_wait3A = arith.constant 0 : i32
        %dma_wait3A_143 = arith.constant 0 : i32
        %dma_wait3A_144 = tpu.memref_slice %arg7[%dma_wait3A, %dma_wait3A_143] : memref<39x128xi32, #tpu.memory_space<vmem>> -> memref<1x128xi32, #tpu.memory_space<vmem>>
        %dma_wait3A_145 = arith.constant 0 : i32
        %dma_wait3A_146 = tpu.memref_slice %arg2[%run_scoped3A_65, %add3A_63, %dma_wait3A_145] : memref<2x12500x128xi32, #tpu.memory_space<hbm>> -> memref<1x1x128xi32, #tpu.memory_space<hbm>>
        %dma_wait3A_147 = tpu.memref_squeeze %dma_wait3A_146 : memref<1x1x128xi32, #tpu.memory_space<hbm>> -> memref<1x128xi32, #tpu.memory_space<hbm>>
        %dma_wait3A_148 = arith.constant 0 : i32
        %dma_wait3A_149 = arith.constant 0 : i32
        %dma_wait3A_150 = tpu.memref_slice %arg7[%dma_wait3A_148, %dma_wait3A_149] : memref<39x128xi32, #tpu.memory_space<vmem>> -> memref<1x128xi32, #tpu.memory_space<vmem>>
        %dma_wait3A_151 = arith.constant 0 : i32
        %dma_wait3A_152 = tpu.memref_slice %arg2[%run_scoped3A_65, %add3A_63, %dma_wait3A_151] : memref<2x12500x128xi32, #tpu.memory_space<hbm>> -> memref<1x1x128xi32, #tpu.memory_space<hbm>>
        %dma_wait3A_153 = tpu.memref_squeeze %dma_wait3A_152 : memref<1x1x128xi32, #tpu.memory_space<hbm>> -> memref<1x128xi32, #tpu.memory_space<hbm>>
        tpu.wait_dma2 semaphore(%run_scoped3A_131 : memref<!tpu.dma_semaphore, #tpu.memory_space<semaphore_mem>>) src(%dma_wait3A_153 : memref<1x128xi32, #tpu.memory_space<hbm>>) dst(%dma_wait3A_150 : memref<1x128xi32, #tpu.memory_space<vmem>>)
        tpu.yield
      }) : () -> ()
      %run_scoped3A_66 = arith.constant 0 : i32
      %run_scoped3A_67 = arith.constant 0 : i32
      "tpu.region"() ({
        %run_scoped3A_131 = tpu.sem_alloc : memref<!tpu.dma_semaphore, #tpu.memory_space<semaphore_mem>>
        %dma_start3A = arith.constant 0 : i32
        %dma_start3A_132 = tpu.memref_slice %arg8[%run_scoped3A_67, %dma_start3A] : memref<39x128xf32, #tpu.memory_space<vmem>> -> memref<1x128xf32, #tpu.memory_space<vmem>>
        %dma_start3A_133 = tpu.memref_squeeze %dma_start3A_132 : memref<1x128xf32, #tpu.memory_space<vmem>> -> memref<128xf32, #tpu.memory_space<vmem>>
        %dma_start3A_134 = arith.constant 0 : i32
        %dma_start3A_135 = tpu.memref_slice %arg6[%run_scoped3A_66, %dma_start3A_134] : memref<39x128xi32, #tpu.memory_space<vmem>> -> memref<1x128xi32, #tpu.memory_space<vmem>>
        %dma_start3A_136 = tpu.memref_squeeze %dma_start3A_135 : memref<1x128xi32, #tpu.memory_space<vmem>> -> memref<128xi32, #tpu.memory_space<vmem>>
        %dma_start3A_137 = arith.constant 0 : i32
        %dma_start3A_138 = tpu.memref_slice %arg3[%while3A_21, %dma_start3A_137] : memref<2x100352xf32, #tpu.memory_space<hbm>> -> memref<1x100352xf32, #tpu.memory_space<hbm>>
        %dma_start3A_139 = tpu.memref_squeeze %dma_start3A_138 : memref<1x100352xf32, #tpu.memory_space<hbm>> -> memref<100352xf32, #tpu.memory_space<hbm>>
        %dma_start3A_140 = arith.constant 0 : i32
        %dma_start3A_141 = tpu.memref_slice %dma_start3A_139[%dma_start3A_140] : memref<100352xf32, #tpu.memory_space<hbm>> -> memref<100352xf32, #tpu.memory_space<hbm>>
        tpu.enqueue_indirect_dma source(%dma_start3A_141 : memref<100352xf32, #tpu.memory_space<hbm>>) target(%dma_start3A_133 : memref<128xf32, #tpu.memory_space<vmem>>) offsets(%dma_start3A_136 : memref<128xi32, #tpu.memory_space<vmem>>) semaphore(%run_scoped3A_131 : memref<!tpu.dma_semaphore, #tpu.memory_space<semaphore_mem>>)
        %dma_wait3A = arith.constant 0 : i32
        %dma_wait3A_142 = tpu.memref_slice %arg8[%run_scoped3A_67, %dma_wait3A] : memref<39x128xf32, #tpu.memory_space<vmem>> -> memref<1x128xf32, #tpu.memory_space<vmem>>
        %dma_wait3A_143 = tpu.memref_squeeze %dma_wait3A_142 : memref<1x128xf32, #tpu.memory_space<vmem>> -> memref<128xf32, #tpu.memory_space<vmem>>
        %dma_wait3A_144 = arith.constant 0 : i32
        %dma_wait3A_145 = tpu.memref_slice %arg6[%run_scoped3A_66, %dma_wait3A_144] : memref<39x128xi32, #tpu.memory_space<vmem>> -> memref<1x128xi32, #tpu.memory_space<vmem>>
        %dma_wait3A_146 = tpu.memref_squeeze %dma_wait3A_145 : memref<1x128xi32, #tpu.memory_space<vmem>> -> memref<128xi32, #tpu.memory_space<vmem>>
        %dma_wait3A_147 = arith.constant 0 : i32
        %dma_wait3A_148 = tpu.memref_slice %arg3[%while3A_21, %dma_wait3A_147] : memref<2x100352xf32, #tpu.memory_space<hbm>> -> memref<1x100352xf32, #tpu.memory_space<hbm>>
        %dma_wait3A_149 = tpu.memref_squeeze %dma_wait3A_148 : memref<1x100352xf32, #tpu.memory_space<hbm>> -> memref<100352xf32, #tpu.memory_space<hbm>>
        %dma_wait3A_150 = arith.constant 0 : i32
        %dma_wait3A_151 = tpu.memref_slice %dma_wait3A_149[%dma_wait3A_150] : memref<100352xf32, #tpu.memory_space<hbm>> -> memref<100352xf32, #tpu.memory_space<hbm>>
        tpu.wait_indirect_dma semaphore(%run_scoped3A_131 : memref<!tpu.dma_semaphore, #tpu.memory_space<semaphore_mem>>) src(%dma_wait3A_151 : memref<100352xf32, #tpu.memory_space<hbm>>) dst(%dma_wait3A_143 : memref<128xf32, #tpu.memory_space<vmem>>)
        tpu.yield
      }) : () -> ()
      %get3A = arith.constant 0 : i32
      %get3A_68 = arith.index_cast %get3A : i32 to index
      %get3A_69 = arith.constant 0 : index
      %get3A_70 = tpu.vector_load %arg7[%get3A_68, %get3A_69] {strides = array<i32>} : memref<39x128xi32, #tpu.memory_space<vmem>>, vector<16xi32>,
      %get3A_71 = arith.constant 0 : i32
      %get3A_72 = arith.index_cast %get3A_71 : i32 to index
      %get3A_73 = arith.constant 0 : index
      %get3A_74 = tpu.vector_load %arg8[%get3A_72, %get3A_73] {strides = array<i32>} : memref<39x128xf32, #tpu.memory_space<vmem>>, vector<16xf32>,
      tpu.vector_store_idx %arg12[%get3A_70], %get3A_74 {add = true} : memref<100352xf32, #tpu.memory_space<vmem>>[vector<16xi32>], vector<16xf32>,
      %get3A_75 = arith.constant 0 : i32
      %get3A_76 = arith.index_cast %get3A_75 : i32 to index
      %get3A_77 = arith.constant 16 : index
      %get3A_78 = tpu.vector_load %arg7[%get3A_76, %get3A_77] {strides = array<i32>} : memref<39x128xi32, #tpu.memory_space<vmem>>, vector<16xi32>,
      %get3A_79 = arith.constant 0 : i32
      %get3A_80 = arith.index_cast %get3A_79 : i32 to index
      %get3A_81 = arith.constant 16 : index
      %get3A_82 = tpu.vector_load %arg8[%get3A_80, %get3A_81] {strides = array<i32>} : memref<39x128xf32, #tpu.memory_space<vmem>>, vector<16xf32>,
      tpu.vector_store_idx %arg12[%get3A_78], %get3A_82 {add = true} : memref<100352xf32, #tpu.memory_space<vmem>>[vector<16xi32>], vector<16xf32>,
      %get3A_83 = arith.constant 0 : i32
      %get3A_84 = arith.index_cast %get3A_83 : i32 to index
      %get3A_85 = arith.constant 32 : index
      %get3A_86 = tpu.vector_load %arg7[%get3A_84, %get3A_85] {strides = array<i32>} : memref<39x128xi32, #tpu.memory_space<vmem>>, vector<16xi32>,
      %get3A_87 = arith.constant 0 : i32
      %get3A_88 = arith.index_cast %get3A_87 : i32 to index
      %get3A_89 = arith.constant 32 : index
      %get3A_90 = tpu.vector_load %arg8[%get3A_88, %get3A_89] {strides = array<i32>} : memref<39x128xf32, #tpu.memory_space<vmem>>, vector<16xf32>,
      tpu.vector_store_idx %arg12[%get3A_86], %get3A_90 {add = true} : memref<100352xf32, #tpu.memory_space<vmem>>[vector<16xi32>], vector<16xf32>,
      %get3A_91 = arith.constant 0 : i32
      %get3A_92 = arith.index_cast %get3A_91 : i32 to index
      %get3A_93 = arith.constant 48 : index
      %get3A_94 = tpu.vector_load %arg7[%get3A_92, %get3A_93] {strides = array<i32>} : memref<39x128xi32, #tpu.memory_space<vmem>>, vector<16xi32>,
      %get3A_95 = arith.constant 0 : i32
      %get3A_96 = arith.index_cast %get3A_95 : i32 to index
      %get3A_97 = arith.constant 48 : index
      %get3A_98 = tpu.vector_load %arg8[%get3A_96, %get3A_97] {strides = array<i32>} : memref<39x128xf32, #tpu.memory_space<vmem>>, vector<16xf32>,
      tpu.vector_store_idx %arg12[%get3A_94], %get3A_98 {add = true} : memref<100352xf32, #tpu.memory_space<vmem>>[vector<16xi32>], vector<16xf32>,
      %get3A_99 = arith.constant 0 : i32
      %get3A_100 = arith.index_cast %get3A_99 : i32 to index
      %get3A_101 = arith.constant 64 : index
      %get3A_102 = tpu.vector_load %arg7[%get3A_100, %get3A_101] {strides = array<i32>} : memref<39x128xi32, #tpu.memory_space<vmem>>, vector<16xi32>,
      %get3A_103 = arith.constant 0 : i32
      %get3A_104 = arith.index_cast %get3A_103 : i32 to index
      %get3A_105 = arith.constant 64 : index
      %get3A_106 = tpu.vector_load %arg8[%get3A_104, %get3A_105] {strides = array<i32>} : memref<39x128xf32, #tpu.memory_space<vmem>>, vector<16xf32>,
      tpu.vector_store_idx %arg12[%get3A_102], %get3A_106 {add = true} : memref<100352xf32, #tpu.memory_space<vmem>>[vector<16xi32>], vector<16xf32>,
      %get3A_107 = arith.constant 0 : i32
      %get3A_108 = arith.index_cast %get3A_107 : i32 to index
      %get3A_109 = arith.constant 80 : index
      %get3A_110 = tpu.vector_load %arg7[%get3A_108, %get3A_109] {strides = array<i32>} : memref<39x128xi32, #tpu.memory_space<vmem>>, vector<16xi32>,
      %get3A_111 = arith.constant 0 : i32
      %get3A_112 = arith.index_cast %get3A_111 : i32 to index
      %get3A_113 = arith.constant 80 : index
      %get3A_114 = tpu.vector_load %arg8[%get3A_112, %get3A_113] {strides = array<i32>} : memref<39x128xf32, #tpu.memory_space<vmem>>, vector<16xf32>,
      tpu.vector_store_idx %arg12[%get3A_110], %get3A_114 {add = true} : memref<100352xf32, #tpu.memory_space<vmem>>[vector<16xi32>], vector<16xf32>,
      %get3A_115 = arith.constant 0 : i32
      %get3A_116 = arith.index_cast %get3A_115 : i32 to index
      %get3A_117 = arith.constant 96 : index
      %get3A_118 = tpu.vector_load %arg7[%get3A_116, %get3A_117] {strides = array<i32>} : memref<39x128xi32, #tpu.memory_space<vmem>>, vector<16xi32>,
      %get3A_119 = arith.constant 0 : i32
      %get3A_120 = arith.index_cast %get3A_119 : i32 to index
      %get3A_121 = arith.constant 96 : index
      %get3A_122 = tpu.vector_load %arg8[%get3A_120, %get3A_121] {strides = array<i32>} : memref<39x128xf32, #tpu.memory_space<vmem>>, vector<16xf32>,
      tpu.vector_store_idx %arg12[%get3A_118], %get3A_122 {add = true} : memref<100352xf32, #tpu.memory_space<vmem>>[vector<16xi32>], vector<16xf32>,
      %get3A_123 = arith.constant 0 : i32
      %get3A_124 = arith.index_cast %get3A_123 : i32 to index
      %get3A_125 = arith.constant 112 : index
      %get3A_126 = tpu.vector_load %arg7[%get3A_124, %get3A_125] {strides = array<i32>} : memref<39x128xi32, #tpu.memory_space<vmem>>, vector<16xi32>,
      %get3A_127 = arith.constant 0 : i32
      %get3A_128 = arith.index_cast %get3A_127 : i32 to index
      %get3A_129 = arith.constant 112 : index
      %get3A_130 = tpu.vector_load %arg8[%get3A_128, %get3A_129] {strides = array<i32>} : memref<39x128xf32, #tpu.memory_space<vmem>>, vector<16xf32>,
      tpu.vector_store_idx %arg12[%get3A_126], %get3A_130 {add = true} : memref<100352xf32, #tpu.memory_space<vmem>>[vector<16xi32>], vector<16xf32>,
    }
    %while3A_30 = arith.constant 1 : i32
    scf.for %while3A_61 = %while3A_28 to %while3A_24 step %while3A_30  : i32 {
      %mul3A_62 = arith.muli %while3A_61, %while3A : i32
      %add3A_63 = arith.addi %add3A_12, %mul3A_62 : i32
      %run_scoped3A_64 = arith.constant 0 : i32
      "tpu.region"() ({
        %run_scoped3A_131 = tpu.sem_alloc : memref<!tpu.dma_semaphore, #tpu.memory_space<semaphore_mem>>
        %dma_start3A = arith.constant 0 : i32
        %dma_start3A_132 = arith.constant 0 : i32
        %dma_start3A_133 = tpu.memref_slice %arg6[%dma_start3A, %dma_start3A_132] : memref<39x128xi32, #tpu.memory_space<vmem>> -> memref<1x128xi32, #tpu.memory_space<vmem>>
        %dma_start3A_134 = arith.constant 0 : i32
        %dma_start3A_135 = tpu.memref_slice %arg2[%run_scoped3A_64, %add3A_63, %dma_start3A_134] : memref<2x12500x128xi32, #tpu.memory_space<hbm>> -> memref<1x1x128xi32, #tpu.memory_space<hbm>>
        %dma_start3A_136 = tpu.memref_squeeze %dma_start3A_135 : memref<1x1x128xi32, #tpu.memory_space<hbm>> -> memref<1x128xi32, #tpu.memory_space<hbm>>
        %dma_start3A_137 = arith.constant 0 : i32
        %dma_start3A_138 = arith.constant 0 : i32
        %dma_start3A_139 = tpu.memref_slice %arg6[%dma_start3A_137, %dma_start3A_138] : memref<39x128xi32, #tpu.memory_space<vmem>> -> memref<1x128xi32, #tpu.memory_space<vmem>>
        %dma_start3A_140 = arith.constant 0 : i32
        %dma_start3A_141 = tpu.memref_slice %arg2[%run_scoped3A_64, %add3A_63, %dma_start3A_140] : memref<2x12500x128xi32, #tpu.memory_space<hbm>> -> memref<1x1x128xi32, #tpu.memory_space<hbm>>
        %dma_start3A_142 = tpu.memref_squeeze %dma_start3A_141 : memref<1x1x128xi32, #tpu.memory_space<hbm>> -> memref<1x128xi32, #tpu.memory_space<hbm>>
        tpu.enqueue_dma source(%dma_start3A_142 : memref<1x128xi32, #tpu.memory_space<hbm>>) target(%dma_start3A_139 : memref<1x128xi32, #tpu.memory_space<vmem>>) target_semaphore(%run_scoped3A_131 : memref<!tpu.dma_semaphore, #tpu.memory_space<semaphore_mem>>)
        %dma_wait3A = arith.constant 0 : i32
        %dma_wait3A_143 = arith.constant 0 : i32
        %dma_wait3A_144 = tpu.memref_slice %arg6[%dma_wait3A, %dma_wait3A_143] : memref<39x128xi32, #tpu.memory_space<vmem>> -> memref<1x128xi32, #tpu.memory_space<vmem>>
        %dma_wait3A_145 = arith.constant 0 : i32
        %dma_wait3A_146 = tpu.memref_slice %arg2[%run_scoped3A_64, %add3A_63, %dma_wait3A_145] : memref<2x12500x128xi32, #tpu.memory_space<hbm>> -> memref<1x1x128xi32, #tpu.memory_space<hbm>>
        %dma_wait3A_147 = tpu.memref_squeeze %dma_wait3A_146 : memref<1x1x128xi32, #tpu.memory_space<hbm>> -> memref<1x128xi32, #tpu.memory_space<hbm>>
        %dma_wait3A_148 = arith.constant 0 : i32
        %dma_wait3A_149 = arith.constant 0 : i32
        %dma_wait3A_150 = tpu.memref_slice %arg6[%dma_wait3A_148, %dma_wait3A_149] : memref<39x128xi32, #tpu.memory_space<vmem>> -> memref<1x128xi32, #tpu.memory_space<vmem>>
        %dma_wait3A_151 = arith.constant 0 : i32
        %dma_wait3A_152 = tpu.memref_slice %arg2[%run_scoped3A_64, %add3A_63, %dma_wait3A_151] : memref<2x12500x128xi32, #tpu.memory_space<hbm>> -> memref<1x1x128xi32, #tpu.memory_space<hbm>>
        %dma_wait3A_153 = tpu.memref_squeeze %dma_wait3A_152 : memref<1x1x128xi32, #tpu.memory_space<hbm>> -> memref<1x128xi32, #tpu.memory_space<hbm>>
        tpu.wait_dma2 semaphore(%run_scoped3A_131 : memref<!tpu.dma_semaphore, #tpu.memory_space<semaphore_mem>>) src(%dma_wait3A_153 : memref<1x128xi32, #tpu.memory_space<hbm>>) dst(%dma_wait3A_150 : memref<1x128xi32, #tpu.memory_space<vmem>>)
        tpu.yield
      }) : () -> ()
      %run_scoped3A_65 = arith.constant 1 : i32
      "tpu.region"() ({
        %run_scoped3A_131 = tpu.sem_alloc : memref<!tpu.dma_semaphore, #tpu.memory_space<semaphore_mem>>
        %dma_start3A = arith.constant 0 : i32
        %dma_start3A_132 = arith.constant 0 : i32
        %dma_start3A_133 = tpu.memref_slice %arg7[%dma_start3A, %dma_start3A_132] : memref<39x128xi32, #tpu.memory_space<vmem>> -> memref<1x128xi32, #tpu.memory_space<vmem>>
        %dma_start3A_134 = arith.constant 0 : i32
        %dma_start3A_135 = tpu.memref_slice %arg2[%run_scoped3A_65, %add3A_63, %dma_start3A_134] : memref<2x12500x128xi32, #tpu.memory_space<hbm>> -> memref<1x1x128xi32, #tpu.memory_space<hbm>>
        %dma_start3A_136 = tpu.memref_squeeze %dma_start3A_135 : memref<1x1x128xi32, #tpu.memory_space<hbm>> -> memref<1x128xi32, #tpu.memory_space<hbm>>
        %dma_start3A_137 = arith.constant 0 : i32
        %dma_start3A_138 = arith.constant 0 : i32
        %dma_start3A_139 = tpu.memref_slice %arg7[%dma_start3A_137, %dma_start3A_138] : memref<39x128xi32, #tpu.memory_space<vmem>> -> memref<1x128xi32, #tpu.memory_space<vmem>>
        %dma_start3A_140 = arith.constant 0 : i32
        %dma_start3A_141 = tpu.memref_slice %arg2[%run_scoped3A_65, %add3A_63, %dma_start3A_140] : memref<2x12500x128xi32, #tpu.memory_space<hbm>> -> memref<1x1x128xi32, #tpu.memory_space<hbm>>
        %dma_start3A_142 = tpu.memref_squeeze %dma_start3A_141 : memref<1x1x128xi32, #tpu.memory_space<hbm>> -> memref<1x128xi32, #tpu.memory_space<hbm>>
        tpu.enqueue_dma source(%dma_start3A_142 : memref<1x128xi32, #tpu.memory_space<hbm>>) target(%dma_start3A_139 : memref<1x128xi32, #tpu.memory_space<vmem>>) target_semaphore(%run_scoped3A_131 : memref<!tpu.dma_semaphore, #tpu.memory_space<semaphore_mem>>)
        %dma_wait3A = arith.constant 0 : i32
        %dma_wait3A_143 = arith.constant 0 : i32
        %dma_wait3A_144 = tpu.memref_slice %arg7[%dma_wait3A, %dma_wait3A_143] : memref<39x128xi32, #tpu.memory_space<vmem>> -> memref<1x128xi32, #tpu.memory_space<vmem>>
        %dma_wait3A_145 = arith.constant 0 : i32
        %dma_wait3A_146 = tpu.memref_slice %arg2[%run_scoped3A_65, %add3A_63, %dma_wait3A_145] : memref<2x12500x128xi32, #tpu.memory_space<hbm>> -> memref<1x1x128xi32, #tpu.memory_space<hbm>>
        %dma_wait3A_147 = tpu.memref_squeeze %dma_wait3A_146 : memref<1x1x128xi32, #tpu.memory_space<hbm>> -> memref<1x128xi32, #tpu.memory_space<hbm>>
        %dma_wait3A_148 = arith.constant 0 : i32
        %dma_wait3A_149 = arith.constant 0 : i32
        %dma_wait3A_150 = tpu.memref_slice %arg7[%dma_wait3A_148, %dma_wait3A_149] : memref<39x128xi32, #tpu.memory_space<vmem>> -> memref<1x128xi32, #tpu.memory_space<vmem>>
        %dma_wait3A_151 = arith.constant 0 : i32
        %dma_wait3A_152 = tpu.memref_slice %arg2[%run_scoped3A_65, %add3A_63, %dma_wait3A_151] : memref<2x12500x128xi32, #tpu.memory_space<hbm>> -> memref<1x1x128xi32, #tpu.memory_space<hbm>>
        %dma_wait3A_153 = tpu.memref_squeeze %dma_wait3A_152 : memref<1x1x128xi32, #tpu.memory_space<hbm>> -> memref<1x128xi32, #tpu.memory_space<hbm>>
        tpu.wait_dma2 semaphore(%run_scoped3A_131 : memref<!tpu.dma_semaphore, #tpu.memory_space<semaphore_mem>>) src(%dma_wait3A_153 : memref<1x128xi32, #tpu.memory_space<hbm>>) dst(%dma_wait3A_150 : memref<1x128xi32, #tpu.memory_space<vmem>>)
        tpu.yield
      }) : () -> ()
      %run_scoped3A_66 = arith.constant 0 : i32
      %run_scoped3A_67 = arith.constant 0 : i32
      "tpu.region"() ({
        %run_scoped3A_131 = tpu.sem_alloc : memref<!tpu.dma_semaphore, #tpu.memory_space<semaphore_mem>>
        %dma_start3A = arith.constant 0 : i32
        %dma_start3A_132 = tpu.memref_slice %arg8[%run_scoped3A_67, %dma_start3A] : memref<39x128xf32, #tpu.memory_space<vmem>> -> memref<1x128xf32, #tpu.memory_space<vmem>>
        %dma_start3A_133 = tpu.memref_squeeze %dma_start3A_132 : memref<1x128xf32, #tpu.memory_space<vmem>> -> memref<128xf32, #tpu.memory_space<vmem>>
        %dma_start3A_134 = arith.constant 0 : i32
        %dma_start3A_135 = tpu.memref_slice %arg6[%run_scoped3A_66, %dma_start3A_134] : memref<39x128xi32, #tpu.memory_space<vmem>> -> memref<1x128xi32, #tpu.memory_space<vmem>>
        %dma_start3A_136 = tpu.memref_squeeze %dma_start3A_135 : memref<1x128xi32, #tpu.memory_space<vmem>> -> memref<128xi32, #tpu.memory_space<vmem>>
        %dma_start3A_137 = arith.constant 0 : i32
        %dma_start3A_138 = tpu.memref_slice %arg3[%while3A_21, %dma_start3A_137] : memref<2x100352xf32, #tpu.memory_space<hbm>> -> memref<1x100352xf32, #tpu.memory_space<hbm>>
        %dma_start3A_139 = tpu.memref_squeeze %dma_start3A_138 : memref<1x100352xf32, #tpu.memory_space<hbm>> -> memref<100352xf32, #tpu.memory_space<hbm>>
        %dma_start3A_140 = arith.constant 0 : i32
        %dma_start3A_141 = tpu.memref_slice %dma_start3A_139[%dma_start3A_140] : memref<100352xf32, #tpu.memory_space<hbm>> -> memref<100352xf32, #tpu.memory_space<hbm>>
        tpu.enqueue_indirect_dma source(%dma_start3A_141 : memref<100352xf32, #tpu.memory_space<hbm>>) target(%dma_start3A_133 : memref<128xf32, #tpu.memory_space<vmem>>) offsets(%dma_start3A_136 : memref<128xi32, #tpu.memory_space<vmem>>) semaphore(%run_scoped3A_131 : memref<!tpu.dma_semaphore, #tpu.memory_space<semaphore_mem>>)
        %dma_wait3A = arith.constant 0 : i32
        %dma_wait3A_142 = tpu.memref_slice %arg8[%run_scoped3A_67, %dma_wait3A] : memref<39x128xf32, #tpu.memory_space<vmem>> -> memref<1x128xf32, #tpu.memory_space<vmem>>
        %dma_wait3A_143 = tpu.memref_squeeze %dma_wait3A_142 : memref<1x128xf32, #tpu.memory_space<vmem>> -> memref<128xf32, #tpu.memory_space<vmem>>
        %dma_wait3A_144 = arith.constant 0 : i32
        %dma_wait3A_145 = tpu.memref_slice %arg6[%run_scoped3A_66, %dma_wait3A_144] : memref<39x128xi32, #tpu.memory_space<vmem>> -> memref<1x128xi32, #tpu.memory_space<vmem>>
        %dma_wait3A_146 = tpu.memref_squeeze %dma_wait3A_145 : memref<1x128xi32, #tpu.memory_space<vmem>> -> memref<128xi32, #tpu.memory_space<vmem>>
        %dma_wait3A_147 = arith.constant 0 : i32
        %dma_wait3A_148 = tpu.memref_slice %arg3[%while3A_21, %dma_wait3A_147] : memref<2x100352xf32, #tpu.memory_space<hbm>> -> memref<1x100352xf32, #tpu.memory_space<hbm>>
        %dma_wait3A_149 = tpu.memref_squeeze %dma_wait3A_148 : memref<1x100352xf32, #tpu.memory_space<hbm>> -> memref<100352xf32, #tpu.memory_space<hbm>>
        %dma_wait3A_150 = arith.constant 0 : i32
        %dma_wait3A_151 = tpu.memref_slice %dma_wait3A_149[%dma_wait3A_150] : memref<100352xf32, #tpu.memory_space<hbm>> -> memref<100352xf32, #tpu.memory_space<hbm>>
        tpu.wait_indirect_dma semaphore(%run_scoped3A_131 : memref<!tpu.dma_semaphore, #tpu.memory_space<semaphore_mem>>) src(%dma_wait3A_151 : memref<100352xf32, #tpu.memory_space<hbm>>) dst(%dma_wait3A_143 : memref<128xf32, #tpu.memory_space<vmem>>)
        tpu.yield
      }) : () -> ()
      %get3A = arith.constant 0 : i32
      %get3A_68 = arith.index_cast %get3A : i32 to index
      %get3A_69 = arith.constant 0 : index
      %get3A_70 = tpu.vector_load %arg7[%get3A_68, %get3A_69] {strides = array<i32>} : memref<39x128xi32, #tpu.memory_space<vmem>>, vector<16xi32>,
      %get3A_71 = arith.constant 0 : i32
      %get3A_72 = arith.index_cast %get3A_71 : i32 to index
      %get3A_73 = arith.constant 0 : index
      %get3A_74 = tpu.vector_load %arg8[%get3A_72, %get3A_73] {strides = array<i32>} : memref<39x128xf32, #tpu.memory_space<vmem>>, vector<16xf32>,
      tpu.vector_store_idx %arg12[%get3A_70], %get3A_74 {add = true} : memref<100352xf32, #tpu.memory_space<vmem>>[vector<16xi32>], vector<16xf32>,
      %get3A_75 = arith.constant 0 : i32
      %get3A_76 = arith.index_cast %get3A_75 : i32 to index
      %get3A_77 = arith.constant 16 : index
      %get3A_78 = tpu.vector_load %arg7[%get3A_76, %get3A_77] {strides = array<i32>} : memref<39x128xi32, #tpu.memory_space<vmem>>, vector<16xi32>,
      %get3A_79 = arith.constant 0 : i32
      %get3A_80 = arith.index_cast %get3A_79 : i32 to index
      %get3A_81 = arith.constant 16 : index
      %get3A_82 = tpu.vector_load %arg8[%get3A_80, %get3A_81] {strides = array<i32>} : memref<39x128xf32, #tpu.memory_space<vmem>>, vector<16xf32>,
      tpu.vector_store_idx %arg12[%get3A_78], %get3A_82 {add = true} : memref<100352xf32, #tpu.memory_space<vmem>>[vector<16xi32>], vector<16xf32>,
      %get3A_83 = arith.constant 0 : i32
      %get3A_84 = arith.index_cast %get3A_83 : i32 to index
      %get3A_85 = arith.constant 32 : index
      %get3A_86 = tpu.vector_load %arg7[%get3A_84, %get3A_85] {strides = array<i32>} : memref<39x128xi32, #tpu.memory_space<vmem>>, vector<16xi32>,
      %get3A_87 = arith.constant 0 : i32
      %get3A_88 = arith.index_cast %get3A_87 : i32 to index
      %get3A_89 = arith.constant 32 : index
      %get3A_90 = tpu.vector_load %arg8[%get3A_88, %get3A_89] {strides = array<i32>} : memref<39x128xf32, #tpu.memory_space<vmem>>, vector<16xf32>,
      tpu.vector_store_idx %arg12[%get3A_86], %get3A_90 {add = true} : memref<100352xf32, #tpu.memory_space<vmem>>[vector<16xi32>], vector<16xf32>,
      %get3A_91 = arith.constant 0 : i32
      %get3A_92 = arith.index_cast %get3A_91 : i32 to index
      %get3A_93 = arith.constant 48 : index
      %get3A_94 = tpu.vector_load %arg7[%get3A_92, %get3A_93] {strides = array<i32>} : memref<39x128xi32, #tpu.memory_space<vmem>>, vector<16xi32>,
      %get3A_95 = arith.constant 0 : i32
      %get3A_96 = arith.index_cast %get3A_95 : i32 to index
      %get3A_97 = arith.constant 48 : index
      %get3A_98 = tpu.vector_load %arg8[%get3A_96, %get3A_97] {strides = array<i32>} : memref<39x128xf32, #tpu.memory_space<vmem>>, vector<16xf32>,
      tpu.vector_store_idx %arg12[%get3A_94], %get3A_98 {add = true} : memref<100352xf32, #tpu.memory_space<vmem>>[vector<16xi32>], vector<16xf32>,
      %get3A_99 = arith.constant 0 : i32
      %get3A_100 = arith.index_cast %get3A_99 : i32 to index
      %get3A_101 = arith.constant 64 : index
      %get3A_102 = tpu.vector_load %arg7[%get3A_100, %get3A_101] {strides = array<i32>} : memref<39x128xi32, #tpu.memory_space<vmem>>, vector<16xi32>,
      %get3A_103 = arith.constant 0 : i32
      %get3A_104 = arith.index_cast %get3A_103 : i32 to index
      %get3A_105 = arith.constant 64 : index
      %get3A_106 = tpu.vector_load %arg8[%get3A_104, %get3A_105] {strides = array<i32>} : memref<39x128xf32, #tpu.memory_space<vmem>>, vector<16xf32>,
      tpu.vector_store_idx %arg12[%get3A_102], %get3A_106 {add = true} : memref<100352xf32, #tpu.memory_space<vmem>>[vector<16xi32>], vector<16xf32>,
      %get3A_107 = arith.constant 0 : i32
      %get3A_108 = arith.index_cast %get3A_107 : i32 to index
      %get3A_109 = arith.constant 80 : index
      %get3A_110 = tpu.vector_load %arg7[%get3A_108, %get3A_109] {strides = array<i32>} : memref<39x128xi32, #tpu.memory_space<vmem>>, vector<16xi32>,
      %get3A_111 = arith.constant 0 : i32
      %get3A_112 = arith.index_cast %get3A_111 : i32 to index
      %get3A_113 = arith.constant 80 : index
      %get3A_114 = tpu.vector_load %arg8[%get3A_112, %get3A_113] {strides = array<i32>} : memref<39x128xf32, #tpu.memory_space<vmem>>, vector<16xf32>,
      tpu.vector_store_idx %arg12[%get3A_110], %get3A_114 {add = true} : memref<100352xf32, #tpu.memory_space<vmem>>[vector<16xi32>], vector<16xf32>,
      %get3A_115 = arith.constant 0 : i32
      %get3A_116 = arith.index_cast %get3A_115 : i32 to index
      %get3A_117 = arith.constant 96 : index
      %get3A_118 = tpu.vector_load %arg7[%get3A_116, %get3A_117] {strides = array<i32>} : memref<39x128xi32, #tpu.memory_space<vmem>>, vector<16xi32>,
      %get3A_119 = arith.constant 0 : i32
      %get3A_120 = arith.index_cast %get3A_119 : i32 to index
      %get3A_121 = arith.constant 96 : index
      %get3A_122 = tpu.vector_load %arg8[%get3A_120, %get3A_121] {strides = array<i32>} : memref<39x128xf32, #tpu.memory_space<vmem>>, vector<16xf32>,
      tpu.vector_store_idx %arg12[%get3A_118], %get3A_122 {add = true} : memref<100352xf32, #tpu.memory_space<vmem>>[vector<16xi32>], vector<16xf32>,
      %get3A_123 = arith.constant 0 : i32
      %get3A_124 = arith.index_cast %get3A_123 : i32 to index
      %get3A_125 = arith.constant 112 : index
      %get3A_126 = tpu.vector_load %arg7[%get3A_124, %get3A_125] {strides = array<i32>} : memref<39x128xi32, #tpu.memory_space<vmem>>, vector<16xi32>,
      %get3A_127 = arith.constant 0 : i32
      %get3A_128 = arith.index_cast %get3A_127 : i32 to index
      %get3A_129 = arith.constant 112 : index
      %get3A_130 = tpu.vector_load %arg8[%get3A_128, %get3A_129] {strides = array<i32>} : memref<39x128xf32, #tpu.memory_space<vmem>>, vector<16xf32>,
      tpu.vector_store_idx %arg12[%get3A_126], %get3A_130 {add = true} : memref<100352xf32, #tpu.memory_space<vmem>>[vector<16xi32>], vector<16xf32>,
    }
    %run_scoped3A = arith.constant 0 : i32
    "tpu.region"() ({
      %run_scoped3A_61 = tpu.sem_alloc : memref<!tpu.dma_semaphore, #tpu.memory_space<semaphore_mem>>
      %dma_start3A = arith.constant 0 : i32
      %dma_start3A_62 = tpu.memref_slice %arg5[%arg0, %arg1, %run_scoped3A, %dma_start3A] : memref<2x16x2x100352xf32, #tpu.memory_space<hbm>> -> memref<1x1x1x100352xf32, #tpu.memory_space<hbm>>
      %dma_start3A_63 = tpu.memref_squeeze %dma_start3A_62 : memref<1x1x1x100352xf32, #tpu.memory_space<hbm>> -> memref<100352xf32, #tpu.memory_space<hbm>>
      %dma_start3A_64 = arith.constant 0 : i32
      %dma_start3A_65 = tpu.memref_slice %arg5[%arg0, %arg1, %run_scoped3A, %dma_start3A_64] : memref<2x16x2x100352xf32, #tpu.memory_space<hbm>> -> memref<1x1x1x100352xf32, #tpu.memory_space<hbm>>
      %dma_start3A_66 = tpu.memref_squeeze %dma_start3A_65 : memref<1x1x1x100352xf32, #tpu.memory_space<hbm>> -> memref<100352xf32, #tpu.memory_space<hbm>>
      tpu.enqueue_dma source(%arg12 : memref<100352xf32, #tpu.memory_space<vmem>>) target(%dma_start3A_66 : memref<100352xf32, #tpu.memory_space<hbm>>) target_semaphore(%run_scoped3A_61 : memref<!tpu.dma_semaphore, #tpu.memory_space<semaphore_mem>>)
      %dma_wait3A = arith.constant 0 : i32
      %dma_wait3A_67 = tpu.memref_slice %arg5[%arg0, %arg1, %run_scoped3A, %dma_wait3A] : memref<2x16x2x100352xf32, #tpu.memory_space<hbm>> -> memref<1x1x1x100352xf32, #tpu.memory_space<hbm>>
      %dma_wait3A_68 = tpu.memref_squeeze %dma_wait3A_67 : memref<1x1x1x100352xf32, #tpu.memory_space<hbm>> -> memref<100352xf32, #tpu.memory_space<hbm>>
      %dma_wait3A_69 = arith.constant 0 : i32
      %dma_wait3A_70 = tpu.memref_slice %arg5[%arg0, %arg1, %run_scoped3A, %dma_wait3A_69] : memref<2x16x2x100352xf32, #tpu.memory_space<hbm>> -> memref<1x1x1x100352xf32, #tpu.memory_space<hbm>>
      %dma_wait3A_71 = tpu.memref_squeeze %dma_wait3A_70 : memref<1x1x1x100352xf32, #tpu.memory_space<hbm>> -> memref<100352xf32, #tpu.memory_space<hbm>>
      tpu.wait_dma2 semaphore(%run_scoped3A_61 : memref<!tpu.dma_semaphore, #tpu.memory_space<semaphore_mem>>) src(%arg12 : memref<100352xf32, #tpu.memory_space<vmem>>) dst(%dma_wait3A_71 : memref<100352xf32, #tpu.memory_space<hbm>>)
      tpu.yield
    }) : () -> ()
    "tpu.region"() ({
      %run_scoped3A_61 = tpu.sem_alloc : memref<!tpu.dma_semaphore, #tpu.memory_space<semaphore_mem>>
      tpu.enqueue_dma source(%arg4 : memref<100352xf32, #tpu.memory_space<hbm>>) target(%arg12 : memref<100352xf32, #tpu.memory_space<vmem>>) target_semaphore(%run_scoped3A_61 : memref<!tpu.dma_semaphore, #tpu.memory_space<semaphore_mem>>)
      tpu.wait_dma2 semaphore(%run_scoped3A_61 : memref<!tpu.dma_semaphore, #tpu.memory_space<semaphore_mem>>) src(%arg4 : memref<100352xf32, #tpu.memory_space<hbm>>) dst(%arg12 : memref<100352xf32, #tpu.memory_space<vmem>>)
      tpu.yield
    }) : () -> ()
    %scan3A_31 = arith.constant 1 : i32
    %scan3A_32 = arith.constant 0 : i32
    %scan3A_33 = arith.constant 5 : i32
    %scan3A_34 = arith.addi %scan3A_32, %scan3A_33 : i32
    %scan3A_35 = arith.constant 1 : i32
    scf.for %scan3A_61 = %scan3A_32 to %scan3A_34 step %scan3A_35  : i32 {
      %mul3A_62 = arith.constant 1 : i32
      %mul3A_63 = arith.muli %scan3A_61, %mul3A_62 : i32
      %add3A_64 = arith.constant 0 : i32
      %add3A_65 = arith.addi %add3A_64, %mul3A_63 : i32
      %mul3A_66 = arith.constant 2 : i32
      %mul3A_67 = arith.muli %add3A_65, %mul3A_66 : i32
      %mul3A_68 = arith.constant 39 : i32
      %mul3A_69 = arith.muli %mul3A_67, %mul3A_68 : i32
      %add3A_70 = arith.addi %add3A_4, %mul3A_69 : i32
      %run_scoped3A_71 = arith.constant 0 : i32
      "tpu.region"() ({
        %run_scoped3A_109 = tpu.sem_alloc : memref<!tpu.dma_semaphore, #tpu.memory_space<semaphore_mem>>
        %dma_start3A = arith.constant 0 : i32
        %dma_start3A_110 = tpu.memref_slice %arg2[%run_scoped3A_71, %add3A_70, %dma_start3A] : memref<2x12500x128xi32, #tpu.memory_space<hbm>> -> memref<1x39x128xi32, #tpu.memory_space<hbm>>
        %dma_start3A_111 = tpu.memref_squeeze %dma_start3A_110 : memref<1x39x128xi32, #tpu.memory_space<hbm>> -> memref<39x128xi32, #tpu.memory_space<hbm>>
        %dma_start3A_112 = arith.constant 0 : i32
        %dma_start3A_113 = tpu.memref_slice %arg2[%run_scoped3A_71, %add3A_70, %dma_start3A_112] : memref<2x12500x128xi32, #tpu.memory_space<hbm>> -> memref<1x39x128xi32, #tpu.memory_space<hbm>>
        %dma_start3A_114 = tpu.memref_squeeze %dma_start3A_113 : memref<1x39x128xi32, #tpu.memory_space<hbm>> -> memref<39x128xi32, #tpu.memory_space<hbm>>
        tpu.enqueue_dma source(%dma_start3A_114 : memref<39x128xi32, #tpu.memory_space<hbm>>) target(%arg6 : memref<39x128xi32, #tpu.memory_space<vmem>>) target_semaphore(%run_scoped3A_109 : memref<!tpu.dma_semaphore, #tpu.memory_space<semaphore_mem>>)
        %dma_wait3A = arith.constant 0 : i32
        %dma_wait3A_115 = tpu.memref_slice %arg2[%run_scoped3A_71, %add3A_70, %dma_wait3A] : memref<2x12500x128xi32, #tpu.memory_space<hbm>> -> memref<1x39x128xi32, #tpu.memory_space<hbm>>
        %dma_wait3A_116 = tpu.memref_squeeze %dma_wait3A_115 : memref<1x39x128xi32, #tpu.memory_space<hbm>> -> memref<39x128xi32, #tpu.memory_space<hbm>>
        %dma_wait3A_117 = arith.constant 0 : i32
        %dma_wait3A_118 = tpu.memref_slice %arg2[%run_scoped3A_71, %add3A_70, %dma_wait3A_117] : memref<2x12500x128xi32, #tpu.memory_space<hbm>> -> memref<1x39x128xi32, #tpu.memory_space<hbm>>
        %dma_wait3A_119 = tpu.memref_squeeze %dma_wait3A_118 : memref<1x39x128xi32, #tpu.memory_space<hbm>> -> memref<39x128xi32, #tpu.memory_space<hbm>>
        tpu.wait_dma2 semaphore(%run_scoped3A_109 : memref<!tpu.dma_semaphore, #tpu.memory_space<semaphore_mem>>) src(%dma_wait3A_119 : memref<39x128xi32, #tpu.memory_space<hbm>>) dst(%arg6 : memref<39x128xi32, #tpu.memory_space<vmem>>)
        tpu.yield
      }) : () -> ()
      %run_scoped3A_72 = arith.constant 1 : i32
      "tpu.region"() ({
        %run_scoped3A_109 = tpu.sem_alloc : memref<!tpu.dma_semaphore, #tpu.memory_space<semaphore_mem>>
        %dma_start3A = arith.constant 0 : i32
        %dma_start3A_110 = tpu.memref_slice %arg2[%run_scoped3A_72, %add3A_70, %dma_start3A] : memref<2x12500x128xi32, #tpu.memory_space<hbm>> -> memref<1x39x128xi32, #tpu.memory_space<hbm>>
        %dma_start3A_111 = tpu.memref_squeeze %dma_start3A_110 : memref<1x39x128xi32, #tpu.memory_space<hbm>> -> memref<39x128xi32, #tpu.memory_space<hbm>>
        %dma_start3A_112 = arith.constant 0 : i32
        %dma_start3A_113 = tpu.memref_slice %arg2[%run_scoped3A_72, %add3A_70, %dma_start3A_112] : memref<2x12500x128xi32, #tpu.memory_space<hbm>> -> memref<1x39x128xi32, #tpu.memory_space<hbm>>
        %dma_start3A_114 = tpu.memref_squeeze %dma_start3A_113 : memref<1x39x128xi32, #tpu.memory_space<hbm>> -> memref<39x128xi32, #tpu.memory_space<hbm>>
        tpu.enqueue_dma source(%dma_start3A_114 : memref<39x128xi32, #tpu.memory_space<hbm>>) target(%arg7 : memref<39x128xi32, #tpu.memory_space<vmem>>) target_semaphore(%run_scoped3A_109 : memref<!tpu.dma_semaphore, #tpu.memory_space<semaphore_mem>>)
        %dma_wait3A = arith.constant 0 : i32
        %dma_wait3A_115 = tpu.memref_slice %arg2[%run_scoped3A_72, %add3A_70, %dma_wait3A] : memref<2x12500x128xi32, #tpu.memory_space<hbm>> -> memref<1x39x128xi32, #tpu.memory_space<hbm>>
        %dma_wait3A_116 = tpu.memref_squeeze %dma_wait3A_115 : memref<1x39x128xi32, #tpu.memory_space<hbm>> -> memref<39x128xi32, #tpu.memory_space<hbm>>
        %dma_wait3A_117 = arith.constant 0 : i32
        %dma_wait3A_118 = tpu.memref_slice %arg2[%run_scoped3A_72, %add3A_70, %dma_wait3A_117] : memref<2x12500x128xi32, #tpu.memory_space<hbm>> -> memref<1x39x128xi32, #tpu.memory_space<hbm>>
        %dma_wait3A_119 = tpu.memref_squeeze %dma_wait3A_118 : memref<1x39x128xi32, #tpu.memory_space<hbm>> -> memref<39x128xi32, #tpu.memory_space<hbm>>
        tpu.wait_dma2 semaphore(%run_scoped3A_109 : memref<!tpu.dma_semaphore, #tpu.memory_space<semaphore_mem>>) src(%dma_wait3A_119 : memref<39x128xi32, #tpu.memory_space<hbm>>) dst(%arg7 : memref<39x128xi32, #tpu.memory_space<vmem>>)
        tpu.yield
      }) : () -> ()
      %scan3A_73 = arith.constant 0 : i32
      %scan3A_74 = arith.constant 39 : i32
      %scan3A_75 = arith.addi %scan3A_73, %scan3A_74 : i32
      %scan3A_76 = arith.constant 1 : i32
      scf.for %scan3A_109 = %scan3A_73 to %scan3A_75 step %scan3A_76  : i32 {
        %mul3A_110 = arith.constant 1 : i32
        %mul3A_111 = arith.muli %scan3A_109, %mul3A_110 : i32
        %add3A_112 = arith.constant 0 : i32
        %add3A_113 = arith.addi %add3A_112, %mul3A_111 : i32
        %dma_start3A = arith.constant 0 : i32
        %dma_start3A_114 = tpu.memref_slice %arg8[%add3A_113, %dma_start3A] : memref<39x128xf32, #tpu.memory_space<vmem>> -> memref<1x128xf32, #tpu.memory_space<vmem>>
        %dma_start3A_115 = tpu.memref_squeeze %dma_start3A_114 : memref<1x128xf32, #tpu.memory_space<vmem>> -> memref<128xf32, #tpu.memory_space<vmem>>
        %dma_start3A_116 = arith.constant 0 : i32
        %dma_start3A_117 = tpu.memref_slice %arg6[%add3A_113, %dma_start3A_116] : memref<39x128xi32, #tpu.memory_space<vmem>> -> memref<1x128xi32, #tpu.memory_space<vmem>>
        %dma_start3A_118 = tpu.memref_squeeze %dma_start3A_117 : memref<1x128xi32, #tpu.memory_space<vmem>> -> memref<128xi32, #tpu.memory_space<vmem>>
        %dma_start3A_119 = arith.constant 0 : i32
        %dma_start3A_120 = tpu.memref_slice %arg3[%scan3A_31, %dma_start3A_119] : memref<2x100352xf32, #tpu.memory_space<hbm>> -> memref<1x100352xf32, #tpu.memory_space<hbm>>
        %dma_start3A_121 = tpu.memref_squeeze %dma_start3A_120 : memref<1x100352xf32, #tpu.memory_space<hbm>> -> memref<100352xf32, #tpu.memory_space<hbm>>
        %dma_start3A_122 = arith.constant 0 : i32
        %dma_start3A_123 = tpu.memref_slice %dma_start3A_121[%dma_start3A_122] : memref<100352xf32, #tpu.memory_space<hbm>> -> memref<100352xf32, #tpu.memory_space<hbm>>
        tpu.enqueue_indirect_dma source(%dma_start3A_123 : memref<100352xf32, #tpu.memory_space<hbm>>) target(%dma_start3A_115 : memref<128xf32, #tpu.memory_space<vmem>>) offsets(%dma_start3A_118 : memref<128xi32, #tpu.memory_space<vmem>>) semaphore(%arg13 : memref<!tpu.dma_semaphore, #tpu.memory_space<semaphore_mem>>)
      }
      %scan3A_77 = arith.constant 39 : i32
      %add3A_78 = arith.constant 39 : i32
      %add3A_79 = arith.addi %add3A_70, %add3A_78 : i32
      %run_scoped3A_80 = arith.constant 0 : i32
      "tpu.region"() ({
        %run_scoped3A_109 = tpu.sem_alloc : memref<!tpu.dma_semaphore, #tpu.memory_space<semaphore_mem>>
        %dma_start3A = arith.constant 0 : i32
        %dma_start3A_110 = tpu.memref_slice %arg2[%run_scoped3A_80, %add3A_79, %dma_start3A] : memref<2x12500x128xi32, #tpu.memory_space<hbm>> -> memref<1x39x128xi32, #tpu.memory_space<hbm>>
        %dma_start3A_111 = tpu.memref_squeeze %dma_start3A_110 : memref<1x39x128xi32, #tpu.memory_space<hbm>> -> memref<39x128xi32, #tpu.memory_space<hbm>>
        %dma_start3A_112 = arith.constant 0 : i32
        %dma_start3A_113 = tpu.memref_slice %arg2[%run_scoped3A_80, %add3A_79, %dma_start3A_112] : memref<2x12500x128xi32, #tpu.memory_space<hbm>> -> memref<1x39x128xi32, #tpu.memory_space<hbm>>
        %dma_start3A_114 = tpu.memref_squeeze %dma_start3A_113 : memref<1x39x128xi32, #tpu.memory_space<hbm>> -> memref<39x128xi32, #tpu.memory_space<hbm>>
        tpu.enqueue_dma source(%dma_start3A_114 : memref<39x128xi32, #tpu.memory_space<hbm>>) target(%arg9 : memref<39x128xi32, #tpu.memory_space<vmem>>) target_semaphore(%run_scoped3A_109 : memref<!tpu.dma_semaphore, #tpu.memory_space<semaphore_mem>>)
        %dma_wait3A = arith.constant 0 : i32
        %dma_wait3A_115 = tpu.memref_slice %arg2[%run_scoped3A_80, %add3A_79, %dma_wait3A] : memref<2x12500x128xi32, #tpu.memory_space<hbm>> -> memref<1x39x128xi32, #tpu.memory_space<hbm>>
        %dma_wait3A_116 = tpu.memref_squeeze %dma_wait3A_115 : memref<1x39x128xi32, #tpu.memory_space<hbm>> -> memref<39x128xi32, #tpu.memory_space<hbm>>
        %dma_wait3A_117 = arith.constant 0 : i32
        %dma_wait3A_118 = tpu.memref_slice %arg2[%run_scoped3A_80, %add3A_79, %dma_wait3A_117] : memref<2x12500x128xi32, #tpu.memory_space<hbm>> -> memref<1x39x128xi32, #tpu.memory_space<hbm>>
        %dma_wait3A_119 = tpu.memref_squeeze %dma_wait3A_118 : memref<1x39x128xi32, #tpu.memory_space<hbm>> -> memref<39x128xi32, #tpu.memory_space<hbm>>
        tpu.wait_dma2 semaphore(%run_scoped3A_109 : memref<!tpu.dma_semaphore, #tpu.memory_space<semaphore_mem>>) src(%dma_wait3A_119 : memref<39x128xi32, #tpu.memory_space<hbm>>) dst(%arg9 : memref<39x128xi32, #tpu.memory_space<vmem>>)
        tpu.yield
      }) : () -> ()
      %add3A_81 = arith.constant 39 : i32
      %add3A_82 = arith.addi %add3A_70, %add3A_81 : i32
      %run_scoped3A_83 = arith.constant 1 : i32
      "tpu.region"() ({
        %run_scoped3A_109 = tpu.sem_alloc : memref<!tpu.dma_semaphore, #tpu.memory_space<semaphore_mem>>
        %dma_start3A = arith.constant 0 : i32
        %dma_start3A_110 = tpu.memref_slice %arg2[%run_scoped3A_83, %add3A_82, %dma_start3A] : memref<2x12500x128xi32, #tpu.memory_space<hbm>> -> memref<1x39x128xi32, #tpu.memory_space<hbm>>
        %dma_start3A_111 = tpu.memref_squeeze %dma_start3A_110 : memref<1x39x128xi32, #tpu.memory_space<hbm>> -> memref<39x128xi32, #tpu.memory_space<hbm>>
        %dma_start3A_112 = arith.constant 0 : i32
        %dma_start3A_113 = tpu.memref_slice %arg2[%run_scoped3A_83, %add3A_82, %dma_start3A_112] : memref<2x12500x128xi32, #tpu.memory_space<hbm>> -> memref<1x39x128xi32, #tpu.memory_space<hbm>>
        %dma_start3A_114 = tpu.memref_squeeze %dma_start3A_113 : memref<1x39x128xi32, #tpu.memory_space<hbm>> -> memref<39x128xi32, #tpu.memory_space<hbm>>
        tpu.enqueue_dma source(%dma_start3A_114 : memref<39x128xi32, #tpu.memory_space<hbm>>) target(%arg10 : memref<39x128xi32, #tpu.memory_space<vmem>>) target_semaphore(%run_scoped3A_109 : memref<!tpu.dma_semaphore, #tpu.memory_space<semaphore_mem>>)
        %dma_wait3A = arith.constant 0 : i32
        %dma_wait3A_115 = tpu.memref_slice %arg2[%run_scoped3A_83, %add3A_82, %dma_wait3A] : memref<2x12500x128xi32, #tpu.memory_space<hbm>> -> memref<1x39x128xi32, #tpu.memory_space<hbm>>
        %dma_wait3A_116 = tpu.memref_squeeze %dma_wait3A_115 : memref<1x39x128xi32, #tpu.memory_space<hbm>> -> memref<39x128xi32, #tpu.memory_space<hbm>>
        %dma_wait3A_117 = arith.constant 0 : i32
        %dma_wait3A_118 = tpu.memref_slice %arg2[%run_scoped3A_83, %add3A_82, %dma_wait3A_117] : memref<2x12500x128xi32, #tpu.memory_space<hbm>> -> memref<1x39x128xi32, #tpu.memory_space<hbm>>
        %dma_wait3A_119 = tpu.memref_squeeze %dma_wait3A_118 : memref<1x39x128xi32, #tpu.memory_space<hbm>> -> memref<39x128xi32, #tpu.memory_space<hbm>>
        tpu.wait_dma2 semaphore(%run_scoped3A_109 : memref<!tpu.dma_semaphore, #tpu.memory_space<semaphore_mem>>) src(%dma_wait3A_119 : memref<39x128xi32, #tpu.memory_space<hbm>>) dst(%arg10 : memref<39x128xi32, #tpu.memory_space<vmem>>)
        tpu.yield
      }) : () -> ()
      %scan3A_84 = arith.constant 0 : i32
      %scan3A_85 = arith.constant 39 : i32
      %scan3A_86 = arith.addi %scan3A_84, %scan3A_85 : i32
      %scan3A_87 = arith.constant 1 : i32
      scf.for %scan3A_109 = %scan3A_84 to %scan3A_86 step %scan3A_87  : i32 {
        %mul3A_110 = arith.constant 1 : i32
        %mul3A_111 = arith.muli %scan3A_109, %mul3A_110 : i32
        %add3A_112 = arith.constant 0 : i32
        %add3A_113 = arith.addi %add3A_112, %mul3A_111 : i32
        %dma_start3A = arith.constant 0 : i32
        %dma_start3A_114 = tpu.memref_slice %arg11[%add3A_113, %dma_start3A] : memref<39x128xf32, #tpu.memory_space<vmem>> -> memref<1x128xf32, #tpu.memory_space<vmem>>
        %dma_start3A_115 = tpu.memref_squeeze %dma_start3A_114 : memref<1x128xf32, #tpu.memory_space<vmem>> -> memref<128xf32, #tpu.memory_space<vmem>>
        %dma_start3A_116 = arith.constant 0 : i32
        %dma_start3A_117 = tpu.memref_slice %arg9[%add3A_113, %dma_start3A_116] : memref<39x128xi32, #tpu.memory_space<vmem>> -> memref<1x128xi32, #tpu.memory_space<vmem>>
        %dma_start3A_118 = tpu.memref_squeeze %dma_start3A_117 : memref<1x128xi32, #tpu.memory_space<vmem>> -> memref<128xi32, #tpu.memory_space<vmem>>
        %dma_start3A_119 = arith.constant 0 : i32
        %dma_start3A_120 = tpu.memref_slice %arg3[%scan3A_31, %dma_start3A_119] : memref<2x100352xf32, #tpu.memory_space<hbm>> -> memref<1x100352xf32, #tpu.memory_space<hbm>>
        %dma_start3A_121 = tpu.memref_squeeze %dma_start3A_120 : memref<1x100352xf32, #tpu.memory_space<hbm>> -> memref<100352xf32, #tpu.memory_space<hbm>>
        %dma_start3A_122 = arith.constant 0 : i32
        %dma_start3A_123 = tpu.memref_slice %dma_start3A_121[%dma_start3A_122] : memref<100352xf32, #tpu.memory_space<hbm>> -> memref<100352xf32, #tpu.memory_space<hbm>>
        tpu.enqueue_indirect_dma source(%dma_start3A_123 : memref<100352xf32, #tpu.memory_space<hbm>>) target(%dma_start3A_115 : memref<128xf32, #tpu.memory_space<vmem>>) offsets(%dma_start3A_118 : memref<128xi32, #tpu.memory_space<vmem>>) semaphore(%arg14 : memref<!tpu.dma_semaphore, #tpu.memory_space<semaphore_mem>>)
      }
      %scan3A_88 = arith.constant 39 : i32
      %scan3A_89 = arith.constant 0 : i32
      %scan3A_90 = arith.constant 39 : i32
      %scan3A_91 = arith.addi %scan3A_89, %scan3A_90 : i32
      %scan3A_92 = arith.constant 1 : i32
      scf.for %scan3A_109 = %scan3A_89 to %scan3A_91 step %scan3A_92  : i32 {
        %mul3A_110 = arith.constant 1 : i32
        %mul3A_111 = arith.muli %scan3A_109, %mul3A_110 : i32
        %add3A_112 = arith.constant 0 : i32
        %add3A_113 = arith.addi %add3A_112, %mul3A_111 : i32
        %dma_wait3A = arith.constant 0 : i32
        %dma_wait3A_114 = tpu.memref_slice %arg8[%add3A_113, %dma_wait3A] : memref<39x128xf32, #tpu.memory_space<vmem>> -> memref<1x128xf32, #tpu.memory_space<vmem>>
        %dma_wait3A_115 = tpu.memref_squeeze %dma_wait3A_114 : memref<1x128xf32, #tpu.memory_space<vmem>> -> memref<128xf32, #tpu.memory_space<vmem>>
        %dma_wait3A_116 = arith.constant 0 : i32
        %dma_wait3A_117 = tpu.memref_slice %arg6[%add3A_113, %dma_wait3A_116] : memref<39x128xi32, #tpu.memory_space<vmem>> -> memref<1x128xi32, #tpu.memory_space<vmem>>
        %dma_wait3A_118 = tpu.memref_squeeze %dma_wait3A_117 : memref<1x128xi32, #tpu.memory_space<vmem>> -> memref<128xi32, #tpu.memory_space<vmem>>
        %dma_wait3A_119 = arith.constant 0 : i32
        %dma_wait3A_120 = tpu.memref_slice %arg3[%scan3A_31, %dma_wait3A_119] : memref<2x100352xf32, #tpu.memory_space<hbm>> -> memref<1x100352xf32, #tpu.memory_space<hbm>>
        %dma_wait3A_121 = tpu.memref_squeeze %dma_wait3A_120 : memref<1x100352xf32, #tpu.memory_space<hbm>> -> memref<100352xf32, #tpu.memory_space<hbm>>
        %dma_wait3A_122 = arith.constant 0 : i32
        %dma_wait3A_123 = tpu.memref_slice %dma_wait3A_121[%dma_wait3A_122] : memref<100352xf32, #tpu.memory_space<hbm>> -> memref<100352xf32, #tpu.memory_space<hbm>>
        tpu.wait_indirect_dma semaphore(%arg13 : memref<!tpu.dma_semaphore, #tpu.memory_space<semaphore_mem>>) src(%dma_wait3A_123 : memref<100352xf32, #tpu.memory_space<hbm>>) dst(%dma_wait3A_115 : memref<128xf32, #tpu.memory_space<vmem>>)
      }
      %scan3A_93 = arith.constant 39 : i32
      %scan3A_94 = arith.constant 0 : i32
      %scan3A_95 = arith.constant 39 : i32
      %scan3A_96 = arith.addi %scan3A_94, %scan3A_95 : i32
      %scan3A_97 = arith.constant 1 : i32
      scf.for %scan3A_109 = %scan3A_94 to %scan3A_96 step %scan3A_97  : i32 {
        %mul3A_110 = arith.constant 1 : i32
        %mul3A_111 = arith.muli %scan3A_109, %mul3A_110 : i32
        %add3A_112 = arith.constant 0 : i32
        %add3A_113 = arith.addi %add3A_112, %mul3A_111 : i32
        %get3A = arith.index_cast %add3A_113 : i32 to index
        %get3A_114 = arith.constant 0 : index
        %get3A_115 = tpu.vector_load %arg7[%get3A, %get3A_114] {strides = array<i32>} : memref<39x128xi32, #tpu.memory_space<vmem>>, vector<16xi32>,
        %get3A_116 = arith.index_cast %add3A_113 : i32 to index
        %get3A_117 = arith.constant 0 : index
        %get3A_118 = tpu.vector_load %arg8[%get3A_116, %get3A_117] {strides = array<i32>} : memref<39x128xf32, #tpu.memory_space<vmem>>, vector<16xf32>,
        tpu.vector_store_idx %arg12[%get3A_115], %get3A_118 {add = true} : memref<100352xf32, #tpu.memory_space<vmem>>[vector<16xi32>], vector<16xf32>,
        %get3A_119 = arith.index_cast %add3A_113 : i32 to index
        %get3A_120 = arith.constant 16 : index
        %get3A_121 = tpu.vector_load %arg7[%get3A_119, %get3A_120] {strides = array<i32>} : memref<39x128xi32, #tpu.memory_space<vmem>>, vector<16xi32>,
        %get3A_122 = arith.index_cast %add3A_113 : i32 to index
        %get3A_123 = arith.constant 16 : index
        %get3A_124 = tpu.vector_load %arg8[%get3A_122, %get3A_123] {strides = array<i32>} : memref<39x128xf32, #tpu.memory_space<vmem>>, vector<16xf32>,
        tpu.vector_store_idx %arg12[%get3A_121], %get3A_124 {add = true} : memref<100352xf32, #tpu.memory_space<vmem>>[vector<16xi32>], vector<16xf32>,
        %get3A_125 = arith.index_cast %add3A_113 : i32 to index
        %get3A_126 = arith.constant 32 : index
        %get3A_127 = tpu.vector_load %arg7[%get3A_125, %get3A_126] {strides = array<i32>} : memref<39x128xi32, #tpu.memory_space<vmem>>, vector<16xi32>,
        %get3A_128 = arith.index_cast %add3A_113 : i32 to index
        %get3A_129 = arith.constant 32 : index
        %get3A_130 = tpu.vector_load %arg8[%get3A_128, %get3A_129] {strides = array<i32>} : memref<39x128xf32, #tpu.memory_space<vmem>>, vector<16xf32>,
        tpu.vector_store_idx %arg12[%get3A_127], %get3A_130 {add = true} : memref<100352xf32, #tpu.memory_space<vmem>>[vector<16xi32>], vector<16xf32>,
        %get3A_131 = arith.index_cast %add3A_113 : i32 to index
        %get3A_132 = arith.constant 48 : index
        %get3A_133 = tpu.vector_load %arg7[%get3A_131, %get3A_132] {strides = array<i32>} : memref<39x128xi32, #tpu.memory_space<vmem>>, vector<16xi32>,
        %get3A_134 = arith.index_cast %add3A_113 : i32 to index
        %get3A_135 = arith.constant 48 : index
        %get3A_136 = tpu.vector_load %arg8[%get3A_134, %get3A_135] {strides = array<i32>} : memref<39x128xf32, #tpu.memory_space<vmem>>, vector<16xf32>,
        tpu.vector_store_idx %arg12[%get3A_133], %get3A_136 {add = true} : memref<100352xf32, #tpu.memory_space<vmem>>[vector<16xi32>], vector<16xf32>,
        %get3A_137 = arith.index_cast %add3A_113 : i32 to index
        %get3A_138 = arith.constant 64 : index
        %get3A_139 = tpu.vector_load %arg7[%get3A_137, %get3A_138] {strides = array<i32>} : memref<39x128xi32, #tpu.memory_space<vmem>>, vector<16xi32>,
        %get3A_140 = arith.index_cast %add3A_113 : i32 to index
        %get3A_141 = arith.constant 64 : index
        %get3A_142 = tpu.vector_load %arg8[%get3A_140, %get3A_141] {strides = array<i32>} : memref<39x128xf32, #tpu.memory_space<vmem>>, vector<16xf32>,
        tpu.vector_store_idx %arg12[%get3A_139], %get3A_142 {add = true} : memref<100352xf32, #tpu.memory_space<vmem>>[vector<16xi32>], vector<16xf32>,
        %get3A_143 = arith.index_cast %add3A_113 : i32 to index
        %get3A_144 = arith.constant 80 : index
        %get3A_145 = tpu.vector_load %arg7[%get3A_143, %get3A_144] {strides = array<i32>} : memref<39x128xi32, #tpu.memory_space<vmem>>, vector<16xi32>,
        %get3A_146 = arith.index_cast %add3A_113 : i32 to index
        %get3A_147 = arith.constant 80 : index
        %get3A_148 = tpu.vector_load %arg8[%get3A_146, %get3A_147] {strides = array<i32>} : memref<39x128xf32, #tpu.memory_space<vmem>>, vector<16xf32>,
        tpu.vector_store_idx %arg12[%get3A_145], %get3A_148 {add = true} : memref<100352xf32, #tpu.memory_space<vmem>>[vector<16xi32>], vector<16xf32>,
        %get3A_149 = arith.index_cast %add3A_113 : i32 to index
        %get3A_150 = arith.constant 96 : index
        %get3A_151 = tpu.vector_load %arg7[%get3A_149, %get3A_150] {strides = array<i32>} : memref<39x128xi32, #tpu.memory_space<vmem>>, vector<16xi32>,
        %get3A_152 = arith.index_cast %add3A_113 : i32 to index
        %get3A_153 = arith.constant 96 : index
        %get3A_154 = tpu.vector_load %arg8[%get3A_152, %get3A_153] {strides = array<i32>} : memref<39x128xf32, #tpu.memory_space<vmem>>, vector<16xf32>,
        tpu.vector_store_idx %arg12[%get3A_151], %get3A_154 {add = true} : memref<100352xf32, #tpu.memory_space<vmem>>[vector<16xi32>], vector<16xf32>,
        %get3A_155 = arith.index_cast %add3A_113 : i32 to index
        %get3A_156 = arith.constant 112 : index
        %get3A_157 = tpu.vector_load %arg7[%get3A_155, %get3A_156] {strides = array<i32>} : memref<39x128xi32, #tpu.memory_space<vmem>>, vector<16xi32>,
        %get3A_158 = arith.index_cast %add3A_113 : i32 to index
        %get3A_159 = arith.constant 112 : index
        %get3A_160 = tpu.vector_load %arg8[%get3A_158, %get3A_159] {strides = array<i32>} : memref<39x128xf32, #tpu.memory_space<vmem>>, vector<16xf32>,
        tpu.vector_store_idx %arg12[%get3A_157], %get3A_160 {add = true} : memref<100352xf32, #tpu.memory_space<vmem>>[vector<16xi32>], vector<16xf32>,
      }
      %scan3A_98 = arith.constant 39 : i32
      %scan3A_99 = arith.constant 0 : i32
      %scan3A_100 = arith.constant 39 : i32
      %scan3A_101 = arith.addi %scan3A_99, %scan3A_100 : i32
      %scan3A_102 = arith.constant 1 : i32
      scf.for %scan3A_109 = %scan3A_99 to %scan3A_101 step %scan3A_102  : i32 {
        %mul3A_110 = arith.constant 1 : i32
        %mul3A_111 = arith.muli %scan3A_109, %mul3A_110 : i32
        %add3A_112 = arith.constant 0 : i32
        %add3A_113 = arith.addi %add3A_112, %mul3A_111 : i32
        %dma_wait3A = arith.constant 0 : i32
        %dma_wait3A_114 = tpu.memref_slice %arg11[%add3A_113, %dma_wait3A] : memref<39x128xf32, #tpu.memory_space<vmem>> -> memref<1x128xf32, #tpu.memory_space<vmem>>
        %dma_wait3A_115 = tpu.memref_squeeze %dma_wait3A_114 : memref<1x128xf32, #tpu.memory_space<vmem>> -> memref<128xf32, #tpu.memory_space<vmem>>
        %dma_wait3A_116 = arith.constant 0 : i32
        %dma_wait3A_117 = tpu.memref_slice %arg9[%add3A_113, %dma_wait3A_116] : memref<39x128xi32, #tpu.memory_space<vmem>> -> memref<1x128xi32, #tpu.memory_space<vmem>>
        %dma_wait3A_118 = tpu.memref_squeeze %dma_wait3A_117 : memref<1x128xi32, #tpu.memory_space<vmem>> -> memref<128xi32, #tpu.memory_space<vmem>>
        %dma_wait3A_119 = arith.constant 0 : i32
        %dma_wait3A_120 = tpu.memref_slice %arg3[%scan3A_31, %dma_wait3A_119] : memref<2x100352xf32, #tpu.memory_space<hbm>> -> memref<1x100352xf32, #tpu.memory_space<hbm>>
        %dma_wait3A_121 = tpu.memref_squeeze %dma_wait3A_120 : memref<1x100352xf32, #tpu.memory_space<hbm>> -> memref<100352xf32, #tpu.memory_space<hbm>>
        %dma_wait3A_122 = arith.constant 0 : i32
        %dma_wait3A_123 = tpu.memref_slice %dma_wait3A_121[%dma_wait3A_122] : memref<100352xf32, #tpu.memory_space<hbm>> -> memref<100352xf32, #tpu.memory_space<hbm>>
        tpu.wait_indirect_dma semaphore(%arg14 : memref<!tpu.dma_semaphore, #tpu.memory_space<semaphore_mem>>) src(%dma_wait3A_123 : memref<100352xf32, #tpu.memory_space<hbm>>) dst(%dma_wait3A_115 : memref<128xf32, #tpu.memory_space<vmem>>)
      }
      %scan3A_103 = arith.constant 39 : i32
      %scan3A_104 = arith.constant 0 : i32
      %scan3A_105 = arith.constant 39 : i32
      %scan3A_106 = arith.addi %scan3A_104, %scan3A_105 : i32
      %scan3A_107 = arith.constant 1 : i32
      scf.for %scan3A_109 = %scan3A_104 to %scan3A_106 step %scan3A_107  : i32 {
        %mul3A_110 = arith.constant 1 : i32
        %mul3A_111 = arith.muli %scan3A_109, %mul3A_110 : i32
        %add3A_112 = arith.constant 0 : i32
        %add3A_113 = arith.addi %add3A_112, %mul3A_111 : i32
        %get3A = arith.index_cast %add3A_113 : i32 to index
        %get3A_114 = arith.constant 0 : index
        %get3A_115 = tpu.vector_load %arg10[%get3A, %get3A_114] {strides = array<i32>} : memref<39x128xi32, #tpu.memory_space<vmem>>, vector<16xi32>,
        %get3A_116 = arith.index_cast %add3A_113 : i32 to index
        %get3A_117 = arith.constant 0 : index
        %get3A_118 = tpu.vector_load %arg11[%get3A_116, %get3A_117] {strides = array<i32>} : memref<39x128xf32, #tpu.memory_space<vmem>>, vector<16xf32>,
        tpu.vector_store_idx %arg12[%get3A_115], %get3A_118 {add = true} : memref<100352xf32, #tpu.memory_space<vmem>>[vector<16xi32>], vector<16xf32>,
        %get3A_119 = arith.index_cast %add3A_113 : i32 to index
        %get3A_120 = arith.constant 16 : index
        %get3A_121 = tpu.vector_load %arg10[%get3A_119, %get3A_120] {strides = array<i32>} : memref<39x128xi32, #tpu.memory_space<vmem>>, vector<16xi32>,
        %get3A_122 = arith.index_cast %add3A_113 : i32 to index
        %get3A_123 = arith.constant 16 : index
        %get3A_124 = tpu.vector_load %arg11[%get3A_122, %get3A_123] {strides = array<i32>} : memref<39x128xf32, #tpu.memory_space<vmem>>, vector<16xf32>,
        tpu.vector_store_idx %arg12[%get3A_121], %get3A_124 {add = true} : memref<100352xf32, #tpu.memory_space<vmem>>[vector<16xi32>], vector<16xf32>,
        %get3A_125 = arith.index_cast %add3A_113 : i32 to index
        %get3A_126 = arith.constant 32 : index
        %get3A_127 = tpu.vector_load %arg10[%get3A_125, %get3A_126] {strides = array<i32>} : memref<39x128xi32, #tpu.memory_space<vmem>>, vector<16xi32>,
        %get3A_128 = arith.index_cast %add3A_113 : i32 to index
        %get3A_129 = arith.constant 32 : index
        %get3A_130 = tpu.vector_load %arg11[%get3A_128, %get3A_129] {strides = array<i32>} : memref<39x128xf32, #tpu.memory_space<vmem>>, vector<16xf32>,
        tpu.vector_store_idx %arg12[%get3A_127], %get3A_130 {add = true} : memref<100352xf32, #tpu.memory_space<vmem>>[vector<16xi32>], vector<16xf32>,
        %get3A_131 = arith.index_cast %add3A_113 : i32 to index
        %get3A_132 = arith.constant 48 : index
        %get3A_133 = tpu.vector_load %arg10[%get3A_131, %get3A_132] {strides = array<i32>} : memref<39x128xi32, #tpu.memory_space<vmem>>, vector<16xi32>,
        %get3A_134 = arith.index_cast %add3A_113 : i32 to index
        %get3A_135 = arith.constant 48 : index
        %get3A_136 = tpu.vector_load %arg11[%get3A_134, %get3A_135] {strides = array<i32>} : memref<39x128xf32, #tpu.memory_space<vmem>>, vector<16xf32>,
        tpu.vector_store_idx %arg12[%get3A_133], %get3A_136 {add = true} : memref<100352xf32, #tpu.memory_space<vmem>>[vector<16xi32>], vector<16xf32>,
        %get3A_137 = arith.index_cast %add3A_113 : i32 to index
        %get3A_138 = arith.constant 64 : index
        %get3A_139 = tpu.vector_load %arg10[%get3A_137, %get3A_138] {strides = array<i32>} : memref<39x128xi32, #tpu.memory_space<vmem>>, vector<16xi32>,
        %get3A_140 = arith.index_cast %add3A_113 : i32 to index
        %get3A_141 = arith.constant 64 : index
        %get3A_142 = tpu.vector_load %arg11[%get3A_140, %get3A_141] {strides = array<i32>} : memref<39x128xf32, #tpu.memory_space<vmem>>, vector<16xf32>,
        tpu.vector_store_idx %arg12[%get3A_139], %get3A_142 {add = true} : memref<100352xf32, #tpu.memory_space<vmem>>[vector<16xi32>], vector<16xf32>,
        %get3A_143 = arith.index_cast %add3A_113 : i32 to index
        %get3A_144 = arith.constant 80 : index
        %get3A_145 = tpu.vector_load %arg10[%get3A_143, %get3A_144] {strides = array<i32>} : memref<39x128xi32, #tpu.memory_space<vmem>>, vector<16xi32>,
        %get3A_146 = arith.index_cast %add3A_113 : i32 to index
        %get3A_147 = arith.constant 80 : index
        %get3A_148 = tpu.vector_load %arg11[%get3A_146, %get3A_147] {strides = array<i32>} : memref<39x128xf32, #tpu.memory_space<vmem>>, vector<16xf32>,
        tpu.vector_store_idx %arg12[%get3A_145], %get3A_148 {add = true} : memref<100352xf32, #tpu.memory_space<vmem>>[vector<16xi32>], vector<16xf32>,
        %get3A_149 = arith.index_cast %add3A_113 : i32 to index
        %get3A_150 = arith.constant 96 : index
        %get3A_151 = tpu.vector_load %arg10[%get3A_149, %get3A_150] {strides = array<i32>} : memref<39x128xi32, #tpu.memory_space<vmem>>, vector<16xi32>,
        %get3A_152 = arith.index_cast %add3A_113 : i32 to index
        %get3A_153 = arith.constant 96 : index
        %get3A_154 = tpu.vector_load %arg11[%get3A_152, %get3A_153] {strides = array<i32>} : memref<39x128xf32, #tpu.memory_space<vmem>>, vector<16xf32>,
        tpu.vector_store_idx %arg12[%get3A_151], %get3A_154 {add = true} : memref<100352xf32, #tpu.memory_space<vmem>>[vector<16xi32>], vector<16xf32>,
        %get3A_155 = arith.index_cast %add3A_113 : i32 to index
        %get3A_156 = arith.constant 112 : index
        %get3A_157 = tpu.vector_load %arg10[%get3A_155, %get3A_156] {strides = array<i32>} : memref<39x128xi32, #tpu.memory_space<vmem>>, vector<16xi32>,
        %get3A_158 = arith.index_cast %add3A_113 : i32 to index
        %get3A_159 = arith.constant 112 : index
        %get3A_160 = tpu.vector_load %arg11[%get3A_158, %get3A_159] {strides = array<i32>} : memref<39x128xf32, #tpu.memory_space<vmem>>, vector<16xf32>,
        tpu.vector_store_idx %arg12[%get3A_157], %get3A_160 {add = true} : memref<100352xf32, #tpu.memory_space<vmem>>[vector<16xi32>], vector<16xf32>,
      }
      %scan3A_108 = arith.constant 39 : i32
    }
    %scan3A_36 = arith.constant 5 : i32
    %add3A_37 = arith.constant 390 : i32
    %add3A_38 = arith.addi %add3A_4, %add3A_37 : i32
    %add3A_39 = arith.constant 390 : i32
    %add3A_40 = arith.addi %add3A_4, %add3A_39 : i32
    %add3A_41 = arith.addi %add3A_40, %convert_element_type3A : i32
    %sub3A_42 = arith.subi %add3A_41, %add3A_38 : i32
    %sub3A_43 = arith.constant 1 : i32
    %sub3A_44 = arith.constant 1 : i32
    %sub3A_45 = arith.subi %sub3A_43, %sub3A_44 : i32
    %add3A_46 = arith.addi %sub3A_42, %sub3A_45 : i32
    %div3A_47 = arith.constant 1 : i32
    %div3A_48 = arith.divsi %add3A_46, %div3A_47 : i32
    %while3A_49 = arith.constant 1 : i32
    %while3A_50 = arith.constant 1 : i32
    %while3A_51 = arith.constant 0 : i32
    %while3A_52 = arith.subi %div3A_48, %while3A_51 : i32
    %while3A_53 = arith.addi %while3A_51, %while3A_52 : i32
    %while3A_54 = arith.constant 1 : i32
    %while3A_55 = arith.divsi %while3A_52, %while3A_54 : i32
    %while3A_56 = arith.muli %while3A_55, %while3A_54 : i32
    %while3A_57 = arith.addi %while3A_51, %while3A_56 : i32
    %while3A_58 = arith.constant 1 : i32
    scf.for %while3A_61 = %while3A_51 to %while3A_57 step %while3A_58  : i32 {
      %mul3A_62 = arith.muli %while3A_61, %while3A_49 : i32
      %add3A_63 = arith.addi %add3A_38, %mul3A_62 : i32
      %run_scoped3A_64 = arith.constant 0 : i32
      "tpu.region"() ({
        %run_scoped3A_131 = tpu.sem_alloc : memref<!tpu.dma_semaphore, #tpu.memory_space<semaphore_mem>>
        %dma_start3A = arith.constant 0 : i32
        %dma_start3A_132 = arith.constant 0 : i32
        %dma_start3A_133 = tpu.memref_slice %arg6[%dma_start3A, %dma_start3A_132] : memref<39x128xi32, #tpu.memory_space<vmem>> -> memref<1x128xi32, #tpu.memory_space<vmem>>
        %dma_start3A_134 = arith.constant 0 : i32
        %dma_start3A_135 = tpu.memref_slice %arg2[%run_scoped3A_64, %add3A_63, %dma_start3A_134] : memref<2x12500x128xi32, #tpu.memory_space<hbm>> -> memref<1x1x128xi32, #tpu.memory_space<hbm>>
        %dma_start3A_136 = tpu.memref_squeeze %dma_start3A_135 : memref<1x1x128xi32, #tpu.memory_space<hbm>> -> memref<1x128xi32, #tpu.memory_space<hbm>>
        %dma_start3A_137 = arith.constant 0 : i32
        %dma_start3A_138 = arith.constant 0 : i32
        %dma_start3A_139 = tpu.memref_slice %arg6[%dma_start3A_137, %dma_start3A_138] : memref<39x128xi32, #tpu.memory_space<vmem>> -> memref<1x128xi32, #tpu.memory_space<vmem>>
        %dma_start3A_140 = arith.constant 0 : i32
        %dma_start3A_141 = tpu.memref_slice %arg2[%run_scoped3A_64, %add3A_63, %dma_start3A_140] : memref<2x12500x128xi32, #tpu.memory_space<hbm>> -> memref<1x1x128xi32, #tpu.memory_space<hbm>>
        %dma_start3A_142 = tpu.memref_squeeze %dma_start3A_141 : memref<1x1x128xi32, #tpu.memory_space<hbm>> -> memref<1x128xi32, #tpu.memory_space<hbm>>
        tpu.enqueue_dma source(%dma_start3A_142 : memref<1x128xi32, #tpu.memory_space<hbm>>) target(%dma_start3A_139 : memref<1x128xi32, #tpu.memory_space<vmem>>) target_semaphore(%run_scoped3A_131 : memref<!tpu.dma_semaphore, #tpu.memory_space<semaphore_mem>>)
        %dma_wait3A = arith.constant 0 : i32
        %dma_wait3A_143 = arith.constant 0 : i32
        %dma_wait3A_144 = tpu.memref_slice %arg6[%dma_wait3A, %dma_wait3A_143] : memref<39x128xi32, #tpu.memory_space<vmem>> -> memref<1x128xi32, #tpu.memory_space<vmem>>
        %dma_wait3A_145 = arith.constant 0 : i32
        %dma_wait3A_146 = tpu.memref_slice %arg2[%run_scoped3A_64, %add3A_63, %dma_wait3A_145] : memref<2x12500x128xi32, #tpu.memory_space<hbm>> -> memref<1x1x128xi32, #tpu.memory_space<hbm>>
        %dma_wait3A_147 = tpu.memref_squeeze %dma_wait3A_146 : memref<1x1x128xi32, #tpu.memory_space<hbm>> -> memref<1x128xi32, #tpu.memory_space<hbm>>
        %dma_wait3A_148 = arith.constant 0 : i32
        %dma_wait3A_149 = arith.constant 0 : i32
        %dma_wait3A_150 = tpu.memref_slice %arg6[%dma_wait3A_148, %dma_wait3A_149] : memref<39x128xi32, #tpu.memory_space<vmem>> -> memref<1x128xi32, #tpu.memory_space<vmem>>
        %dma_wait3A_151 = arith.constant 0 : i32
        %dma_wait3A_152 = tpu.memref_slice %arg2[%run_scoped3A_64, %add3A_63, %dma_wait3A_151] : memref<2x12500x128xi32, #tpu.memory_space<hbm>> -> memref<1x1x128xi32, #tpu.memory_space<hbm>>
        %dma_wait3A_153 = tpu.memref_squeeze %dma_wait3A_152 : memref<1x1x128xi32, #tpu.memory_space<hbm>> -> memref<1x128xi32, #tpu.memory_space<hbm>>
        tpu.wait_dma2 semaphore(%run_scoped3A_131 : memref<!tpu.dma_semaphore, #tpu.memory_space<semaphore_mem>>) src(%dma_wait3A_153 : memref<1x128xi32, #tpu.memory_space<hbm>>) dst(%dma_wait3A_150 : memref<1x128xi32, #tpu.memory_space<vmem>>)
        tpu.yield
      }) : () -> ()
      %run_scoped3A_65 = arith.constant 1 : i32
      "tpu.region"() ({
        %run_scoped3A_131 = tpu.sem_alloc : memref<!tpu.dma_semaphore, #tpu.memory_space<semaphore_mem>>
        %dma_start3A = arith.constant 0 : i32
        %dma_start3A_132 = arith.constant 0 : i32
        %dma_start3A_133 = tpu.memref_slice %arg7[%dma_start3A, %dma_start3A_132] : memref<39x128xi32, #tpu.memory_space<vmem>> -> memref<1x128xi32, #tpu.memory_space<vmem>>
        %dma_start3A_134 = arith.constant 0 : i32
        %dma_start3A_135 = tpu.memref_slice %arg2[%run_scoped3A_65, %add3A_63, %dma_start3A_134] : memref<2x12500x128xi32, #tpu.memory_space<hbm>> -> memref<1x1x128xi32, #tpu.memory_space<hbm>>
        %dma_start3A_136 = tpu.memref_squeeze %dma_start3A_135 : memref<1x1x128xi32, #tpu.memory_space<hbm>> -> memref<1x128xi32, #tpu.memory_space<hbm>>
        %dma_start3A_137 = arith.constant 0 : i32
        %dma_start3A_138 = arith.constant 0 : i32
        %dma_start3A_139 = tpu.memref_slice %arg7[%dma_start3A_137, %dma_start3A_138] : memref<39x128xi32, #tpu.memory_space<vmem>> -> memref<1x128xi32, #tpu.memory_space<vmem>>
        %dma_start3A_140 = arith.constant 0 : i32
        %dma_start3A_141 = tpu.memref_slice %arg2[%run_scoped3A_65, %add3A_63, %dma_start3A_140] : memref<2x12500x128xi32, #tpu.memory_space<hbm>> -> memref<1x1x128xi32, #tpu.memory_space<hbm>>
        %dma_start3A_142 = tpu.memref_squeeze %dma_start3A_141 : memref<1x1x128xi32, #tpu.memory_space<hbm>> -> memref<1x128xi32, #tpu.memory_space<hbm>>
        tpu.enqueue_dma source(%dma_start3A_142 : memref<1x128xi32, #tpu.memory_space<hbm>>) target(%dma_start3A_139 : memref<1x128xi32, #tpu.memory_space<vmem>>) target_semaphore(%run_scoped3A_131 : memref<!tpu.dma_semaphore, #tpu.memory_space<semaphore_mem>>)
        %dma_wait3A = arith.constant 0 : i32
        %dma_wait3A_143 = arith.constant 0 : i32
        %dma_wait3A_144 = tpu.memref_slice %arg7[%dma_wait3A, %dma_wait3A_143] : memref<39x128xi32, #tpu.memory_space<vmem>> -> memref<1x128xi32, #tpu.memory_space<vmem>>
        %dma_wait3A_145 = arith.constant 0 : i32
        %dma_wait3A_146 = tpu.memref_slice %arg2[%run_scoped3A_65, %add3A_63, %dma_wait3A_145] : memref<2x12500x128xi32, #tpu.memory_space<hbm>> -> memref<1x1x128xi32, #tpu.memory_space<hbm>>
        %dma_wait3A_147 = tpu.memref_squeeze %dma_wait3A_146 : memref<1x1x128xi32, #tpu.memory_space<hbm>> -> memref<1x128xi32, #tpu.memory_space<hbm>>
        %dma_wait3A_148 = arith.constant 0 : i32
        %dma_wait3A_149 = arith.constant 0 : i32
        %dma_wait3A_150 = tpu.memref_slice %arg7[%dma_wait3A_148, %dma_wait3A_149] : memref<39x128xi32, #tpu.memory_space<vmem>> -> memref<1x128xi32, #tpu.memory_space<vmem>>
        %dma_wait3A_151 = arith.constant 0 : i32
        %dma_wait3A_152 = tpu.memref_slice %arg2[%run_scoped3A_65, %add3A_63, %dma_wait3A_151] : memref<2x12500x128xi32, #tpu.memory_space<hbm>> -> memref<1x1x128xi32, #tpu.memory_space<hbm>>
        %dma_wait3A_153 = tpu.memref_squeeze %dma_wait3A_152 : memref<1x1x128xi32, #tpu.memory_space<hbm>> -> memref<1x128xi32, #tpu.memory_space<hbm>>
        tpu.wait_dma2 semaphore(%run_scoped3A_131 : memref<!tpu.dma_semaphore, #tpu.memory_space<semaphore_mem>>) src(%dma_wait3A_153 : memref<1x128xi32, #tpu.memory_space<hbm>>) dst(%dma_wait3A_150 : memref<1x128xi32, #tpu.memory_space<vmem>>)
        tpu.yield
      }) : () -> ()
      %run_scoped3A_66 = arith.constant 0 : i32
      %run_scoped3A_67 = arith.constant 0 : i32
      "tpu.region"() ({
        %run_scoped3A_131 = tpu.sem_alloc : memref<!tpu.dma_semaphore, #tpu.memory_space<semaphore_mem>>
        %dma_start3A = arith.constant 0 : i32
        %dma_start3A_132 = tpu.memref_slice %arg8[%run_scoped3A_67, %dma_start3A] : memref<39x128xf32, #tpu.memory_space<vmem>> -> memref<1x128xf32, #tpu.memory_space<vmem>>
        %dma_start3A_133 = tpu.memref_squeeze %dma_start3A_132 : memref<1x128xf32, #tpu.memory_space<vmem>> -> memref<128xf32, #tpu.memory_space<vmem>>
        %dma_start3A_134 = arith.constant 0 : i32
        %dma_start3A_135 = tpu.memref_slice %arg6[%run_scoped3A_66, %dma_start3A_134] : memref<39x128xi32, #tpu.memory_space<vmem>> -> memref<1x128xi32, #tpu.memory_space<vmem>>
        %dma_start3A_136 = tpu.memref_squeeze %dma_start3A_135 : memref<1x128xi32, #tpu.memory_space<vmem>> -> memref<128xi32, #tpu.memory_space<vmem>>
        %dma_start3A_137 = arith.constant 0 : i32
        %dma_start3A_138 = tpu.memref_slice %arg3[%while3A_50, %dma_start3A_137] : memref<2x100352xf32, #tpu.memory_space<hbm>> -> memref<1x100352xf32, #tpu.memory_space<hbm>>
        %dma_start3A_139 = tpu.memref_squeeze %dma_start3A_138 : memref<1x100352xf32, #tpu.memory_space<hbm>> -> memref<100352xf32, #tpu.memory_space<hbm>>
        %dma_start3A_140 = arith.constant 0 : i32
        %dma_start3A_141 = tpu.memref_slice %dma_start3A_139[%dma_start3A_140] : memref<100352xf32, #tpu.memory_space<hbm>> -> memref<100352xf32, #tpu.memory_space<hbm>>
        tpu.enqueue_indirect_dma source(%dma_start3A_141 : memref<100352xf32, #tpu.memory_space<hbm>>) target(%dma_start3A_133 : memref<128xf32, #tpu.memory_space<vmem>>) offsets(%dma_start3A_136 : memref<128xi32, #tpu.memory_space<vmem>>) semaphore(%run_scoped3A_131 : memref<!tpu.dma_semaphore, #tpu.memory_space<semaphore_mem>>)
        %dma_wait3A = arith.constant 0 : i32
        %dma_wait3A_142 = tpu.memref_slice %arg8[%run_scoped3A_67, %dma_wait3A] : memref<39x128xf32, #tpu.memory_space<vmem>> -> memref<1x128xf32, #tpu.memory_space<vmem>>
        %dma_wait3A_143 = tpu.memref_squeeze %dma_wait3A_142 : memref<1x128xf32, #tpu.memory_space<vmem>> -> memref<128xf32, #tpu.memory_space<vmem>>
        %dma_wait3A_144 = arith.constant 0 : i32
        %dma_wait3A_145 = tpu.memref_slice %arg6[%run_scoped3A_66, %dma_wait3A_144] : memref<39x128xi32, #tpu.memory_space<vmem>> -> memref<1x128xi32, #tpu.memory_space<vmem>>
        %dma_wait3A_146 = tpu.memref_squeeze %dma_wait3A_145 : memref<1x128xi32, #tpu.memory_space<vmem>> -> memref<128xi32, #tpu.memory_space<vmem>>
        %dma_wait3A_147 = arith.constant 0 : i32
        %dma_wait3A_148 = tpu.memref_slice %arg3[%while3A_50, %dma_wait3A_147] : memref<2x100352xf32, #tpu.memory_space<hbm>> -> memref<1x100352xf32, #tpu.memory_space<hbm>>
        %dma_wait3A_149 = tpu.memref_squeeze %dma_wait3A_148 : memref<1x100352xf32, #tpu.memory_space<hbm>> -> memref<100352xf32, #tpu.memory_space<hbm>>
        %dma_wait3A_150 = arith.constant 0 : i32
        %dma_wait3A_151 = tpu.memref_slice %dma_wait3A_149[%dma_wait3A_150] : memref<100352xf32, #tpu.memory_space<hbm>> -> memref<100352xf32, #tpu.memory_space<hbm>>
        tpu.wait_indirect_dma semaphore(%run_scoped3A_131 : memref<!tpu.dma_semaphore, #tpu.memory_space<semaphore_mem>>) src(%dma_wait3A_151 : memref<100352xf32, #tpu.memory_space<hbm>>) dst(%dma_wait3A_143 : memref<128xf32, #tpu.memory_space<vmem>>)
        tpu.yield
      }) : () -> ()
      %get3A = arith.constant 0 : i32
      %get3A_68 = arith.index_cast %get3A : i32 to index
      %get3A_69 = arith.constant 0 : index
      %get3A_70 = tpu.vector_load %arg7[%get3A_68, %get3A_69] {strides = array<i32>} : memref<39x128xi32, #tpu.memory_space<vmem>>, vector<16xi32>,
      %get3A_71 = arith.constant 0 : i32
      %get3A_72 = arith.index_cast %get3A_71 : i32 to index
      %get3A_73 = arith.constant 0 : index
      %get3A_74 = tpu.vector_load %arg8[%get3A_72, %get3A_73] {strides = array<i32>} : memref<39x128xf32, #tpu.memory_space<vmem>>, vector<16xf32>,
      tpu.vector_store_idx %arg12[%get3A_70], %get3A_74 {add = true} : memref<100352xf32, #tpu.memory_space<vmem>>[vector<16xi32>], vector<16xf32>,
      %get3A_75 = arith.constant 0 : i32
      %get3A_76 = arith.index_cast %get3A_75 : i32 to index
      %get3A_77 = arith.constant 16 : index
      %get3A_78 = tpu.vector_load %arg7[%get3A_76, %get3A_77] {strides = array<i32>} : memref<39x128xi32, #tpu.memory_space<vmem>>, vector<16xi32>,
      %get3A_79 = arith.constant 0 : i32
      %get3A_80 = arith.index_cast %get3A_79 : i32 to index
      %get3A_81 = arith.constant 16 : index
      %get3A_82 = tpu.vector_load %arg8[%get3A_80, %get3A_81] {strides = array<i32>} : memref<39x128xf32, #tpu.memory_space<vmem>>, vector<16xf32>,
      tpu.vector_store_idx %arg12[%get3A_78], %get3A_82 {add = true} : memref<100352xf32, #tpu.memory_space<vmem>>[vector<16xi32>], vector<16xf32>,
      %get3A_83 = arith.constant 0 : i32
      %get3A_84 = arith.index_cast %get3A_83 : i32 to index
      %get3A_85 = arith.constant 32 : index
      %get3A_86 = tpu.vector_load %arg7[%get3A_84, %get3A_85] {strides = array<i32>} : memref<39x128xi32, #tpu.memory_space<vmem>>, vector<16xi32>,
      %get3A_87 = arith.constant 0 : i32
      %get3A_88 = arith.index_cast %get3A_87 : i32 to index
      %get3A_89 = arith.constant 32 : index
      %get3A_90 = tpu.vector_load %arg8[%get3A_88, %get3A_89] {strides = array<i32>} : memref<39x128xf32, #tpu.memory_space<vmem>>, vector<16xf32>,
      tpu.vector_store_idx %arg12[%get3A_86], %get3A_90 {add = true} : memref<100352xf32, #tpu.memory_space<vmem>>[vector<16xi32>], vector<16xf32>,
      %get3A_91 = arith.constant 0 : i32
      %get3A_92 = arith.index_cast %get3A_91 : i32 to index
      %get3A_93 = arith.constant 48 : index
      %get3A_94 = tpu.vector_load %arg7[%get3A_92, %get3A_93] {strides = array<i32>} : memref<39x128xi32, #tpu.memory_space<vmem>>, vector<16xi32>,
      %get3A_95 = arith.constant 0 : i32
      %get3A_96 = arith.index_cast %get3A_95 : i32 to index
      %get3A_97 = arith.constant 48 : index
      %get3A_98 = tpu.vector_load %arg8[%get3A_96, %get3A_97] {strides = array<i32>} : memref<39x128xf32, #tpu.memory_space<vmem>>, vector<16xf32>,
      tpu.vector_store_idx %arg12[%get3A_94], %get3A_98 {add = true} : memref<100352xf32, #tpu.memory_space<vmem>>[vector<16xi32>], vector<16xf32>,
      %get3A_99 = arith.constant 0 : i32
      %get3A_100 = arith.index_cast %get3A_99 : i32 to index
      %get3A_101 = arith.constant 64 : index
      %get3A_102 = tpu.vector_load %arg7[%get3A_100, %get3A_101] {strides = array<i32>} : memref<39x128xi32, #tpu.memory_space<vmem>>, vector<16xi32>,
      %get3A_103 = arith.constant 0 : i32
      %get3A_104 = arith.index_cast %get3A_103 : i32 to index
      %get3A_105 = arith.constant 64 : index
      %get3A_106 = tpu.vector_load %arg8[%get3A_104, %get3A_105] {strides = array<i32>} : memref<39x128xf32, #tpu.memory_space<vmem>>, vector<16xf32>,
      tpu.vector_store_idx %arg12[%get3A_102], %get3A_106 {add = true} : memref<100352xf32, #tpu.memory_space<vmem>>[vector<16xi32>], vector<16xf32>,
      %get3A_107 = arith.constant 0 : i32
      %get3A_108 = arith.index_cast %get3A_107 : i32 to index
      %get3A_109 = arith.constant 80 : index
      %get3A_110 = tpu.vector_load %arg7[%get3A_108, %get3A_109] {strides = array<i32>} : memref<39x128xi32, #tpu.memory_space<vmem>>, vector<16xi32>,
      %get3A_111 = arith.constant 0 : i32
      %get3A_112 = arith.index_cast %get3A_111 : i32 to index
      %get3A_113 = arith.constant 80 : index
      %get3A_114 = tpu.vector_load %arg8[%get3A_112, %get3A_113] {strides = array<i32>} : memref<39x128xf32, #tpu.memory_space<vmem>>, vector<16xf32>,
      tpu.vector_store_idx %arg12[%get3A_110], %get3A_114 {add = true} : memref<100352xf32, #tpu.memory_space<vmem>>[vector<16xi32>], vector<16xf32>,
      %get3A_115 = arith.constant 0 : i32
      %get3A_116 = arith.index_cast %get3A_115 : i32 to index
      %get3A_117 = arith.constant 96 : index
      %get3A_118 = tpu.vector_load %arg7[%get3A_116, %get3A_117] {strides = array<i32>} : memref<39x128xi32, #tpu.memory_space<vmem>>, vector<16xi32>,
      %get3A_119 = arith.constant 0 : i32
      %get3A_120 = arith.index_cast %get3A_119 : i32 to index
      %get3A_121 = arith.constant 96 : index
      %get3A_122 = tpu.vector_load %arg8[%get3A_120, %get3A_121] {strides = array<i32>} : memref<39x128xf32, #tpu.memory_space<vmem>>, vector<16xf32>,
      tpu.vector_store_idx %arg12[%get3A_118], %get3A_122 {add = true} : memref<100352xf32, #tpu.memory_space<vmem>>[vector<16xi32>], vector<16xf32>,
      %get3A_123 = arith.constant 0 : i32
      %get3A_124 = arith.index_cast %get3A_123 : i32 to index
      %get3A_125 = arith.constant 112 : index
      %get3A_126 = tpu.vector_load %arg7[%get3A_124, %get3A_125] {strides = array<i32>} : memref<39x128xi32, #tpu.memory_space<vmem>>, vector<16xi32>,
      %get3A_127 = arith.constant 0 : i32
      %get3A_128 = arith.index_cast %get3A_127 : i32 to index
      %get3A_129 = arith.constant 112 : index
      %get3A_130 = tpu.vector_load %arg8[%get3A_128, %get3A_129] {strides = array<i32>} : memref<39x128xf32, #tpu.memory_space<vmem>>, vector<16xf32>,
      tpu.vector_store_idx %arg12[%get3A_126], %get3A_130 {add = true} : memref<100352xf32, #tpu.memory_space<vmem>>[vector<16xi32>], vector<16xf32>,
    }
    %while3A_59 = arith.constant 1 : i32
    scf.for %while3A_61 = %while3A_57 to %while3A_53 step %while3A_59  : i32 {
      %mul3A_62 = arith.muli %while3A_61, %while3A_49 : i32
      %add3A_63 = arith.addi %add3A_38, %mul3A_62 : i32
      %run_scoped3A_64 = arith.constant 0 : i32
      "tpu.region"() ({
        %run_scoped3A_131 = tpu.sem_alloc : memref<!tpu.dma_semaphore, #tpu.memory_space<semaphore_mem>>
        %dma_start3A = arith.constant 0 : i32
        %dma_start3A_132 = arith.constant 0 : i32
        %dma_start3A_133 = tpu.memref_slice %arg6[%dma_start3A, %dma_start3A_132] : memref<39x128xi32, #tpu.memory_space<vmem>> -> memref<1x128xi32, #tpu.memory_space<vmem>>
        %dma_start3A_134 = arith.constant 0 : i32
        %dma_start3A_135 = tpu.memref_slice %arg2[%run_scoped3A_64, %add3A_63, %dma_start3A_134] : memref<2x12500x128xi32, #tpu.memory_space<hbm>> -> memref<1x1x128xi32, #tpu.memory_space<hbm>>
        %dma_start3A_136 = tpu.memref_squeeze %dma_start3A_135 : memref<1x1x128xi32, #tpu.memory_space<hbm>> -> memref<1x128xi32, #tpu.memory_space<hbm>>
        %dma_start3A_137 = arith.constant 0 : i32
        %dma_start3A_138 = arith.constant 0 : i32
        %dma_start3A_139 = tpu.memref_slice %arg6[%dma_start3A_137, %dma_start3A_138] : memref<39x128xi32, #tpu.memory_space<vmem>> -> memref<1x128xi32, #tpu.memory_space<vmem>>
        %dma_start3A_140 = arith.constant 0 : i32
        %dma_start3A_141 = tpu.memref_slice %arg2[%run_scoped3A_64, %add3A_63, %dma_start3A_140] : memref<2x12500x128xi32, #tpu.memory_space<hbm>> -> memref<1x1x128xi32, #tpu.memory_space<hbm>>
        %dma_start3A_142 = tpu.memref_squeeze %dma_start3A_141 : memref<1x1x128xi32, #tpu.memory_space<hbm>> -> memref<1x128xi32, #tpu.memory_space<hbm>>
        tpu.enqueue_dma source(%dma_start3A_142 : memref<1x128xi32, #tpu.memory_space<hbm>>) target(%dma_start3A_139 : memref<1x128xi32, #tpu.memory_space<vmem>>) target_semaphore(%run_scoped3A_131 : memref<!tpu.dma_semaphore, #tpu.memory_space<semaphore_mem>>)
        %dma_wait3A = arith.constant 0 : i32
        %dma_wait3A_143 = arith.constant 0 : i32
        %dma_wait3A_144 = tpu.memref_slice %arg6[%dma_wait3A, %dma_wait3A_143] : memref<39x128xi32, #tpu.memory_space<vmem>> -> memref<1x128xi32, #tpu.memory_space<vmem>>
        %dma_wait3A_145 = arith.constant 0 : i32
        %dma_wait3A_146 = tpu.memref_slice %arg2[%run_scoped3A_64, %add3A_63, %dma_wait3A_145] : memref<2x12500x128xi32, #tpu.memory_space<hbm>> -> memref<1x1x128xi32, #tpu.memory_space<hbm>>
        %dma_wait3A_147 = tpu.memref_squeeze %dma_wait3A_146 : memref<1x1x128xi32, #tpu.memory_space<hbm>> -> memref<1x128xi32, #tpu.memory_space<hbm>>
        %dma_wait3A_148 = arith.constant 0 : i32
        %dma_wait3A_149 = arith.constant 0 : i32
        %dma_wait3A_150 = tpu.memref_slice %arg6[%dma_wait3A_148, %dma_wait3A_149] : memref<39x128xi32, #tpu.memory_space<vmem>> -> memref<1x128xi32, #tpu.memory_space<vmem>>
        %dma_wait3A_151 = arith.constant 0 : i32
        %dma_wait3A_152 = tpu.memref_slice %arg2[%run_scoped3A_64, %add3A_63, %dma_wait3A_151] : memref<2x12500x128xi32, #tpu.memory_space<hbm>> -> memref<1x1x128xi32, #tpu.memory_space<hbm>>
        %dma_wait3A_153 = tpu.memref_squeeze %dma_wait3A_152 : memref<1x1x128xi32, #tpu.memory_space<hbm>> -> memref<1x128xi32, #tpu.memory_space<hbm>>
        tpu.wait_dma2 semaphore(%run_scoped3A_131 : memref<!tpu.dma_semaphore, #tpu.memory_space<semaphore_mem>>) src(%dma_wait3A_153 : memref<1x128xi32, #tpu.memory_space<hbm>>) dst(%dma_wait3A_150 : memref<1x128xi32, #tpu.memory_space<vmem>>)
        tpu.yield
      }) : () -> ()
      %run_scoped3A_65 = arith.constant 1 : i32
      "tpu.region"() ({
        %run_scoped3A_131 = tpu.sem_alloc : memref<!tpu.dma_semaphore, #tpu.memory_space<semaphore_mem>>
        %dma_start3A = arith.constant 0 : i32
        %dma_start3A_132 = arith.constant 0 : i32
        %dma_start3A_133 = tpu.memref_slice %arg7[%dma_start3A, %dma_start3A_132] : memref<39x128xi32, #tpu.memory_space<vmem>> -> memref<1x128xi32, #tpu.memory_space<vmem>>
        %dma_start3A_134 = arith.constant 0 : i32
        %dma_start3A_135 = tpu.memref_slice %arg2[%run_scoped3A_65, %add3A_63, %dma_start3A_134] : memref<2x12500x128xi32, #tpu.memory_space<hbm>> -> memref<1x1x128xi32, #tpu.memory_space<hbm>>
        %dma_start3A_136 = tpu.memref_squeeze %dma_start3A_135 : memref<1x1x128xi32, #tpu.memory_space<hbm>> -> memref<1x128xi32, #tpu.memory_space<hbm>>
        %dma_start3A_137 = arith.constant 0 : i32
        %dma_start3A_138 = arith.constant 0 : i32
        %dma_start3A_139 = tpu.memref_slice %arg7[%dma_start3A_137, %dma_start3A_138] : memref<39x128xi32, #tpu.memory_space<vmem>> -> memref<1x128xi32, #tpu.memory_space<vmem>>
        %dma_start3A_140 = arith.constant 0 : i32
        %dma_start3A_141 = tpu.memref_slice %arg2[%run_scoped3A_65, %add3A_63, %dma_start3A_140] : memref<2x12500x128xi32, #tpu.memory_space<hbm>> -> memref<1x1x128xi32, #tpu.memory_space<hbm>>
        %dma_start3A_142 = tpu.memref_squeeze %dma_start3A_141 : memref<1x1x128xi32, #tpu.memory_space<hbm>> -> memref<1x128xi32, #tpu.memory_space<hbm>>
        tpu.enqueue_dma source(%dma_start3A_142 : memref<1x128xi32, #tpu.memory_space<hbm>>) target(%dma_start3A_139 : memref<1x128xi32, #tpu.memory_space<vmem>>) target_semaphore(%run_scoped3A_131 : memref<!tpu.dma_semaphore, #tpu.memory_space<semaphore_mem>>)
        %dma_wait3A = arith.constant 0 : i32
        %dma_wait3A_143 = arith.constant 0 : i32
        %dma_wait3A_144 = tpu.memref_slice %arg7[%dma_wait3A, %dma_wait3A_143] : memref<39x128xi32, #tpu.memory_space<vmem>> -> memref<1x128xi32, #tpu.memory_space<vmem>>
        %dma_wait3A_145 = arith.constant 0 : i32
        %dma_wait3A_146 = tpu.memref_slice %arg2[%run_scoped3A_65, %add3A_63, %dma_wait3A_145] : memref<2x12500x128xi32, #tpu.memory_space<hbm>> -> memref<1x1x128xi32, #tpu.memory_space<hbm>>
        %dma_wait3A_147 = tpu.memref_squeeze %dma_wait3A_146 : memref<1x1x128xi32, #tpu.memory_space<hbm>> -> memref<1x128xi32, #tpu.memory_space<hbm>>
        %dma_wait3A_148 = arith.constant 0 : i32
        %dma_wait3A_149 = arith.constant 0 : i32
        %dma_wait3A_150 = tpu.memref_slice %arg7[%dma_wait3A_148, %dma_wait3A_149] : memref<39x128xi32, #tpu.memory_space<vmem>> -> memref<1x128xi32, #tpu.memory_space<vmem>>
        %dma_wait3A_151 = arith.constant 0 : i32
        %dma_wait3A_152 = tpu.memref_slice %arg2[%run_scoped3A_65, %add3A_63, %dma_wait3A_151] : memref<2x12500x128xi32, #tpu.memory_space<hbm>> -> memref<1x1x128xi32, #tpu.memory_space<hbm>>
        %dma_wait3A_153 = tpu.memref_squeeze %dma_wait3A_152 : memref<1x1x128xi32, #tpu.memory_space<hbm>> -> memref<1x128xi32, #tpu.memory_space<hbm>>
        tpu.wait_dma2 semaphore(%run_scoped3A_131 : memref<!tpu.dma_semaphore, #tpu.memory_space<semaphore_mem>>) src(%dma_wait3A_153 : memref<1x128xi32, #tpu.memory_space<hbm>>) dst(%dma_wait3A_150 : memref<1x128xi32, #tpu.memory_space<vmem>>)
        tpu.yield
      }) : () -> ()
      %run_scoped3A_66 = arith.constant 0 : i32
      %run_scoped3A_67 = arith.constant 0 : i32
      "tpu.region"() ({
        %run_scoped3A_131 = tpu.sem_alloc : memref<!tpu.dma_semaphore, #tpu.memory_space<semaphore_mem>>
        %dma_start3A = arith.constant 0 : i32
        %dma_start3A_132 = tpu.memref_slice %arg8[%run_scoped3A_67, %dma_start3A] : memref<39x128xf32, #tpu.memory_space<vmem>> -> memref<1x128xf32, #tpu.memory_space<vmem>>
        %dma_start3A_133 = tpu.memref_squeeze %dma_start3A_132 : memref<1x128xf32, #tpu.memory_space<vmem>> -> memref<128xf32, #tpu.memory_space<vmem>>
        %dma_start3A_134 = arith.constant 0 : i32
        %dma_start3A_135 = tpu.memref_slice %arg6[%run_scoped3A_66, %dma_start3A_134] : memref<39x128xi32, #tpu.memory_space<vmem>> -> memref<1x128xi32, #tpu.memory_space<vmem>>
        %dma_start3A_136 = tpu.memref_squeeze %dma_start3A_135 : memref<1x128xi32, #tpu.memory_space<vmem>> -> memref<128xi32, #tpu.memory_space<vmem>>
        %dma_start3A_137 = arith.constant 0 : i32
        %dma_start3A_138 = tpu.memref_slice %arg3[%while3A_50, %dma_start3A_137] : memref<2x100352xf32, #tpu.memory_space<hbm>> -> memref<1x100352xf32, #tpu.memory_space<hbm>>
        %dma_start3A_139 = tpu.memref_squeeze %dma_start3A_138 : memref<1x100352xf32, #tpu.memory_space<hbm>> -> memref<100352xf32, #tpu.memory_space<hbm>>
        %dma_start3A_140 = arith.constant 0 : i32
        %dma_start3A_141 = tpu.memref_slice %dma_start3A_139[%dma_start3A_140] : memref<100352xf32, #tpu.memory_space<hbm>> -> memref<100352xf32, #tpu.memory_space<hbm>>
        tpu.enqueue_indirect_dma source(%dma_start3A_141 : memref<100352xf32, #tpu.memory_space<hbm>>) target(%dma_start3A_133 : memref<128xf32, #tpu.memory_space<vmem>>) offsets(%dma_start3A_136 : memref<128xi32, #tpu.memory_space<vmem>>) semaphore(%run_scoped3A_131 : memref<!tpu.dma_semaphore, #tpu.memory_space<semaphore_mem>>)
        %dma_wait3A = arith.constant 0 : i32
        %dma_wait3A_142 = tpu.memref_slice %arg8[%run_scoped3A_67, %dma_wait3A] : memref<39x128xf32, #tpu.memory_space<vmem>> -> memref<1x128xf32, #tpu.memory_space<vmem>>
        %dma_wait3A_143 = tpu.memref_squeeze %dma_wait3A_142 : memref<1x128xf32, #tpu.memory_space<vmem>> -> memref<128xf32, #tpu.memory_space<vmem>>
        %dma_wait3A_144 = arith.constant 0 : i32
        %dma_wait3A_145 = tpu.memref_slice %arg6[%run_scoped3A_66, %dma_wait3A_144] : memref<39x128xi32, #tpu.memory_space<vmem>> -> memref<1x128xi32, #tpu.memory_space<vmem>>
        %dma_wait3A_146 = tpu.memref_squeeze %dma_wait3A_145 : memref<1x128xi32, #tpu.memory_space<vmem>> -> memref<128xi32, #tpu.memory_space<vmem>>
        %dma_wait3A_147 = arith.constant 0 : i32
        %dma_wait3A_148 = tpu.memref_slice %arg3[%while3A_50, %dma_wait3A_147] : memref<2x100352xf32, #tpu.memory_space<hbm>> -> memref<1x100352xf32, #tpu.memory_space<hbm>>
        %dma_wait3A_149 = tpu.memref_squeeze %dma_wait3A_148 : memref<1x100352xf32, #tpu.memory_space<hbm>> -> memref<100352xf32, #tpu.memory_space<hbm>>
        %dma_wait3A_150 = arith.constant 0 : i32
        %dma_wait3A_151 = tpu.memref_slice %dma_wait3A_149[%dma_wait3A_150] : memref<100352xf32, #tpu.memory_space<hbm>> -> memref<100352xf32, #tpu.memory_space<hbm>>
        tpu.wait_indirect_dma semaphore(%run_scoped3A_131 : memref<!tpu.dma_semaphore, #tpu.memory_space<semaphore_mem>>) src(%dma_wait3A_151 : memref<100352xf32, #tpu.memory_space<hbm>>) dst(%dma_wait3A_143 : memref<128xf32, #tpu.memory_space<vmem>>)
        tpu.yield
      }) : () -> ()
      %get3A = arith.constant 0 : i32
      %get3A_68 = arith.index_cast %get3A : i32 to index
      %get3A_69 = arith.constant 0 : index
      %get3A_70 = tpu.vector_load %arg7[%get3A_68, %get3A_69] {strides = array<i32>} : memref<39x128xi32, #tpu.memory_space<vmem>>, vector<16xi32>,
      %get3A_71 = arith.constant 0 : i32
      %get3A_72 = arith.index_cast %get3A_71 : i32 to index
      %get3A_73 = arith.constant 0 : index
      %get3A_74 = tpu.vector_load %arg8[%get3A_72, %get3A_73] {strides = array<i32>} : memref<39x128xf32, #tpu.memory_space<vmem>>, vector<16xf32>,
      tpu.vector_store_idx %arg12[%get3A_70], %get3A_74 {add = true} : memref<100352xf32, #tpu.memory_space<vmem>>[vector<16xi32>], vector<16xf32>,
      %get3A_75 = arith.constant 0 : i32
      %get3A_76 = arith.index_cast %get3A_75 : i32 to index
      %get3A_77 = arith.constant 16 : index
      %get3A_78 = tpu.vector_load %arg7[%get3A_76, %get3A_77] {strides = array<i32>} : memref<39x128xi32, #tpu.memory_space<vmem>>, vector<16xi32>,
      %get3A_79 = arith.constant 0 : i32
      %get3A_80 = arith.index_cast %get3A_79 : i32 to index
      %get3A_81 = arith.constant 16 : index
      %get3A_82 = tpu.vector_load %arg8[%get3A_80, %get3A_81] {strides = array<i32>} : memref<39x128xf32, #tpu.memory_space<vmem>>, vector<16xf32>,
      tpu.vector_store_idx %arg12[%get3A_78], %get3A_82 {add = true} : memref<100352xf32, #tpu.memory_space<vmem>>[vector<16xi32>], vector<16xf32>,
      %get3A_83 = arith.constant 0 : i32
      %get3A_84 = arith.index_cast %get3A_83 : i32 to index
      %get3A_85 = arith.constant 32 : index
      %get3A_86 = tpu.vector_load %arg7[%get3A_84, %get3A_85] {strides = array<i32>} : memref<39x128xi32, #tpu.memory_space<vmem>>, vector<16xi32>,
      %get3A_87 = arith.constant 0 : i32
      %get3A_88 = arith.index_cast %get3A_87 : i32 to index
      %get3A_89 = arith.constant 32 : index
      %get3A_90 = tpu.vector_load %arg8[%get3A_88, %get3A_89] {strides = array<i32>} : memref<39x128xf32, #tpu.memory_space<vmem>>, vector<16xf32>,
      tpu.vector_store_idx %arg12[%get3A_86], %get3A_90 {add = true} : memref<100352xf32, #tpu.memory_space<vmem>>[vector<16xi32>], vector<16xf32>,
      %get3A_91 = arith.constant 0 : i32
      %get3A_92 = arith.index_cast %get3A_91 : i32 to index
      %get3A_93 = arith.constant 48 : index
      %get3A_94 = tpu.vector_load %arg7[%get3A_92, %get3A_93] {strides = array<i32>} : memref<39x128xi32, #tpu.memory_space<vmem>>, vector<16xi32>,
      %get3A_95 = arith.constant 0 : i32
      %get3A_96 = arith.index_cast %get3A_95 : i32 to index
      %get3A_97 = arith.constant 48 : index
      %get3A_98 = tpu.vector_load %arg8[%get3A_96, %get3A_97] {strides = array<i32>} : memref<39x128xf32, #tpu.memory_space<vmem>>, vector<16xf32>,
      tpu.vector_store_idx %arg12[%get3A_94], %get3A_98 {add = true} : memref<100352xf32, #tpu.memory_space<vmem>>[vector<16xi32>], vector<16xf32>,
      %get3A_99 = arith.constant 0 : i32
      %get3A_100 = arith.index_cast %get3A_99 : i32 to index
      %get3A_101 = arith.constant 64 : index
      %get3A_102 = tpu.vector_load %arg7[%get3A_100, %get3A_101] {strides = array<i32>} : memref<39x128xi32, #tpu.memory_space<vmem>>, vector<16xi32>,
      %get3A_103 = arith.constant 0 : i32
      %get3A_104 = arith.index_cast %get3A_103 : i32 to index
      %get3A_105 = arith.constant 64 : index
      %get3A_106 = tpu.vector_load %arg8[%get3A_104, %get3A_105] {strides = array<i32>} : memref<39x128xf32, #tpu.memory_space<vmem>>, vector<16xf32>,
      tpu.vector_store_idx %arg12[%get3A_102], %get3A_106 {add = true} : memref<100352xf32, #tpu.memory_space<vmem>>[vector<16xi32>], vector<16xf32>,
      %get3A_107 = arith.constant 0 : i32
      %get3A_108 = arith.index_cast %get3A_107 : i32 to index
      %get3A_109 = arith.constant 80 : index
      %get3A_110 = tpu.vector_load %arg7[%get3A_108, %get3A_109] {strides = array<i32>} : memref<39x128xi32, #tpu.memory_space<vmem>>, vector<16xi32>,
      %get3A_111 = arith.constant 0 : i32
      %get3A_112 = arith.index_cast %get3A_111 : i32 to index
      %get3A_113 = arith.constant 80 : index
      %get3A_114 = tpu.vector_load %arg8[%get3A_112, %get3A_113] {strides = array<i32>} : memref<39x128xf32, #tpu.memory_space<vmem>>, vector<16xf32>,
      tpu.vector_store_idx %arg12[%get3A_110], %get3A_114 {add = true} : memref<100352xf32, #tpu.memory_space<vmem>>[vector<16xi32>], vector<16xf32>,
      %get3A_115 = arith.constant 0 : i32
      %get3A_116 = arith.index_cast %get3A_115 : i32 to index
      %get3A_117 = arith.constant 96 : index
      %get3A_118 = tpu.vector_load %arg7[%get3A_116, %get3A_117] {strides = array<i32>} : memref<39x128xi32, #tpu.memory_space<vmem>>, vector<16xi32>,
      %get3A_119 = arith.constant 0 : i32
      %get3A_120 = arith.index_cast %get3A_119 : i32 to index
      %get3A_121 = arith.constant 96 : index
      %get3A_122 = tpu.vector_load %arg8[%get3A_120, %get3A_121] {strides = array<i32>} : memref<39x128xf32, #tpu.memory_space<vmem>>, vector<16xf32>,
      tpu.vector_store_idx %arg12[%get3A_118], %get3A_122 {add = true} : memref<100352xf32, #tpu.memory_space<vmem>>[vector<16xi32>], vector<16xf32>,
      %get3A_123 = arith.constant 0 : i32
      %get3A_124 = arith.index_cast %get3A_123 : i32 to index
      %get3A_125 = arith.constant 112 : index
      %get3A_126 = tpu.vector_load %arg7[%get3A_124, %get3A_125] {strides = array<i32>} : memref<39x128xi32, #tpu.memory_space<vmem>>, vector<16xi32>,
      %get3A_127 = arith.constant 0 : i32
      %get3A_128 = arith.index_cast %get3A_127 : i32 to index
      %get3A_129 = arith.constant 112 : index
      %get3A_130 = tpu.vector_load %arg8[%get3A_128, %get3A_129] {strides = array<i32>} : memref<39x128xf32, #tpu.memory_space<vmem>>, vector<16xf32>,
      tpu.vector_store_idx %arg12[%get3A_126], %get3A_130 {add = true} : memref<100352xf32, #tpu.memory_space<vmem>>[vector<16xi32>], vector<16xf32>,
    }
    %run_scoped3A_60 = arith.constant 1 : i32
    "tpu.region"() ({
      %run_scoped3A_61 = tpu.sem_alloc : memref<!tpu.dma_semaphore, #tpu.memory_space<semaphore_mem>>
      %dma_start3A = arith.constant 0 : i32
      %dma_start3A_62 = tpu.memref_slice %arg5[%arg0, %arg1, %run_scoped3A_60, %dma_start3A] : memref<2x16x2x100352xf32, #tpu.memory_space<hbm>> -> memref<1x1x1x100352xf32, #tpu.memory_space<hbm>>
      %dma_start3A_63 = tpu.memref_squeeze %dma_start3A_62 : memref<1x1x1x100352xf32, #tpu.memory_space<hbm>> -> memref<100352xf32, #tpu.memory_space<hbm>>
      %dma_start3A_64 = arith.constant 0 : i32
      %dma_start3A_65 = tpu.memref_slice %arg5[%arg0, %arg1, %run_scoped3A_60, %dma_start3A_64] : memref<2x16x2x100352xf32, #tpu.memory_space<hbm>> -> memref<1x1x1x100352xf32, #tpu.memory_space<hbm>>
      %dma_start3A_66 = tpu.memref_squeeze %dma_start3A_65 : memref<1x1x1x100352xf32, #tpu.memory_space<hbm>> -> memref<100352xf32, #tpu.memory_space<hbm>>
      tpu.enqueue_dma source(%arg12 : memref<100352xf32, #tpu.memory_space<vmem>>) target(%dma_start3A_66 : memref<100352xf32, #tpu.memory_space<hbm>>) target_semaphore(%run_scoped3A_61 : memref<!tpu.dma_semaphore, #tpu.memory_space<semaphore_mem>>)
      %dma_wait3A = arith.constant 0 : i32
      %dma_wait3A_67 = tpu.memref_slice %arg5[%arg0, %arg1, %run_scoped3A_60, %dma_wait3A] : memref<2x16x2x100352xf32, #tpu.memory_space<hbm>> -> memref<1x1x1x100352xf32, #tpu.memory_space<hbm>>
      %dma_wait3A_68 = tpu.memref_squeeze %dma_wait3A_67 : memref<1x1x1x100352xf32, #tpu.memory_space<hbm>> -> memref<100352xf32, #tpu.memory_space<hbm>>
      %dma_wait3A_69 = arith.constant 0 : i32
      %dma_wait3A_70 = tpu.memref_slice %arg5[%arg0, %arg1, %run_scoped3A_60, %dma_wait3A_69] : memref<2x16x2x100352xf32, #tpu.memory_space<hbm>> -> memref<1x1x1x100352xf32, #tpu.memory_space<hbm>>
      %dma_wait3A_71 = tpu.memref_squeeze %dma_wait3A_70 : memref<1x1x1x100352xf32, #tpu.memory_space<hbm>> -> memref<100352xf32, #tpu.memory_space<hbm>>
      tpu.wait_dma2 semaphore(%run_scoped3A_61 : memref<!tpu.dma_semaphore, #tpu.memory_space<semaphore_mem>>) src(%arg12 : memref<100352xf32, #tpu.memory_space<vmem>>) dst(%dma_wait3A_71 : memref<100352xf32, #tpu.memory_space<hbm>>)
      tpu.yield
    }) : () -> ()
    return
  }
}

module attributes {stable_mosaic.version = 14 : i64} {
  func.func @body(%arg0: i32, %arg1: memref<2x16x784x128xf32, #tpu.memory_space<vmem>>, %arg2: memref<2x784x128xf32, #tpu.memory_space<vmem>>, %arg3: memref<2x784x128xf32, #tpu.memory_space<vmem>>, %arg4: memref<784x128xf32, #tpu.memory_space<vmem>>) attributes {dimension_semantics = [#tpu.dimension_semantics<arbitrary>], iteration_bounds = array<i64: 1>, scalar_prefetch = 0 : i64, scratch_operands = 0 : i64, tpu.core_type = #tpu.core_type<tc>, window_params = [{pipeline_mode = #tpu.pipeline_mode<synchronous>, transform_indices = @transform_0, window_bounds = array<i64: 2, 16, 784, 128>}, {pipeline_mode = #tpu.pipeline_mode<synchronous>, transform_indices = @transform_1, window_bounds = array<i64: 2, 784, 128>}, {pipeline_mode = #tpu.pipeline_mode<synchronous>, transform_indices = @transform_2, window_bounds = array<i64: 2, 784, 128>}, {pipeline_mode = #tpu.pipeline_mode<synchronous>, transform_indices = @transform_3, window_bounds = array<i64: 784, 128>}]} {
    %get3A = arith.constant 0 : index
    %get3A_0 = arith.constant 0 : index
    %get3A_1 = arith.constant 0 : index
    %get3A_2 = arith.constant 0 : index
    %get3A_3 = vector.load %arg1[%get3A, %get3A_0, %get3A_1, %get3A_2] : memref<2x16x784x128xf32, #tpu.memory_space<vmem>>, vector<2x16x784x128xf32>
    %reduce_sum3A = arith.constant dense<0.000000e+00> : vector<784x128xf32>
    %reduce_sum3A_4 = vector.multi_reduction <add>, %get3A_3, %reduce_sum3A [0, 1] : vector<2x16x784x128xf32> to vector<784x128xf32>
    %add3A = arith.constant 1.000000e+00 : f32
    %add3A_5 = vector.broadcast %add3A : f32 to vector<784x128xf32>
    %add3A_6 = arith.addf %reduce_sum3A_4, %add3A_5 : vector<784x128xf32>
    %sqrt3A = math.sqrt %add3A_6 : vector<784x128xf32>
    %div3A = arith.constant 1.000000e+00 : f32
    %div3A_7 = vector.broadcast %div3A : f32 to vector<784x128xf32>
    %div3A_8 = arith.divf %div3A_7, %sqrt3A : vector<784x128xf32>
    %swap3A = arith.constant 0 : index
    %swap3A_9 = arith.constant 0 : index
    %swap3A_10 = vector.load %arg4[%swap3A, %swap3A_9] : memref<784x128xf32, #tpu.memory_space<vmem>>, vector<784x128xf32>
    tpu.vector_store %arg4[%swap3A, %swap3A_9], %div3A_8 {strides = array<i32>} : memref<784x128xf32, #tpu.memory_space<vmem>>, vector<784x128xf32>,
    %get3A_11 = arith.constant 0 : index
    %get3A_12 = arith.constant 0 : index
    %get3A_13 = arith.constant 0 : index
    %get3A_14 = vector.load %arg2[%get3A_11, %get3A_12, %get3A_13] : memref<2x784x128xf32, #tpu.memory_space<vmem>>, vector<1x784x128xf32>
    %get3A_15 = vector.shape_cast %get3A_14 : vector<1x784x128xf32> to vector<784x128xf32>
    %mul3A = arith.mulf %get3A_15, %div3A_8 : vector<784x128xf32>
    %swap3A_16 = arith.constant 0 : index
    %swap3A_17 = arith.constant 0 : index
    %swap3A_18 = arith.constant 0 : index
    %swap3A_19 = vector.load %arg3[%swap3A_16, %swap3A_17, %swap3A_18] : memref<2x784x128xf32, #tpu.memory_space<vmem>>, vector<1x784x128xf32>
    %swap3A_20 = vector.shape_cast %swap3A_19 : vector<1x784x128xf32> to vector<784x128xf32>
    %swap3A_21 = vector.shape_cast %mul3A : vector<784x128xf32> to vector<1x784x128xf32>
    tpu.vector_store %arg3[%swap3A_16, %swap3A_17, %swap3A_18], %swap3A_21 {strides = array<i32>} : memref<2x784x128xf32, #tpu.memory_space<vmem>>, vector<1x784x128xf32>,
    %get3A_22 = arith.constant 1 : index
    %get3A_23 = arith.constant 0 : index
    %get3A_24 = arith.constant 0 : index
    %get3A_25 = vector.load %arg2[%get3A_22, %get3A_23, %get3A_24] : memref<2x784x128xf32, #tpu.memory_space<vmem>>, vector<1x784x128xf32>
    %get3A_26 = vector.shape_cast %get3A_25 : vector<1x784x128xf32> to vector<784x128xf32>
    %mul3A_27 = arith.mulf %get3A_26, %div3A_8 : vector<784x128xf32>
    %swap3A_28 = arith.constant 1 : index
    %swap3A_29 = arith.constant 0 : index
    %swap3A_30 = arith.constant 0 : index
    %swap3A_31 = vector.load %arg3[%swap3A_28, %swap3A_29, %swap3A_30] : memref<2x784x128xf32, #tpu.memory_space<vmem>>, vector<1x784x128xf32>
    %swap3A_32 = vector.shape_cast %swap3A_31 : vector<1x784x128xf32> to vector<784x128xf32>
    %swap3A_33 = vector.shape_cast %mul3A_27 : vector<784x128xf32> to vector<1x784x128xf32>
    tpu.vector_store %arg3[%swap3A_28, %swap3A_29, %swap3A_30], %swap3A_33 {strides = array<i32>} : memref<2x784x128xf32, #tpu.memory_space<vmem>>, vector<1x784x128xf32>,
    return
  }
  func.func @transform_0(%arg0: i32) -> (i32, i32, i32, i32) {
    %c0_i32 = arith.constant 0 : i32
    %c0_i32_0 = arith.constant 0 : i32
    %c0_i32_1 = arith.constant 0 : i32
    %c0_i32_2 = arith.constant 0 : i32
    %c0_i32_3 = arith.constant 0 : i32
    return %c0_i32, %c0_i32_0, %c0_i32_1, %c0_i32_2 : i32, i32, i32, i32
  }
  func.func @transform_1(%arg0: i32) -> (i32, i32, i32) {
    %c0_i32 = arith.constant 0 : i32
    %c0_i32_0 = arith.constant 0 : i32
    %c0_i32_1 = arith.constant 0 : i32
    %c0_i32_2 = arith.constant 0 : i32
    return %c0_i32, %c0_i32_0, %c0_i32_1 : i32, i32, i32
  }
  func.func @transform_2(%arg0: i32) -> (i32, i32, i32) {
    %c0_i32 = arith.constant 0 : i32
    %c0_i32_0 = arith.constant 0 : i32
    %c0_i32_1 = arith.constant 0 : i32
    %c0_i32_2 = arith.constant 0 : i32
    return %c0_i32, %c0_i32_0, %c0_i32_1 : i32, i32, i32
  }
  func.func @transform_3(%arg0: i32) -> (i32, i32) {
    %c0_i32 = arith.constant 0 : i32
    %c0_i32_0 = arith.constant 0 : i32
    %c0_i32_1 = arith.constant 0 : i32
    return %c0_i32, %c0_i32_0 : i32, i32
  }
}

module attributes {stable_mosaic.version = 14 : i64} {
  func.func @body(%arg0: i32, %arg1: memref<2x16x2x112x128xf32, #tpu.memory_space<vmem>>, %arg2: memref<2x112x128xf32, #tpu.memory_space<vmem>>, %arg3: memref<112x128xf32, #tpu.memory_space<vmem>>, %arg4: memref<1x500xf32, #tpu.memory_space<vmem>>, %arg5: memref<2x128xf32, #tpu.memory_space<vmem>>, %arg6: memref<1x128xf32, #tpu.memory_space<vmem>>, %arg7: memref<1x128xf32, #tpu.memory_space<vmem>>, %arg8: memref<1x128xf32, #tpu.memory_space<vmem>>, %arg9: memref<128x128xf32, #tpu.memory_space<vmem>>, %arg10: memref<500x128xf32, #tpu.memory_space<vmem>>, %arg11: memref<1x128xf32, #tpu.memory_space<vmem>>, %arg12: memref<128x10xf32, #tpu.memory_space<vmem>>, %arg13: memref<1x10xf32, #tpu.memory_space<vmem>>, %arg14: memref<1x10xf32, #tpu.memory_space<vmem>>, %arg15: memref<128x1xf32, #tpu.memory_space<vmem>>) attributes {dimension_semantics = [#tpu.dimension_semantics<arbitrary>], iteration_bounds = array<i64: 7>, scalar_prefetch = 0 : i64, scratch_operands = 1 : i64, tpu.core_type = #tpu.core_type<tc>, window_params = [{transform_indices = @transform_0, window_bounds = array<i64: 2, 16, 2, 112, 128>}, {transform_indices = @transform_1, window_bounds = array<i64: 2, 112, 128>}, {transform_indices = @transform_2, window_bounds = array<i64: 112, 128>}, {pipeline_mode = #tpu.pipeline_mode<synchronous>, transform_indices = @transform_3, window_bounds = array<i64: 1, 500>}, {pipeline_mode = #tpu.pipeline_mode<synchronous>, transform_indices = @transform_4, window_bounds = array<i64: 2, 128>}, {pipeline_mode = #tpu.pipeline_mode<synchronous>, transform_indices = @transform_5, window_bounds = array<i64: 1, 128>}, {pipeline_mode = #tpu.pipeline_mode<synchronous>, transform_indices = @transform_6, window_bounds = array<i64: 1, 128>}, {pipeline_mode = #tpu.pipeline_mode<synchronous>, transform_indices = @transform_7, window_bounds = array<i64: 1, 128>}, {pipeline_mode = #tpu.pipeline_mode<synchronous>, transform_indices = @transform_8, window_bounds = array<i64: 128, 128>}, {pipeline_mode = #tpu.pipeline_mode<synchronous>, transform_indices = @transform_9, window_bounds = array<i64: 500, 128>}, {pipeline_mode = #tpu.pipeline_mode<synchronous>, transform_indices = @transform_10, window_bounds = array<i64: 1, 128>}, {pipeline_mode = #tpu.pipeline_mode<synchronous>, transform_indices = @transform_11, window_bounds = array<i64: 128, 10>}, {pipeline_mode = #tpu.pipeline_mode<synchronous>, transform_indices = @transform_12, window_bounds = array<i64: 1, 10>}, {pipeline_mode = #tpu.pipeline_mode<synchronous>, transform_indices = @transform_13, window_bounds = array<i64: 1, 10>}]} {
    %eq3A = arith.constant 0 : i32
    %eq3A_0 = arith.cmpi eq, %arg0, %eq3A : i32
    %convert_element_type3A = arith.extui %eq3A_0 : i1 to i32
    %cond3A = arith.constant 0 : i32
    %cond3A_1 = arith.cmpi ne, %convert_element_type3A, %cond3A : i32
    scf.if %cond3A_1 {
      %broadcast_in_dim3A_113 = arith.constant 0.000000e+00 : f32
      %broadcast_in_dim3A_114 = vector.broadcast %broadcast_in_dim3A_113 : f32 to vector<128x1xf32>
      %swap3A_115 = arith.constant 0 : index
      %swap3A_116 = arith.constant 0 : index
      %swap3A_117 = vector.load %arg15[%swap3A_115, %swap3A_116] : memref<128x1xf32, #tpu.memory_space<vmem>>, vector<128x1xf32>
      tpu.vector_store %arg15[%swap3A_115, %swap3A_116], %broadcast_in_dim3A_114 {strides = array<i32>} : memref<128x1xf32, #tpu.memory_space<vmem>>, vector<128x1xf32>,
    } else {
    }
    %get3A = arith.constant 0 : index
    %get3A_2 = arith.constant 0 : index
    %get3A_3 = arith.constant 0 : index
    %get3A_4 = arith.constant 0 : index
    %get3A_5 = arith.constant 0 : index
    %get3A_6 = vector.load %arg1[%get3A, %get3A_2, %get3A_3, %get3A_4, %get3A_5] : memref<2x16x2x112x128xf32, #tpu.memory_space<vmem>>, vector<2x16x2x112x128xf32>
    %reduce_sum3A = arith.constant dense<0.000000e+00> : vector<2x112x128xf32>
    %reduce_sum3A_7 = vector.multi_reduction <add>, %get3A_6, %reduce_sum3A [0, 1] : vector<2x16x2x112x128xf32> to vector<2x112x128xf32>
    %get3A_8 = arith.constant 0 : index
    %get3A_9 = arith.constant 0 : index
    %get3A_10 = vector.load %arg3[%get3A_8, %get3A_9] : memref<112x128xf32, #tpu.memory_space<vmem>>, vector<112x128xf32>
    %slice3A = vector.extract_strided_slice %reduce_sum3A_7 {offsets = [0, 0, 0], sizes = [1, 112, 128], strides = [1, 1, 1]} : vector<2x112x128xf32> to vector<1x112x128xf32>
    %squeeze3A = vector.shape_cast %slice3A : vector<1x112x128xf32> to vector<112x128xf32>
    %get3A_11 = arith.constant 0 : index
    %get3A_12 = arith.constant 0 : index
    %get3A_13 = arith.constant 0 : index
    %get3A_14 = vector.load %arg2[%get3A_11, %get3A_12, %get3A_13] : memref<2x112x128xf32, #tpu.memory_space<vmem>>, vector<1x112x128xf32>
    %get3A_15 = vector.shape_cast %get3A_14 : vector<1x112x128xf32> to vector<112x128xf32>
    %add3A = arith.addf %squeeze3A, %get3A_15 : vector<112x128xf32>
    %mul3A = arith.mulf %add3A, %get3A_10 : vector<112x128xf32>
    %slice3A_16 = vector.extract_strided_slice %reduce_sum3A_7 {offsets = [1, 0, 0], sizes = [1, 112, 128], strides = [1, 1, 1]} : vector<2x112x128xf32> to vector<1x112x128xf32>
    %squeeze3A_17 = vector.shape_cast %slice3A_16 : vector<1x112x128xf32> to vector<112x128xf32>
    %get3A_18 = arith.constant 1 : index
    %get3A_19 = arith.constant 0 : index
    %get3A_20 = arith.constant 0 : index
    %get3A_21 = vector.load %arg2[%get3A_18, %get3A_19, %get3A_20] : memref<2x112x128xf32, #tpu.memory_space<vmem>>, vector<1x112x128xf32>
    %get3A_22 = vector.shape_cast %get3A_21 : vector<1x112x128xf32> to vector<112x128xf32>
    %add3A_23 = arith.addf %squeeze3A_17, %get3A_22 : vector<112x128xf32>
    %mul3A_24 = arith.mulf %add3A_23, %get3A_10 : vector<112x128xf32>
    %get3A_25 = arith.constant 0 : index
    %get3A_26 = arith.constant 0 : index
    %get3A_27 = vector.load %arg5[%get3A_25, %get3A_26] : memref<2x128xf32, #tpu.memory_space<vmem>>, vector<2x128xf32>
    %slice3A_28 = vector.extract_strided_slice %get3A_27 {offsets = [0, 0], sizes = [1, 128], strides = [1, 1]} : vector<2x128xf32> to vector<1x128xf32>
    %squeeze3A_29 = vector.shape_cast %slice3A_28 : vector<1x128xf32> to vector<128xf32>
    %reshape3A = vector.shape_cast %squeeze3A_29 : vector<128xf32> to vector<128x1x1xf32>
    %get3A_30 = arith.constant 0 : index
    %get3A_31 = arith.constant 0 : index
    %get3A_32 = vector.load %arg5[%get3A_30, %get3A_31] : memref<2x128xf32, #tpu.memory_space<vmem>>, vector<2x128xf32>
    %slice3A_33 = vector.extract_strided_slice %get3A_32 {offsets = [1, 0], sizes = [1, 128], strides = [1, 1]} : vector<2x128xf32> to vector<1x128xf32>
    %squeeze3A_34 = vector.shape_cast %slice3A_33 : vector<1x128xf32> to vector<128xf32>
    %reshape3A_35 = vector.shape_cast %squeeze3A_34 : vector<128xf32> to vector<128x1x1xf32>
    %get3A_36 = arith.constant 0 : index
    %get3A_37 = arith.constant 0 : index
    %get3A_38 = vector.load %arg6[%get3A_36, %get3A_37] : memref<1x128xf32, #tpu.memory_space<vmem>>, vector<1x128xf32>
    %reshape3A_39 = vector.shape_cast %get3A_38 : vector<1x128xf32> to vector<128x1x1xf32>
    %broadcast_in_dim3A = vector.shape_cast %mul3A : vector<112x128xf32> to vector<1x112x128xf32>
    %mul3A_40 = vector.broadcast %reshape3A : vector<128x1x1xf32> to vector<128x112x128xf32>
    %mul3A_41 = vector.broadcast %broadcast_in_dim3A : vector<1x112x128xf32> to vector<128x112x128xf32>
    %mul3A_42 = arith.mulf %mul3A_40, %mul3A_41 : vector<128x112x128xf32>
    %broadcast_in_dim3A_43 = vector.shape_cast %mul3A_24 : vector<112x128xf32> to vector<1x112x128xf32>
    %mul3A_44 = vector.broadcast %reshape3A_35 : vector<128x1x1xf32> to vector<128x112x128xf32>
    %mul3A_45 = vector.broadcast %broadcast_in_dim3A_43 : vector<1x112x128xf32> to vector<128x112x128xf32>
    %mul3A_46 = arith.mulf %mul3A_44, %mul3A_45 : vector<128x112x128xf32>
    %add3A_47 = arith.addf %mul3A_42, %mul3A_46 : vector<128x112x128xf32>
    %add3A_48 = vector.broadcast %reshape3A_39 : vector<128x1x1xf32> to vector<128x112x128xf32>
    %add3A_49 = arith.addf %add3A_47, %add3A_48 : vector<128x112x128xf32>
    %max3A = arith.constant 0.000000e+00 : f32
    %max3A_50 = vector.broadcast %max3A : f32 to vector<128x112x128xf32>
    %max3A_51 = arith.maximumf %add3A_49, %max3A_50 : vector<128x112x128xf32>
    %reduce_sum3A_52 = arith.constant dense<0.000000e+00> : vector<112x128xf32>
    %reduce_sum3A_53 = vector.multi_reduction <add>, %max3A_51, %reduce_sum3A_52 [0] : vector<128x112x128xf32> to vector<112x128xf32>
    %broadcast_in_dim3A_54 = vector.shape_cast %reduce_sum3A_53 : vector<112x128xf32> to vector<1x112x128xf32>
    %div3A = arith.constant 1.280000e+02 : f32
    %div3A_55 = vector.broadcast %div3A : f32 to vector<1x112x128xf32>
    %div3A_56 = arith.divf %broadcast_in_dim3A_54, %div3A_55 : vector<1x112x128xf32>
    %sub3A = vector.broadcast %div3A_56 : vector<1x112x128xf32> to vector<128x112x128xf32>
    %sub3A_57 = arith.subf %max3A_51, %sub3A : vector<128x112x128xf32>
    %mul3A_58 = arith.mulf %sub3A_57, %sub3A_57 : vector<128x112x128xf32>
    %reduce_sum3A_59 = arith.constant dense<0.000000e+00> : vector<112x128xf32>
    %reduce_sum3A_60 = vector.multi_reduction <add>, %mul3A_58, %reduce_sum3A_59 [0] : vector<128x112x128xf32> to vector<112x128xf32>
    %broadcast_in_dim3A_61 = vector.shape_cast %reduce_sum3A_60 : vector<112x128xf32> to vector<1x112x128xf32>
    %div3A_62 = arith.constant 1.280000e+02 : f32
    %div3A_63 = vector.broadcast %div3A_62 : f32 to vector<1x112x128xf32>
    %div3A_64 = arith.divf %broadcast_in_dim3A_61, %div3A_63 : vector<1x112x128xf32>
    %add3A_65 = arith.constant 9.99999974E-6 : f32
    %add3A_66 = vector.broadcast %add3A_65 : f32 to vector<1x112x128xf32>
    %add3A_67 = arith.addf %div3A_64, %add3A_66 : vector<1x112x128xf32>
    %sqrt3A = math.sqrt %add3A_67 : vector<1x112x128xf32>
    %div3A_68 = vector.broadcast %sqrt3A : vector<1x112x128xf32> to vector<128x112x128xf32>
    %div3A_69 = arith.divf %sub3A_57, %div3A_68 : vector<128x112x128xf32>
    %get3A_70 = arith.constant 0 : index
    %get3A_71 = arith.constant 0 : index
    %get3A_72 = vector.load %arg7[%get3A_70, %get3A_71] : memref<1x128xf32, #tpu.memory_space<vmem>>, vector<1x128xf32>
    %reshape3A_73 = vector.shape_cast %get3A_72 : vector<1x128xf32> to vector<128x1x1xf32>
    %mul3A_74 = vector.broadcast %reshape3A_73 : vector<128x1x1xf32> to vector<128x112x128xf32>
    %mul3A_75 = arith.mulf %div3A_69, %mul3A_74 : vector<128x112x128xf32>
    %get3A_76 = arith.constant 0 : index
    %get3A_77 = arith.constant 0 : index
    %get3A_78 = vector.load %arg8[%get3A_76, %get3A_77] : memref<1x128xf32, #tpu.memory_space<vmem>>, vector<1x128xf32>
    %reshape3A_79 = vector.shape_cast %get3A_78 : vector<1x128xf32> to vector<128x1x1xf32>
    %add3A_80 = vector.broadcast %reshape3A_79 : vector<128x1x1xf32> to vector<128x112x128xf32>
    %add3A_81 = arith.addf %mul3A_75, %add3A_80 : vector<128x112x128xf32>
    %mul3A_82 = arith.constant 112 : i32
    %mul3A_83 = arith.muli %arg0, %mul3A_82 : i32
    %mul3A_84 = arith.constant 128 : i32
    %mul3A_85 = arith.muli %mul3A_83, %mul3A_84 : i32
    %iota3A = tpu.iota {dimensions = array<i32: 0>} : vector<112x128xi32>
    %mul3A_86 = arith.constant 128 : i32
    %mul3A_87 = vector.broadcast %mul3A_86 : i32 to vector<112x128xi32>
    %mul3A_88 = arith.muli %iota3A, %mul3A_87 : vector<112x128xi32>
    %add3A_89 = vector.broadcast %mul3A_85 : i32 to vector<112x128xi32>
    %add3A_90 = arith.addi %add3A_89, %mul3A_88 : vector<112x128xi32>
    %iota3A_91 = tpu.iota {dimensions = array<i32: 1>} : vector<112x128xi32>
    %add3A_92 = arith.addi %add3A_90, %iota3A_91 : vector<112x128xi32>
    %lt3A = arith.constant 100000 : i32
    %lt3A_93 = vector.broadcast %lt3A : i32 to vector<112x128xi32>
    %lt3A_94 = arith.cmpi slt, %add3A_92, %lt3A_93 : vector<112x128xi32>
    %broadcast_in_dim3A_95 = vector.shape_cast %lt3A_94 : vector<112x128xi1> to vector<1x112x128xi1>
    %jit3A = arith.constant 0.000000e+00 : f32
    %broadcast_in_dim3A_96 = vector.shape_cast %broadcast_in_dim3A_95 : vector<1x112x128xi1> to vector<1x112x128xi1>
    %broadcast_in_dim3A_97 = vector.broadcast %broadcast_in_dim3A_96 : vector<1x112x128xi1> to vector<128x112x128xi1>
    %broadcast_in_dim3A_98 = vector.broadcast %jit3A : f32 to vector<128x112x128xf32>
    %select_n3A = arith.select %broadcast_in_dim3A_97, %add3A_81, %broadcast_in_dim3A_98 : vector<128x112x128xi1>, vector<128x112x128xf32>
    %get3A_99 = arith.constant 0 : index
    %get3A_100 = arith.constant 0 : index
    %get3A_101 = vector.load %arg15[%get3A_99, %get3A_100] : memref<128x1xf32, #tpu.memory_space<vmem>>, vector<128x1xf32>
    %reduce_sum3A_102 = arith.constant dense<0.000000e+00> : vector<128xf32>
    %reduce_sum3A_103 = vector.multi_reduction <add>, %select_n3A, %reduce_sum3A_102 [1, 2] : vector<128x112x128xf32> to vector<128xf32>
    %reshape3A_104 = vector.shape_cast %reduce_sum3A_103 : vector<128xf32> to vector<128x1xf32>
    %add3A_105 = arith.addf %get3A_101, %reshape3A_104 : vector<128x1xf32>
    %swap3A = arith.constant 0 : index
    %swap3A_106 = arith.constant 0 : index
    %swap3A_107 = vector.load %arg15[%swap3A, %swap3A_106] : memref<128x1xf32, #tpu.memory_space<vmem>>, vector<128x1xf32>
    tpu.vector_store %arg15[%swap3A, %swap3A_106], %add3A_105 {strides = array<i32>} : memref<128x1xf32, #tpu.memory_space<vmem>>, vector<128x1xf32>,
    %eq3A_108 = arith.constant 6 : i32
    %eq3A_109 = arith.cmpi eq, %arg0, %eq3A_108 : i32
    %convert_element_type3A_110 = arith.extui %eq3A_109 : i1 to i32
    %cond3A_111 = arith.constant 0 : i32
    %cond3A_112 = arith.cmpi ne, %convert_element_type3A_110, %cond3A_111 : i32
    scf.if %cond3A_112 {
      %get3A_113 = arith.constant 0 : index
      %get3A_114 = arith.constant 0 : index
      %get3A_115 = vector.load %arg15[%get3A_113, %get3A_114] : memref<128x1xf32, #tpu.memory_space<vmem>>, vector<128x1xf32>
      %reshape3A_116 = vector.shape_cast %get3A_115 : vector<128x1xf32> to vector<1x128xf32>
      %get3A_117 = arith.constant 0 : index
      %get3A_118 = arith.constant 0 : index
      %get3A_119 = vector.load %arg9[%get3A_117, %get3A_118] : memref<128x128xf32, #tpu.memory_space<vmem>>, vector<128x128xf32>
      %dot_general3A = arith.constant dense<0.000000e+00> : vector<1x128xf32>
      %dot_general3A_120 = tpu.matmul %reshape3A_116, %get3A_119, %dot_general3A {dimension_numbers = #tpu.dot_dimension_numbers<[1], [0], [0], [1], [0, 0, 1, 1], [], []>, precision = #tpu.contract_precision<fp32>, transpose_lhs_hint = false} : vector<1x128xf32>, vector<128x128xf32>, vector<1x128xf32> -> vector<1x128xf32>
      %get3A_121 = arith.constant 0 : index
      %get3A_122 = arith.constant 0 : index
      %get3A_123 = vector.load %arg4[%get3A_121, %get3A_122] : memref<1x500xf32, #tpu.memory_space<vmem>>, vector<1x500xf32>
      %get3A_124 = arith.constant 0 : index
      %get3A_125 = arith.constant 0 : index
      %get3A_126 = vector.load %arg10[%get3A_124, %get3A_125] : memref<500x128xf32, #tpu.memory_space<vmem>>, vector<500x128xf32>
      %dot_general3A_127 = arith.constant dense<0.000000e+00> : vector<1x128xf32>
      %dot_general3A_128 = tpu.matmul %get3A_123, %get3A_126, %dot_general3A_127 {dimension_numbers = #tpu.dot_dimension_numbers<[1], [0], [0], [1], [0, 0, 1, 1], [], []>, precision = #tpu.contract_precision<fp32>, transpose_lhs_hint = false} : vector<1x500xf32>, vector<500x128xf32>, vector<1x128xf32> -> vector<1x128xf32>
      %add3A_129 = arith.addf %dot_general3A_120, %dot_general3A_128 : vector<1x128xf32>
      %get3A_130 = arith.constant 0 : index
      %get3A_131 = arith.constant 0 : index
      %get3A_132 = vector.load %arg11[%get3A_130, %get3A_131] : memref<1x128xf32, #tpu.memory_space<vmem>>, vector<1x128xf32>
      %add3A_133 = arith.addf %add3A_129, %get3A_132 : vector<1x128xf32>
      %max3A_134 = arith.constant 0.000000e+00 : f32
      %max3A_135 = vector.broadcast %max3A_134 : f32 to vector<1x128xf32>
      %max3A_136 = arith.maximumf %add3A_133, %max3A_135 : vector<1x128xf32>
      %get3A_137 = arith.constant 0 : index
      %get3A_138 = arith.constant 0 : index
      %get3A_139 = vector.load %arg12[%get3A_137, %get3A_138] : memref<128x10xf32, #tpu.memory_space<vmem>>, vector<128x10xf32>
      %dot_general3A_140 = arith.constant dense<0.000000e+00> : vector<1x10xf32>
      %dot_general3A_141 = tpu.matmul %max3A_136, %get3A_139, %dot_general3A_140 {dimension_numbers = #tpu.dot_dimension_numbers<[1], [0], [0], [1], [0, 0, 1, 1], [], []>, precision = #tpu.contract_precision<fp32>, transpose_lhs_hint = false} : vector<1x128xf32>, vector<128x10xf32>, vector<1x10xf32> -> vector<1x10xf32>
      %get3A_142 = arith.constant 0 : index
      %get3A_143 = arith.constant 0 : index
      %get3A_144 = vector.load %arg13[%get3A_142, %get3A_143] : memref<1x10xf32, #tpu.memory_space<vmem>>, vector<1x10xf32>
      %add3A_145 = arith.addf %dot_general3A_141, %get3A_144 : vector<1x10xf32>
      %reduce_max3A = arith.constant dense<0xFF800000> : vector<1xf32>
      %reduce_max3A_146 = vector.multi_reduction <maximumf>, %add3A_145, %reduce_max3A [1] : vector<1x10xf32> to vector<1xf32>
      %broadcast_in_dim3A_147 = vector.shape_cast %reduce_max3A_146 : vector<1xf32> to vector<1x1xf32>
      %sub3A_148 = vector.broadcast %broadcast_in_dim3A_147 : vector<1x1xf32> to vector<1x10xf32>
      %sub3A_149 = arith.subf %add3A_145, %sub3A_148 : vector<1x10xf32>
      %exp3A = math.exp %sub3A_149 : vector<1x10xf32>
      %reduce_sum3A_150 = arith.constant dense<0.000000e+00> : vector<1xf32>
      %reduce_sum3A_151 = vector.multi_reduction <add>, %exp3A, %reduce_sum3A_150 [1] : vector<1x10xf32> to vector<1xf32>
      %broadcast_in_dim3A_152 = vector.shape_cast %reduce_sum3A_151 : vector<1xf32> to vector<1x1xf32>
      %log3A = math.log %broadcast_in_dim3A_152 : vector<1x1xf32>
      %add3A_153 = arith.addf %log3A, %broadcast_in_dim3A_147 : vector<1x1xf32>
      %sub3A_154 = vector.broadcast %add3A_153 : vector<1x1xf32> to vector<1x10xf32>
      %sub3A_155 = arith.subf %add3A_145, %sub3A_154 : vector<1x10xf32>
      %swap3A_156 = arith.constant 0 : index
      %swap3A_157 = arith.constant 0 : index
      %swap3A_158 = vector.load %arg14[%swap3A_156, %swap3A_157] : memref<1x10xf32, #tpu.memory_space<vmem>>, vector<1x10xf32>
      tpu.vector_store %arg14[%swap3A_156, %swap3A_157], %sub3A_155 {strides = array<i32>} : memref<1x10xf32, #tpu.memory_space<vmem>>, vector<1x10xf32>,
    } else {
    }
    return
  }
  func.func @transform_0(%arg0: i32) -> (i32, i32, i32, i32, i32) {
    %c0_i32 = arith.constant 0 : i32
    %c0_i32_0 = arith.constant 0 : i32
    %c0_i32_1 = arith.constant 0 : i32
    %c0_i32_2 = arith.constant 0 : i32
    %c0_i32_3 = arith.constant 0 : i32
    return %c0_i32, %c0_i32_0, %c0_i32_1, %arg0, %c0_i32_2 : i32, i32, i32, i32, i32
  }
  func.func @transform_1(%arg0: i32) -> (i32, i32, i32) {
    %c0_i32 = arith.constant 0 : i32
    %c0_i32_0 = arith.constant 0 : i32
    %c0_i32_1 = arith.constant 0 : i32
    return %c0_i32, %arg0, %c0_i32_0 : i32, i32, i32
  }
  func.func @transform_2(%arg0: i32) -> (i32, i32) {
    %c0_i32 = arith.constant 0 : i32
    %c0_i32_0 = arith.constant 0 : i32
    return %arg0, %c0_i32 : i32, i32
  }
  func.func @transform_3(%arg0: i32) -> (i32, i32) {
    %c0_i32 = arith.constant 0 : i32
    %c0_i32_0 = arith.constant 0 : i32
    %c0_i32_1 = arith.constant 0 : i32
    return %c0_i32, %c0_i32_0 : i32, i32
  }
  func.func @transform_4(%arg0: i32) -> (i32, i32) {
    %c0_i32 = arith.constant 0 : i32
    %c0_i32_0 = arith.constant 0 : i32
    %c0_i32_1 = arith.constant 0 : i32
    return %c0_i32, %c0_i32_0 : i32, i32
  }
  func.func @transform_5(%arg0: i32) -> (i32, i32) {
    %c0_i32 = arith.constant 0 : i32
    %c0_i32_0 = arith.constant 0 : i32
    %c0_i32_1 = arith.constant 0 : i32
    return %c0_i32, %c0_i32_0 : i32, i32
  }
  func.func @transform_6(%arg0: i32) -> (i32, i32) {
    %c0_i32 = arith.constant 0 : i32
    %c0_i32_0 = arith.constant 0 : i32
    %c0_i32_1 = arith.constant 0 : i32
    return %c0_i32, %c0_i32_0 : i32, i32
  }
  func.func @transform_7(%arg0: i32) -> (i32, i32) {
    %c0_i32 = arith.constant 0 : i32
    %c0_i32_0 = arith.constant 0 : i32
    %c0_i32_1 = arith.constant 0 : i32
    return %c0_i32, %c0_i32_0 : i32, i32
  }
  func.func @transform_8(%arg0: i32) -> (i32, i32) {
    %c0_i32 = arith.constant 0 : i32
    %c0_i32_0 = arith.constant 0 : i32
    %c0_i32_1 = arith.constant 0 : i32
    return %c0_i32, %c0_i32_0 : i32, i32
  }
  func.func @transform_9(%arg0: i32) -> (i32, i32) {
    %c0_i32 = arith.constant 0 : i32
    %c0_i32_0 = arith.constant 0 : i32
    %c0_i32_1 = arith.constant 0 : i32
    return %c0_i32, %c0_i32_0 : i32, i32
  }
  func.func @transform_10(%arg0: i32) -> (i32, i32) {
    %c0_i32 = arith.constant 0 : i32
    %c0_i32_0 = arith.constant 0 : i32
    %c0_i32_1 = arith.constant 0 : i32
    return %c0_i32, %c0_i32_0 : i32, i32
  }
  func.func @transform_11(%arg0: i32) -> (i32, i32) {
    %c0_i32 = arith.constant 0 : i32
    %c0_i32_0 = arith.constant 0 : i32
    %c0_i32_1 = arith.constant 0 : i32
    return %c0_i32, %c0_i32_0 : i32, i32
  }
  func.func @transform_12(%arg0: i32) -> (i32, i32) {
    %c0_i32 = arith.constant 0 : i32
    %c0_i32_0 = arith.constant 0 : i32
    %c0_i32_1 = arith.constant 0 : i32
    return %c0_i32, %c0_i32_0 : i32, i32
  }
  func.func @transform_13(%arg0: i32) -> (i32, i32) {
    %c0_i32 = arith.constant 0 : i32
    %c0_i32_0 = arith.constant 0 : i32
    %c0_i32_1 = arith.constant 0 : i32
    return %c0_i32, %c0_i32_0 : i32, i32
  }
}

</mosaic_0001>

<sc_bundles>
// kernel: kernel.6.cloned.1.call-start
scs
__scs_entry_jumppad:
0x0: {  	(pc) =	sbr.rel $0x88, $3  }
0x1: {  	(tag) =	ssettag $0x0;
	lr =	simm.s32 $0x1  }
0x2: {  	[smem:$0x3F96] =	sst lr;
	_ =	strace $0xD0000000  }
0x3: {  	_ = 	snop  }
0x4: {  	_ = 	snop  }
0x5: {  	_ = 	snop  }
0x6: {  	_ = 	snop  }
0x7: {  	_ = 	snop  }
__scs_overlays_trampoline_lowered:
0x8: {  	[smem:$0x3FA5] =	sst s0  }
0x9: {  	[smem:$0x3FA6] =	sst s1  }
0xa: {  	[smem:$0x3FA7] =	sst s2  }
0xb: {  	[smem:$0x3FA8] =	sst s3  }
0xc: {  	[smem:$0x3FA9] =	sst s4  }
0xd: {  	[smem:$0x3FAA] =	sst s5  }
0xe: {  	[smem:$0x3FAB] =	sst s6  }
0xf: {  	[smem:$0x3FAC] =	sst s7  }
0x10: {  	[smem:$0x3FAD] =	sst s8  }
0x11: {  	[smem:$0x3FAE] =	sst s9;
	s0 =	simm.s32 @!p0 $0x0  }
0x12: {  	s1 =	sld [smem:$0x3F94];
	s0 =	simm.s32 @p0 $0x1  }
0x13: {  	[smem:$0x3FAF] =	sst s0;
	s0 =	simm.s32 @!p1 $0x0  }
0x14: {  	s2 =	sld [smem:$0x3F93];
	s0 =	simm.s32 @p1 $0x1  }
0x15: {  	[smem:$0x3FB0] =	sst s0;
	s0 =	simm.s32 @!p2 $0x0  }
0x16: {  	s3 =	sld [smem:$0x3FDB];
	s0 =	simm.s32 @p2 $0x1  }
0x17: {  	s4 =	simm.s32 $0x1BF5;
	[smem:$0x3FB2] =	sst s0  }
0x18: {  	s0 =	sld [smem:$0x3F95];
	_ =	swait.ge [sflag:s4], $0x0  }
0x19: {  	s7 =	sld [smem:$0x3F96]  }
0x1a: {  	s8 =	sadd.s32 $0xFFFFE003, lr  }
0x1b: {  	s9 =	sadd.s32 $0xFFFFFEF7, lr;
	s5 =	simm.s32 $0xFFFFFFFF;
	p2 =	slt.u32 s8, $0xFFFFF086  }
0x1c: {  	p1 =	slt.u32 s9, $0xF7A;
	s5 =	simm.s32 @!p2 $0x0  }
0x1d: {  	s5 =	simm.s32 @p1 $0x1;
	p0 =	seq.s32 s7, s2  }
0x1e: {  	s7 =	smul.u32 @!p0 $0xF7A, s2;
	p2 =	seq.s32 @!p0 s5, $0x0  }
0x1f: {  	s9 =	smul.u32 $0xF7A, s1;
	s8 =	simm.s32 @!p0 $0x1BF5;
	p2 =	por !p2, p0  }
0x20: {  	[sflag:s8] =	ssyncset.s32 @!p0 $0xFFFFF086;
	s6 =	sadd.s32 @!p0 s3, s7;
	s7 =	simm.s32 @!p0 $0x108  }
0x21: {  	s3 =	sadd.s32 s3, s9;
	s6 =	sadd.s32 @!p0 $0x88, s6;
	s7 =	simm.s32 @p2 $0x1082  }
0x22: {  	[simem:s7], [sflag:s8] =	dma.local @!p0 [hbm:s6], $0xF7A  }
0x23: {  	s9 =	sor.u32 $0xD0000000, s2;
	s6 =	simm.s32 $0x108;
	_ =	swait.ge @!p0 [sflag:s8], $0x0  }
0x24: {  	s3 =	sadd.s32 $0x88, s3;
	s6 =	simm.s32 @!p1 $0x1082;
	[sflag:s4] =	ssyncset.s32 $0xFFFFF086  }
0x25: {  	[simem:s6], [sflag:s4] =	dma.local [hbm:s3], $0xF7A  }
0x26: {  	[smem:$0x3F96] =	sst s1;
	(tag) =	ssettag s2;
	_ =	strace s9  }
0x27: {  	s1 =	sld [smem:$0x3FA6]  }
0x28: {  	s2 =	sld [smem:$0x3FA7]  }
0x29: {  	s4 =	sld [smem:$0x3FA9]  }
0x2a: {  	p0 =	seq.s32 s5, $0x0;
	s5 =	sld [smem:$0x3FAA]  }
0x2b: {  	s6 =	sld [smem:$0x3FAB]  }
0x2c: {  	s7 =	sld [smem:$0x3FAC]  }
0x2d: {  	s3 =	simm.s32 $0x108;
	s8 =	sld [smem:$0x3FAD]  }
0x2e: {  	s3 =	simm.s32 @!p0 $0x1082;
	s9 =	sld [smem:$0x3FAE]  }
0x2f: {  	lr =	sadd.s32 s0, s3;
	s0 =	sld [smem:$0x3FA5]  }
0x30: {  	s3 =	sld [smem:$0x3FA8]  }
0x31: {  	[smem:$0x3FB1] =	sst s10  }
0x32: {  	s10 =	sld [smem:$0x3FAF];
	_ =	sdelay $0x3  }
0x33: {  	p0 =	seq.s32 s10, $0x1;
	s10 =	sld [smem:$0x3FB1];
	_ =	sdelay $0x3  }
0x34: {  	[smem:$0x3FB1] =	sst s10  }
0x35: {  	s10 =	sld [smem:$0x3FB0];
	_ =	sdelay $0x3  }
0x36: {  	p1 =	seq.s32 s10, $0x1;
	s10 =	sld [smem:$0x3FB1];
	_ =	sdelay $0x3  }
0x37: {  	[smem:$0x3FB1] =	sst s10  }
0x38: {  	s10 =	sld [smem:$0x3FB2]  }
0x39: {  	_ = 	snop;
	(pc) =	sbr.ind lr, $3  }
0x3a: {  	_ = 	snop  }
0x3b: {  	_ = 	snop  }
0x3c: {  	p2 =	seq.s32 s10, $0x1;
	s10 =	sld [smem:$0x3FB1]  }
0x3d: {  	_ =	shalt  }
0x3e: {  	_ =	shalt  }
0x3f: {  	_ =	shalt  }
0x40: {  	_ =	shalt  }
0x41: {  	_ =	shalt  }
0x42: {  	_ =	shalt  }
0x43: {  	_ =	shalt  }
0x44: {  	_ =	shalt  }
0x45: {  	_ =	shalt  }
0x46: {  	_ =	shalt  }
0x47: {  	_ =	shalt  }
0x48: {  	_ =	shalt  }
0x49: {  	_ =	shalt  }
0x4a: {  	_ =	shalt  }
0x4b: {  	_ =	shalt  }
0x4c: {  	_ =	shalt  }
0x4d: {  	_ =	shalt  }
0x4e: {  	_ =	shalt  }
0x4f: {  	_ =	shalt  }
0x50: {  	_ =	shalt  }
0x51: {  	_ =	shalt  }
0x52: {  	_ =	shalt  }
0x53: {  	_ =	shalt  }
0x54: {  	_ =	shalt  }
0x55: {  	_ =	shalt  }
0x56: {  	_ =	shalt  }
0x57: {  	_ =	shalt  }
0x58: {  	_ =	shalt  }
0x59: {  	_ =	shalt  }
0x5a: {  	_ =	shalt  }
0x5b: {  	_ =	shalt  }
0x5c: {  	_ =	shalt  }
0x5d: {  	_ =	shalt  }
0x5e: {  	_ =	shalt  }
0x5f: {  	_ =	shalt  }
0x60: {  	_ =	shalt  }
0x61: {  	_ =	shalt  }
0x62: {  	_ =	shalt  }
0x63: {  	_ =	shalt  }
0x64: {  	_ =	shalt  }
0x65: {  	_ =	shalt  }
0x66: {  	_ =	shalt  }
0x67: {  	_ =	shalt  }
0x68: {  	_ =	shalt  }
0x69: {  	_ =	shalt  }
0x6a: {  	_ =	shalt  }
0x6b: {  	_ =	shalt  }
0x6c: {  	_ =	shalt  }
0x6d: {  	_ =	shalt  }
0x6e: {  	_ =	shalt  }
0x6f: {  	_ =	shalt  }
0x70: {  	_ =	shalt  }
0x71: {  	_ =	shalt  }
0x72: {  	_ =	shalt  }
0x73: {  	_ =	shalt  }
0x74: {  	_ =	shalt  }
0x75: {  	_ =	shalt  }
0x76: {  	_ =	shalt  }
0x77: {  	_ =	shalt  }
0x78: {  	_ =	shalt  }
0x79: {  	_ =	shalt  }
0x7a: {  	_ =	shalt  }
0x7b: {  	_ =	shalt  }
0x7c: {  	_ =	shalt  }
0x7d: {  	_ =	shalt  }
0x7e: {  	_ =	shalt  }
0x7f: {  	_ =	shalt  }
0x80: {  	_ =	shalt  }
0x81: {  	_ =	shalt  }
0x82: {  	_ =	shalt  }
0x83: {  	_ =	shalt  }
0x84: {  	_ =	shalt  }
0x85: {  	_ =	shalt  }
0x86: {  	_ =	shalt  }
0x87: {  	_ =	shalt  }
.Lfunc_end0:
.L_simem_size_0:
called_computation_lowered:
.L_overlay_start_0:
0x88: {  	s2 =	sld [smem:$0x3FD9]  }
0x89: {  	s3 =	sld [smem:$0x3FFE];
	_ =	sdelay $0x1  }
0x8a: {  	s1 =	srdreg.scid  }
0x8b: {  	s0 =	sand.u32 $0x1, s1  }
0x8c: {  	s16 =	sshll.u32 s0, $0xA;
	s2 =	sadd.s32 s3, s2  }
0x8d: {  	s2 =	sadd.s32 s2, s16  }
0x8e: {  	[smem:$0x3FBD] =	sst s2  }
0x8f: {  	_ = 	snop  }
0x90: {  	(tm) =	ssettm $0x1  }
0x91: {  	s17 =	sld [smem:$0x3FFB];
	_ =	sdelay $0x3  }
0x92: {  	_ =	strace s17  }
0x93: {  	s2 =	sld [smem:$0x3FFC];
	_ =	sdelay $0x3  }
0x94: {  	_ =	strace s2  }
0x95: {  	s2 =	sld [smem:$0x3FFD];
	_ =	sdelay $0x3  }
0x96: {  	_ =	strace s2  }
0x97: {  	_ =	strace $0x8FFFFFFF  }
0x98: {  	s18 =	sld [smem:$0x3FDB];
	_ =	sdelay $0x1  }
0x99: {  	s19 =	simm.s32 $_scs_section_size  }
0x9a: {  	s4 =	simm.s32 $_size__tile_overlayer_lowered;
	s5 =	simm.s32 $_tile_overlayer_lowered  }
0x9b: {  	s22 =	simm.s32 $0x1BFF;
	s21 =	sshll.u32 s5, $0x1;
	s2 =	sadd.s32 s19, s18  }
0x9c: {  	s6 =	simm.s32 $0x0;
	s20 =	sshll.u32 s4, $0x1;
	s4 =	sadd.s32 s21, s2  }
0x9d: {  	[timem:s6], [sflag:s22] =	dma.local [hbm:s4], s20  }
0x9e: {  	_ =	swait.ge [sflag:s22], s20  }
0x9f: {  	s3 =	ssub.s32 $0x0, s20;
	[sflag:s22] =	ssyncset.done $0x0  }
0xa0: {  	[sflag:s22] =	ssyncadd.s32 s3;
	_ =	sdelay $0x1  }
0xa1: {  	s23 =	simm.s32 $0x1B8B  }
0xa2: {  	_ =	swait.ge [sflag:s23], $0x1  }
0xa3: {  	[sflag:s23] =	ssyncset.done $0x0  }
0xa4: {  	s25 =	simm.s32 $0x1B8E;
	s24 =	sld [smem:$0x3FFE];
	[sflag:s23] =	ssyncadd.s32 $0xFFFFFFFF  }
0xa5: {  	s26 =	simm.s32 $execute0_lowered;
	[smem:$0x3FD2] =	sst s25  }
0xa6: {  	s4 =	sshll.u32 s26, $0x1;
	_ =	strace $0x80000046;
	[dreg:$0x1] =	wrdreg $0xFFFFFFFF  }
0xa7: {  	s28 =	simm.s32 $_size_execute0_lowered;
	s2 =	sadd.s32 s2, s4;
	[dreg:$0x0] =	wrdreg $0x0  }
0xa8: {  	s4 =	sshll.u32 s28, $0x1;
	[dreg:$0x2] =	wrdreg s2  }
0xa9: {  	[dreg:$0x3] =	wrdreg s4  }
0xaa: {  	[dreg:$0x4] =	wrdreg $0xC0  }
0xab: {  	_ =	task [dreg:s6], $0x5FFFF  }
0xac: {  	[dreg:$0x1] =	wrdreg $0xFFFFFFFF  }
0xad: {  	[dreg:$0x0] =	wrdreg $0x60  }
0xae: {  	[dreg:$0x2] =	wrdreg s24  }
0xaf: {  	[dreg:$0x3] =	wrdreg $0x9  }
0xb0: {  	_ =	task.clear_ibuf [dreg:s6], $0x4FFFF;
	_ =	strace $0x90000046  }
0xb1: {  	s29 =	simm.s32 $0x9;
	_ =	strace $0x80000048  }
0xb2: {  	_ =	swait.ge [sflag:s29], $0x1  }
0xb3: {  	[sflag:s29] =	ssyncadd.s32 $0xFFFFFFFF  }
0xb4: {  	_ =	strace $0x90000048  }
0xb5: {  	_ =	sfence  }
0xb6: {  	s30 =	sld [smem:$0x0];
	_ =	sdelay $0x2  }
0xb7: {  	s31 =	sshll.u32 s1, $0xD;
	s1 =	sshrl.u32 s1, $0x2  }
0xb8: {  	s3 =	sand.u32 $0x4000, s31;
	s1 =	sadd.s32 s1, s30  }
0xb9: {  	s0 =	sor.u32 s3, s0;
	s1 =	sshll.u32 s1, $0x11  }
0xba: {  	s0 =	sor.u32 s1, s0  }
0xbb: {  	s0 =	sadd.s32 $0x8F2B, s0  }
0xbc: {  	[sflag:s0] =	ssyncadd.remote.s32 $0x1  }
0xbd: {  	_ =	sfence.sel $0xFFFF  }
0xbe: {  	[dreg:$0x0] =	wrdreg $0xFFFFFFFF;
	(pc) =	sbr.abs _section_cstart, $3  }
0xbf: {  	[dreg:$0x1] =	wrdreg $0xFFFFFFFF  }
0xc0: {  	_ =	task.clear_ibuf [dreg:s6], $0x2FFFF;
	_ =	strace $0x9FFFFFFF  }
0xc1: {  	(tm) =	ssettm $0x7FFFFFFF  }
tec
execute0_lowered:
.L_overlay_start_1:
0x0: {  	(tag) =	ssettag $0x1  }
0x1: {  	s1 =	srdreg.scid  }
0x2: {  	s0 =	stileid.u32;
	s6 =	rddreg [dreg:$0x0]  }
0x3: {  	s2 =	simm.s32 $0x0;
	s12 =	simm.s32 $0x1380;
	s13 =	simm.s32 $0x1  }
0x4: {  	s14 =	simm.s32 $0x2;
	s15 =	simm.s32 $0x0;
	s4 =	sand.u32 $0x1, s1  }
0x5: {  	s28 =	sshll.u32 s0, $0x1;
	s1 =	rddreg [dreg:$0x1];
	s8 =	smul.u32 $0x18800, s0  }
0x6: {  	[smem:$0x7FF] =	sst s2;
	s3 =	sor.u32 s4, s28;
	s7 =	smul.u32 $0x188000, s4  }
0x7: {  	p0 =	sgt.u32 s0, $0x9;
	_ =	strace $0x80000047;
	s5 =	smul.u32 $0x186, s3  }
0x8: {  	s29 =	ssub.s32 $0x2, s4;
	s4 =	sadd.s32 $0x64000, s6;
	s3 =	smin.u32 s3, $0x14  }
0x9: {  	s31 =	sshrl.u32 s29, $0x1;
	s7 =	sadd.s32 s8, s7;
	s3 =	sadd.s32 s3, s5  }
0xa: {  	s11 =	ssub.s32 s29, s31;
	s30 =	sshrl.u32 s7, $0x3;
	s5 =	sshll.u32 s3, $0x4  }
0xb: {  	s10 =	sadd.s32 s30, s6;
	s9 =	sadd.s32 s5, s6;
	s5 =	sadd.s32 $0x33140, s6  }
0xc: {  	s6 =	sadd.s32 $0x333B0, s6;
	s8 =	sadd.s32 $0x67200, s10;
	s10 =	simm.s32 $0x2700  }
0xd: {  	v0 =	vimm.f32 $1.000000000e+00;
	s7 =	sadd.s32 $0x349A0, s9;
	s9 =	smax.u32 s11, $0x1;
	s11 =	simm.s32 $0x3  }
.LBB2_1:
0xe: {  	[tilespmem:s10], [sflag:$0x3] =	stream.linear.gather [hbm4b:s4+s2], $0x18800, $0x38;
	[tilespmem:$0x1AF00] =	vst v63  }
0xf: {  	_ =	swait.ge [sflag:s11], $0x18800  }
0x10: {  	[sflag:s11] =	ssyncset.done $0x0  }
0x11: {  	s16 =	simm.s32 $0x0;
	[sflag:s11] =	ssyncadd.s32 $0xFFFE7800  }
.LBB2_2:
0x12: {  	s17 =	smul.u32 $0x4E, s16;
	_ =	sdelay $0x1  }
0x13: {  	s17 =	sadd.s32 s3, s17  }
0x14: {  	s18 =	sshll.u32 s17, $0x4  }
0x15: {  	s17 =	simm.s32 $0x0;
	s19 =	sadd.s32 s18, s5  }
0x16: {  	[tilespmem:s17], [sflag:$0x1] =	stream.linear.gather [hbm4b:s19+s17], $0x1380, $0x38;
	[tilespmem:$0x1AF00] =	vst v63  }
0x17: {  	s18 =	sadd.s32 s18, s6  }
0x18: {  	[tilespmem:s12], [sflag:$0x2] =	stream.linear.gather [hbm4b:s18+s17], $0x1380, $0x38;
	[tilespmem:$0x1AF00] =	vst v63  }
0x19: {  	_ =	swait.ge [sflag:s13], $0x1380  }
0x1a: {  	[sflag:s13] =	ssyncset.done $0x0  }
0x1b: {  	[sflag:s13] =	ssyncadd.s32 $0xFFFFEC80  }
.LBB2_3:
0x1c: {  	s18 =	sshra.s32 s17, $0x2  }
0x1d: {  	v1 =	vld [tilespmem:s18+$0x0];
	_ =	sdelay $0x7  }
0x1e: {  	[tilespmem:v1+s10+$0x0] =	vst.idx.add.f32.msk $0xffff, v0  }
0x1f: {  	v1 =	vld [tilespmem:s18+$0x10];
	_ =	sdelay $0x7  }
0x20: {  	[tilespmem:v1+s10+$0x0] =	vst.idx.add.f32.msk $0xffff, v0  }
0x21: {  	v1 =	vld [tilespmem:s18+$0x20];
	_ =	sdelay $0x7  }
0x22: {  	[tilespmem:v1+s10+$0x0] =	vst.idx.add.f32.msk $0xffff, v0  }
0x23: {  	v1 =	vld [tilespmem:s18+$0x30];
	_ =	sdelay $0x7  }
0x24: {  	[tilespmem:v1+s10+$0x0] =	vst.idx.add.f32.msk $0xffff, v0  }
0x25: {  	v1 =	vld [tilespmem:s18+$0x40];
	_ =	sdelay $0x7  }
0x26: {  	[tilespmem:v1+s10+$0x0] =	vst.idx.add.f32.msk $0xffff, v0  }
0x27: {  	v1 =	vld [tilespmem:s18+$0x50];
	_ =	sdelay $0x7  }
0x28: {  	[tilespmem:v1+s10+$0x0] =	vst.idx.add.f32.msk $0xffff, v0  }
0x29: {  	v1 =	vld [tilespmem:s18+$0x60];
	_ =	sdelay $0x7  }
0x2a: {  	[tilespmem:v1+s10+$0x0] =	vst.idx.add.f32.msk $0xffff, v0  }
0x2b: {  	v1 =	vld [tilespmem:s18+$0x70];
	_ =	sdelay $0x2  }
0x2c: {  	p1 =	sne.s32 s17, $0x4C00  }
.Ltmp0:
0x2d: {  	_ = 	snop;
	(pc) =	sbr.rel @p1 .LBB2_3-.Ltmp0, $2  }
0x2e: {  	_ =	sdelay $0x2  }
0x2f: {  	s17 =	sadd.s32 $0x200, s17;
	[tilespmem:v1+s10+$0x0] =	vst.idx.add.f32.msk $0xffff, v0  }
0x30: {  	_ =	swait.ge [sflag:s14], $0x1380  }
0x31: {  	[sflag:s14] =	ssyncset.done $0x0  }
0x32: {  	s17 =	simm.s32 $0x0;
	[sflag:s14] =	ssyncadd.s32 $0xFFFFEC80  }
.LBB2_5:
0x33: {  	s18 =	sshra.s32 s17, $0x2  }
0x34: {  	v1 =	vld [tilespmem:s18+$0x1380];
	_ =	sdelay $0x7  }
0x35: {  	[tilespmem:v1+s10+$0x0] =	vst.idx.add.f32.msk $0xffff, v0  }
0x36: {  	v1 =	vld [tilespmem:s18+$0x1390];
	_ =	sdelay $0x7  }
0x37: {  	[tilespmem:v1+s10+$0x0] =	vst.idx.add.f32.msk $0xffff, v0  }
0x38: {  	v1 =	vld [tilespmem:s18+$0x13A0];
	_ =	sdelay $0x7  }
0x39: {  	[tilespmem:v1+s10+$0x0] =	vst.idx.add.f32.msk $0xffff, v0  }
0x3a: {  	v1 =	vld [tilespmem:s18+$0x13B0];
	_ =	sdelay $0x7  }
0x3b: {  	[tilespmem:v1+s10+$0x0] =	vst.idx.add.f32.msk $0xffff, v0  }
0x3c: {  	v1 =	vld [tilespmem:s18+$0x13C0];
	_ =	sdelay $0x7  }
0x3d: {  	[tilespmem:v1+s10+$0x0] =	vst.idx.add.f32.msk $0xffff, v0  }
0x3e: {  	v1 =	vld [tilespmem:s18+$0x13D0];
	_ =	sdelay $0x7  }
0x3f: {  	[tilespmem:v1+s10+$0x0] =	vst.idx.add.f32.msk $0xffff, v0  }
0x40: {  	v1 =	vld [tilespmem:s18+$0x13E0];
	_ =	sdelay $0x7  }
0x41: {  	[tilespmem:v1+s10+$0x0] =	vst.idx.add.f32.msk $0xffff, v0  }
0x42: {  	v1 =	vld [tilespmem:s18+$0x13F0];
	_ =	sdelay $0x2  }
0x43: {  	p1 =	sne.s32 s17, $0x4C00  }
.Ltmp1:
0x44: {  	_ = 	snop;
	(pc) =	sbr.rel @p1 .LBB2_5-.Ltmp1, $2  }
0x45: {  	_ =	sdelay $0x2  }
0x46: {  	s17 =	sadd.s32 $0x200, s17;
	[tilespmem:v1+s10+$0x0] =	vst.idx.add.f32.msk $0xffff, v0  }
0x47: {  	s16 =	sadd.s32 $0x1, s16  }
0x48: {  	p1 =	seq.s32 s16, $0x5  }
.Ltmp2:
0x49: {  	_ = 	snop;
	(pc) =	sbr.rel @!p1 .LBB2_2-.Ltmp2, $1  }
0x4a: {  	_ =	sdelay $0x3  }
0x4b: {  	s16 =	simm.s32 @!p0 $0x0  }
0x4c: {  	[tilespmem:s16], [sflag:$0x3] =	stream.linear.gather @!p0 [hbm4b:s7+s16], $0x80, $0x38;
	[tilespmem:$0x1AF00] =	vst v63  }
0x4d: {  	s16 =	simm.s32 @!p0 $0x3  }
0x4e: {  	_ =	swait.ge @!p0 [sflag:s16], $0x80  }
0x4f: {  	[sflag:s16] =	ssyncset.done @!p0 $0x0  }
0x50: {  	[sflag:s16] =	ssyncadd.s32 @!p0 $0xFFFFFF80  }
0x51: {  	v1 =	vld @!p0 [tilespmem:$0x0];
	_ =	sdelay $0x6  }
0x52: {  	v2 =	vimm.f32 @!p0 $1.000000000e+00;
	s16 =	simm.s32 @!p0 $0x2700  }
0x53: {  	[tilespmem:v1+s16+$0x0] =	vst.idx.add.f32.msk @!p0 $0xffff, v2  }
0x54: {  	v1 =	vld @!p0 [tilespmem:$0x10];
	_ =	sdelay $0x7  }
0x55: {  	[tilespmem:v1+s16+$0x0] =	vst.idx.add.f32.msk @!p0 $0xffff, v2  }
0x56: {  	v1 =	vld @!p0 [tilespmem:$0x20];
	_ =	sdelay $0x7  }
0x57: {  	[tilespmem:v1+s16+$0x0] =	vst.idx.add.f32.msk @!p0 $0xffff, v2  }
0x58: {  	v1 =	vld @!p0 [tilespmem:$0x30];
	_ =	sdelay $0x7  }
0x59: {  	[tilespmem:v1+s16+$0x0] =	vst.idx.add.f32.msk @!p0 $0xffff, v2  }
0x5a: {  	v1 =	vld @!p0 [tilespmem:$0x40];
	_ =	sdelay $0x7  }
0x5b: {  	[tilespmem:v1+s16+$0x0] =	vst.idx.add.f32.msk @!p0 $0xffff, v2  }
0x5c: {  	v1 =	vld @!p0 [tilespmem:$0x50];
	_ =	sdelay $0x7  }
0x5d: {  	[tilespmem:v1+s16+$0x0] =	vst.idx.add.f32.msk @!p0 $0xffff, v2  }
0x5e: {  	v1 =	vld @!p0 [tilespmem:$0x60];
	_ =	sdelay $0x7  }
0x5f: {  	[tilespmem:v1+s16+$0x0] =	vst.idx.add.f32.msk @!p0 $0xffff, v2  }
0x60: {  	v1 =	vld @!p0 [tilespmem:$0x70];
	_ =	sdelay $0x5  }
0x61: {  	s15 =	sadd.s32 $0x1, s15  }
0x62: {  	p1 =	sne.s32 s15, s9  }
.Ltmp3:
0x63: {  	[tilespmem:v1+s16+$0x0] =	vst.idx.add.f32.msk @!p0 $0xffff, v2;
	(pc) =	sbr.rel @p1 .LBB2_1-.Ltmp3, $4  }
0x64: {  	[hbm4b:s8+s2] =	stream.linear.scatter [tilespmem:s10], [sflag:$0x3], $0x18800, $0x38;
	[tilespmem:$0x1AF00] =	vst v63  }
0x65: {  	_ =	swait.ge [sflag:s11], $0x18800  }
0x66: {  	[sflag:s11] =	ssyncset.done $0x0  }
0x67: {  	[sflag:s11] =	ssyncadd.s32 $0xFFFE7800  }
0x68: {  	_ =	sfence.sel $0x180000  }
0x69: {  	[bflag:$0x0] =	sbarrier.arrive $0xFFFF  }
0x6a: {  	p0 =	sne.s32 s0, $0x0;
	_ =	strace $0x90000047  }
0x6b: {  	s0 =	sadd.s32 @!p0 $0x100000, s1;
	[bflag:$0x2] =	sbarrier.arrive $0xFFFF  }
0x6c: {  	[sflag:s0] =	ssyncadd.tile.s32 @!p0 $0x1;
	_ =	shalt  }
.Lfunc_end2:
_tile_overlayer_lowered:
.L_overlay_start_2:
0x6d: {  	(tag) =	ssettag $0x2  }
0x6e: {  	s0 =	rddreg [dreg:$0x0];
	s2 =	stileid.u32  }
0x6f: {  	s1 =	rddreg [dreg:$0x1];
	p0 =	sne.s32 s2, $0x0  }
0x70: {  	s3 =	rddreg [dreg:$0x2];
	[bflag:$0x3] =	sbarrier.arrive $0xFFFF;
	s2 =	simm.s32 @!p0 $0x1C03  }
0x71: {  	[timem:s3], [sflag:s2] =	dma.local @!p0 [hbm:s0], s1  }
0x72: {  	s0 =	simm.s32 @!p0 $0x3  }
0x73: {  	_ =	swait.ge @!p0 [sflag:s0], s1  }
0x74: {  	s1 =	ssub.s32 @!p0 $0x0, s1;
	[sflag:s0] =	ssyncset.done @!p0 $0x0  }
0x75: {  	[sflag:s0] =	ssyncadd.s32 @!p0 s1  }
0x76: {  	[bflag:$0x3] =	sbarrier.arrive $0xFFFF  }
0x77: {  	_ =	shalt  }

// kernel: kernel.9.cloned.1.call-start
scs
__scs_entry_jumppad:
0x0: {  	(pc) =	sbr.rel $0x88, $3  }
0x1: {  	(tag) =	ssettag $0x0;
	lr =	simm.s32 $0x1  }
0x2: {  	[smem:$0x3F96] =	sst lr;
	_ =	strace $0xD0000000  }
0x3: {  	_ = 	snop  }
0x4: {  	_ = 	snop  }
0x5: {  	_ = 	snop  }
0x6: {  	_ = 	snop  }
0x7: {  	_ = 	snop  }
__scs_overlays_trampoline_lowered:
0x8: {  	[smem:$0x3FA5] =	sst s0  }
0x9: {  	[smem:$0x3FA6] =	sst s1  }
0xa: {  	[smem:$0x3FA7] =	sst s2  }
0xb: {  	[smem:$0x3FA8] =	sst s3  }
0xc: {  	[smem:$0x3FA9] =	sst s4  }
0xd: {  	[smem:$0x3FAA] =	sst s5  }
0xe: {  	[smem:$0x3FAB] =	sst s6  }
0xf: {  	[smem:$0x3FAC] =	sst s7  }
0x10: {  	[smem:$0x3FAD] =	sst s8  }
0x11: {  	[smem:$0x3FAE] =	sst s9;
	s0 =	simm.s32 @!p0 $0x0  }
0x12: {  	s1 =	sld [smem:$0x3F94];
	s0 =	simm.s32 @p0 $0x1  }
0x13: {  	[smem:$0x3FAF] =	sst s0;
	s0 =	simm.s32 @!p1 $0x0  }
0x14: {  	s2 =	sld [smem:$0x3F93];
	s0 =	simm.s32 @p1 $0x1  }
0x15: {  	[smem:$0x3FB0] =	sst s0;
	s0 =	simm.s32 @!p2 $0x0  }
0x16: {  	s3 =	sld [smem:$0x3FDB];
	s0 =	simm.s32 @p2 $0x1  }
0x17: {  	s4 =	simm.s32 $0x1BF5;
	[smem:$0x3FB2] =	sst s0  }
0x18: {  	s0 =	sld [smem:$0x3F95];
	_ =	swait.ge [sflag:s4], $0x0  }
0x19: {  	s7 =	sld [smem:$0x3F96]  }
0x1a: {  	s8 =	sadd.s32 $0xFFFFE003, lr  }
0x1b: {  	s9 =	sadd.s32 $0xFFFFFEF7, lr;
	s5 =	simm.s32 $0xFFFFFFFF;
	p2 =	slt.u32 s8, $0xFFFFF086  }
0x1c: {  	p1 =	slt.u32 s9, $0xF7A;
	s5 =	simm.s32 @!p2 $0x0  }
0x1d: {  	s5 =	simm.s32 @p1 $0x1;
	p0 =	seq.s32 s7, s2  }
0x1e: {  	s7 =	smul.u32 @!p0 $0xF7A, s2;
	p2 =	seq.s32 @!p0 s5, $0x0  }
0x1f: {  	s9 =	smul.u32 $0xF7A, s1;
	s8 =	simm.s32 @!p0 $0x1BF5;
	p2 =	por !p2, p0  }
0x20: {  	[sflag:s8] =	ssyncset.s32 @!p0 $0xFFFFF086;
	s6 =	sadd.s32 @!p0 s3, s7;
	s7 =	simm.s32 @!p0 $0x108  }
0x21: {  	s3 =	sadd.s32 s3, s9;
	s6 =	sadd.s32 @!p0 $0x88, s6;
	s7 =	simm.s32 @p2 $0x1082  }
0x22: {  	[simem:s7], [sflag:s8] =	dma.local @!p0 [hbm:s6], $0xF7A  }
0x23: {  	s9 =	sor.u32 $0xD0000000, s2;
	s6 =	simm.s32 $0x108;
	_ =	swait.ge @!p0 [sflag:s8], $0x0  }
0x24: {  	s3 =	sadd.s32 $0x88, s3;
	s6 =	simm.s32 @!p1 $0x1082;
	[sflag:s4] =	ssyncset.s32 $0xFFFFF086  }
0x25: {  	[simem:s6], [sflag:s4] =	dma.local [hbm:s3], $0xF7A  }
0x26: {  	[smem:$0x3F96] =	sst s1;
	(tag) =	ssettag s2;
	_ =	strace s9  }
0x27: {  	s1 =	sld [smem:$0x3FA6]  }
0x28: {  	s2 =	sld [smem:$0x3FA7]  }
0x29: {  	s4 =	sld [smem:$0x3FA9]  }
0x2a: {  	p0 =	seq.s32 s5, $0x0;
	s5 =	sld [smem:$0x3FAA]  }
0x2b: {  	s6 =	sld [smem:$0x3FAB]  }
0x2c: {  	s7 =	sld [smem:$0x3FAC]  }
0x2d: {  	s3 =	simm.s32 $0x108;
	s8 =	sld [smem:$0x3FAD]  }
0x2e: {  	s3 =	simm.s32 @!p0 $0x1082;
	s9 =	sld [smem:$0x3FAE]  }
0x2f: {  	lr =	sadd.s32 s0, s3;
	s0 =	sld [smem:$0x3FA5]  }
0x30: {  	s3 =	sld [smem:$0x3FA8]  }
0x31: {  	[smem:$0x3FB1] =	sst s10  }
0x32: {  	s10 =	sld [smem:$0x3FAF];
	_ =	sdelay $0x3  }
0x33: {  	p0 =	seq.s32 s10, $0x1;
	s10 =	sld [smem:$0x3FB1];
	_ =	sdelay $0x3  }
0x34: {  	[smem:$0x3FB1] =	sst s10  }
0x35: {  	s10 =	sld [smem:$0x3FB0];
	_ =	sdelay $0x3  }
0x36: {  	p1 =	seq.s32 s10, $0x1;
	s10 =	sld [smem:$0x3FB1];
	_ =	sdelay $0x3  }
0x37: {  	[smem:$0x3FB1] =	sst s10  }
0x38: {  	s10 =	sld [smem:$0x3FB2]  }
0x39: {  	_ = 	snop;
	(pc) =	sbr.ind lr, $3  }
0x3a: {  	_ = 	snop  }
0x3b: {  	_ = 	snop  }
0x3c: {  	p2 =	seq.s32 s10, $0x1;
	s10 =	sld [smem:$0x3FB1]  }
0x3d: {  	_ =	shalt  }
0x3e: {  	_ =	shalt  }
0x3f: {  	_ =	shalt  }
0x40: {  	_ =	shalt  }
0x41: {  	_ =	shalt  }
0x42: {  	_ =	shalt  }
0x43: {  	_ =	shalt  }
0x44: {  	_ =	shalt  }
0x45: {  	_ =	shalt  }
0x46: {  	_ =	shalt  }
0x47: {  	_ =	shalt  }
0x48: {  	_ =	shalt  }
0x49: {  	_ =	shalt  }
0x4a: {  	_ =	shalt  }
0x4b: {  	_ =	shalt  }
0x4c: {  	_ =	shalt  }
0x4d: {  	_ =	shalt  }
0x4e: {  	_ =	shalt  }
0x4f: {  	_ =	shalt  }
0x50: {  	_ =	shalt  }
0x51: {  	_ =	shalt  }
0x52: {  	_ =	shalt  }
0x53: {  	_ =	shalt  }
0x54: {  	_ =	shalt  }
0x55: {  	_ =	shalt  }
0x56: {  	_ =	shalt  }
0x57: {  	_ =	shalt  }
0x58: {  	_ =	shalt  }
0x59: {  	_ =	shalt  }
0x5a: {  	_ =	shalt  }
0x5b: {  	_ =	shalt  }
0x5c: {  	_ =	shalt  }
0x5d: {  	_ =	shalt  }
0x5e: {  	_ =	shalt  }
0x5f: {  	_ =	shalt  }
0x60: {  	_ =	shalt  }
0x61: {  	_ =	shalt  }
0x62: {  	_ =	shalt  }
0x63: {  	_ =	shalt  }
0x64: {  	_ =	shalt  }
0x65: {  	_ =	shalt  }
0x66: {  	_ =	shalt  }
0x67: {  	_ =	shalt  }
0x68: {  	_ =	shalt  }
0x69: {  	_ =	shalt  }
0x6a: {  	_ =	shalt  }
0x6b: {  	_ =	shalt  }
0x6c: {  	_ =	shalt  }
0x6d: {  	_ =	shalt  }
0x6e: {  	_ =	shalt  }
0x6f: {  	_ =	shalt  }
0x70: {  	_ =	shalt  }
0x71: {  	_ =	shalt  }
0x72: {  	_ =	shalt  }
0x73: {  	_ =	shalt  }
0x74: {  	_ =	shalt  }
0x75: {  	_ =	shalt  }
0x76: {  	_ =	shalt  }
0x77: {  	_ =	shalt  }
0x78: {  	_ =	shalt  }
0x79: {  	_ =	shalt  }
0x7a: {  	_ =	shalt  }
0x7b: {  	_ =	shalt  }
0x7c: {  	_ =	shalt  }
0x7d: {  	_ =	shalt  }
0x7e: {  	_ =	shalt  }
0x7f: {  	_ =	shalt  }
0x80: {  	_ =	shalt  }
0x81: {  	_ =	shalt  }
0x82: {  	_ =	shalt  }
0x83: {  	_ =	shalt  }
0x84: {  	_ =	shalt  }
0x85: {  	_ =	shalt  }
0x86: {  	_ =	shalt  }
0x87: {  	_ =	shalt  }
.Lfunc_end0:
.L_simem_size_0:
called_computation.1_lowered:
.L_overlay_start_0:
0x88: {  	s2 =	sld [smem:$0x3FD9]  }
0x89: {  	s3 =	sld [smem:$0x3FFE];
	_ =	sdelay $0x1  }
0x8a: {  	s1 =	srdreg.scid  }
0x8b: {  	s0 =	sand.u32 $0x1, s1  }
0x8c: {  	s16 =	sshll.u32 s0, $0xA;
	s2 =	sadd.s32 s3, s2  }
0x8d: {  	s2 =	sadd.s32 s2, s16  }
0x8e: {  	[smem:$0x3FBD] =	sst s2  }
0x8f: {  	_ = 	snop  }
0x90: {  	(tm) =	ssettm $0x1  }
0x91: {  	s17 =	sld [smem:$0x3FFB];
	_ =	sdelay $0x3  }
0x92: {  	_ =	strace s17  }
0x93: {  	s2 =	sld [smem:$0x3FFC];
	_ =	sdelay $0x3  }
0x94: {  	_ =	strace s2  }
0x95: {  	s2 =	sld [smem:$0x3FFD];
	_ =	sdelay $0x3  }
0x96: {  	_ =	strace s2  }
0x97: {  	_ =	strace $0x8FFFFFFF  }
0x98: {  	s18 =	sld [smem:$0x3FDB];
	_ =	sdelay $0x1  }
0x99: {  	s19 =	simm.s32 $_scs_section_size  }
0x9a: {  	s4 =	simm.s32 $_size__tile_overlayer_lowered;
	s5 =	simm.s32 $_tile_overlayer_lowered  }
0x9b: {  	s22 =	simm.s32 $0x1BFF;
	s21 =	sshll.u32 s5, $0x1;
	s2 =	sadd.s32 s19, s18  }
0x9c: {  	s6 =	simm.s32 $0x0;
	s20 =	sshll.u32 s4, $0x1;
	s4 =	sadd.s32 s21, s2  }
0x9d: {  	[timem:s6], [sflag:s22] =	dma.local [hbm:s4], s20  }
0x9e: {  	_ =	swait.ge [sflag:s22], s20  }
0x9f: {  	s3 =	ssub.s32 $0x0, s20;
	[sflag:s22] =	ssyncset.done $0x0  }
0xa0: {  	[sflag:s22] =	ssyncadd.s32 s3;
	_ =	sdelay $0x1  }
0xa1: {  	s23 =	simm.s32 $0x1B8B  }
0xa2: {  	_ =	swait.ge [sflag:s23], $0x1  }
0xa3: {  	[sflag:s23] =	ssyncset.done $0x0  }
0xa4: {  	s25 =	simm.s32 $0x1B8E;
	s24 =	sld [smem:$0x3FFE];
	[sflag:s23] =	ssyncadd.s32 $0xFFFFFFFF  }
0xa5: {  	s26 =	simm.s32 $execute0_lowered;
	[smem:$0x3FD2] =	sst s25  }
0xa6: {  	s4 =	sshll.u32 s26, $0x1;
	_ =	strace $0x80000049;
	[dreg:$0x1] =	wrdreg $0xFFFFFFFF  }
0xa7: {  	s28 =	simm.s32 $_size_execute0_lowered;
	s2 =	sadd.s32 s2, s4;
	[dreg:$0x0] =	wrdreg $0x0  }
0xa8: {  	s4 =	sshll.u32 s28, $0x1;
	[dreg:$0x2] =	wrdreg s2  }
0xa9: {  	[dreg:$0x3] =	wrdreg s4  }
0xaa: {  	[dreg:$0x4] =	wrdreg $0xC0  }
0xab: {  	_ =	task [dreg:s6], $0x5FFFF  }
0xac: {  	[dreg:$0x1] =	wrdreg $0xFFFFFFFF  }
0xad: {  	[dreg:$0x0] =	wrdreg $0x60  }
0xae: {  	[dreg:$0x2] =	wrdreg s24  }
0xaf: {  	[dreg:$0x3] =	wrdreg $0x9  }
0xb0: {  	_ =	task.clear_ibuf [dreg:s6], $0x4FFFF;
	_ =	strace $0x90000049  }
0xb1: {  	s29 =	simm.s32 $0x9;
	_ =	strace $0x8000004B  }
0xb2: {  	_ =	swait.ge [sflag:s29], $0x1  }
0xb3: {  	[sflag:s29] =	ssyncadd.s32 $0xFFFFFFFF  }
0xb4: {  	_ =	strace $0x9000004B  }
0xb5: {  	_ =	sfence  }
0xb6: {  	s30 =	sld [smem:$0x0];
	_ =	sdelay $0x2  }
0xb7: {  	s31 =	sshll.u32 s1, $0xD;
	s1 =	sshrl.u32 s1, $0x2  }
0xb8: {  	s3 =	sand.u32 $0x4000, s31;
	s1 =	sadd.s32 s1, s30  }
0xb9: {  	s0 =	sor.u32 s3, s0;
	s1 =	sshll.u32 s1, $0x11  }
0xba: {  	s0 =	sor.u32 s1, s0  }
0xbb: {  	s0 =	sadd.s32 $0x8F2B, s0  }
0xbc: {  	[sflag:s0] =	ssyncadd.remote.s32 $0x1  }
0xbd: {  	_ =	sfence.sel $0xFFFF  }
0xbe: {  	[dreg:$0x0] =	wrdreg $0xFFFFFFFF;
	(pc) =	sbr.abs _section_cstart, $3  }
0xbf: {  	[dreg:$0x1] =	wrdreg $0xFFFFFFFF  }
0xc0: {  	_ =	task.clear_ibuf [dreg:s6], $0x2FFFF;
	_ =	strace $0x9FFFFFFF  }
0xc1: {  	(tm) =	ssettm $0x7FFFFFFF  }
tec
execute0_lowered:
.L_overlay_start_1:
0x0: {  	(tag) =	ssettag $0x1  }
0x1: {  	s11 =	rddreg [dreg:$0x0];
	s2 =	srdreg.scid  }
0x2: {  	s0 =	rddreg [dreg:$0x1];
	s1 =	stileid.u32  }
0x3: {  	s14 =	simm.s32 $0x7500;
	s15 =	simm.s32 $0x3;
	s16 =	simm.s32 $0x1380  }
0x4: {  	s17 =	simm.s32 $0x80;
	s18 =	simm.s32 $0x3A80;
	s19 =	simm.s32 $0x4E00  }
0x5: {  	s20 =	simm.s32 $0x1;
	s21 =	simm.s32 $0x2;
	s22 =	simm.s32 $0x0  }
0x6: {  	s7 =	sand.u32 $0x1, s2;
	s2 =	simm.s32 $0x0;
	s3 =	sshll.u32 s1, $0x1  }
0x7: {  	s8 =	smul.u32 $0x31000, s1;
	s4 =	sadd.s32 $0x67200, s11;
	p0 =	sgt.u32 s1, $0x9  }
0x8: {  	s6 =	smul.u32 $0x310000, s7;
	[smem:$0x7FF] =	sst s2;
	s5 =	sor.u32 s7, s3  }
0x9: {  	s3 =	sadd.s32 $0x2400, s11;
	s7 =	ssub.s32 $0x2, s7;
	_ =	strace $0x8000004A  }
0xa: {  	s9 =	smul.u32 $0x186, s5;
	s10 =	smin.u32 s5, $0x14;
	s31 =	sshrl.u32 s7, $0x1  }
0xb: {  	s5 =	sadd.s32 $0x64000, s11;
	s8 =	sadd.s32 s8, s6;
	s13 =	ssub.s32 s7, s31  }
0xc: {  	s7 =	sadd.s32 $0x33140, s11;
	s6 =	sadd.s32 s10, s9;
	s8 =	sshrl.u32 s8, $0x3  }
0xd: {  	s13 =	smax.u32 s13, $0x1;
	s9 =	sshll.u32 s6, $0x4;
	s12 =	sadd.s32 s8, s11  }
0xe: {  	s11 =	sadd.s32 $0x6A300, s11;
	s9 =	sadd.s32 $0x1860, s9;
	s10 =	sadd.s32 $0x6D400, s12  }
0xf: {  	s12 =	sadd.s32 $0x70500, s12;
	s8 =	sadd.s32 s3, s9;
	s9 =	sadd.s32 s9, s7  }
.LBB2_1:
0x10: {  	[tilespmem:s14], [sflag:$0x3] =	stream.linear.gather [hbm4b:s5+s2], $0x18800, $0x38;
	[tilespmem:$0x1FD00] =	vst v63  }
0x11: {  	_ =	swait.ge [sflag:s15], $0x18800  }
0x12: {  	[sflag:s15] =	ssyncset.done $0x0  }
0x13: {  	s23 =	simm.s32 $0x0;
	[sflag:s15] =	ssyncadd.s32 $0xFFFE7800  }
.LBB2_2:
0x14: {  	s24 =	smul.u32 $0x4E, s23;
	_ =	sdelay $0x1  }
0x15: {  	s24 =	sadd.s32 s6, s24  }
0x16: {  	s24 =	sshll.u32 s24, $0x4  }
0x17: {  	s26 =	simm.s32 $0x0;
	s25 =	sadd.s32 s3, s24  }
0x18: {  	[tilespmem:s26], [sflag:$0x3] =	stream.linear.gather [hbm4b:s25+s26], $0x1380, $0x38;
	[tilespmem:$0x1FD00] =	vst v63  }
0x19: {  	_ =	swait.ge [sflag:s15], $0x1380  }
0x1a: {  	[sflag:s15] =	ssyncset.done $0x0  }
0x1b: {  	s31 =	sadd.s32 s24, s7;
	[sflag:s15] =	ssyncadd.s32 $0xFFFFEC80  }
0x1c: {  	[tilespmem:s16], [sflag:$0x3] =	stream.linear.gather [hbm4b:s31+s26], $0x1380, $0x38;
	[tilespmem:$0x1FD00] =	vst v63  }
0x1d: {  	_ =	swait.ge [sflag:s15], $0x1380  }
0x1e: {  	s28 =	simm.s32 $0x2700;
	[sflag:s15] =	ssyncset.done $0x0  }
0x1f: {  	s25 =	simm.s32 $0x200;
	s26 =	simm.s32 $0x0;
	[sflag:s15] =	ssyncadd.s32 $0xFFFFEC80  }
.LBB2_3:
0x20: {  	[tilespmem:s28], [sflag:$0x1] =	stream.indirect.gather [hbm4b:s4+s17], $0x1, s26, s17, $0xb8;
	[tilespmem:$0x1FD00] =	vst v63  }
0x21: {  	s26 =	smov.u32 s25;
	p1 =	sne.s32 s25, $0x4C00  }
.Ltmp0:
0x22: {  	s25 =	sadd.s32 $0x200, s25;
	(pc) =	sbr.rel @p1 .LBB2_3-.Ltmp0, $3  }
0x23: {  	_ =	sdelay $0x1  }
0x24: {  	s26 =	sshra.s32 s26, $0x2  }
0x25: {  	s28 =	sadd.s32 $0x2700, s26  }
0x26: {  	[tilespmem:s28], [sflag:$0x1] =	stream.indirect.gather [hbm4b:s4+s17], $0x1, s26, s17, $0xb8;
	[tilespmem:$0x1FD00] =	vst v63  }
0x27: {  	s24 =	sand.u32 $0x1FFFFFF0, s24  }
0x28: {  	s25 =	sadd.s32 s3, s24  }
0x29: {  	s24 =	simm.s32 $0x0;
	s31 =	sadd.s32 $0x270, s25  }
0x2a: {  	[tilespmem:s18], [sflag:$0x3] =	stream.linear.gather [hbm4b:s31+s24], $0x1380, $0x38;
	[tilespmem:$0x1FD00] =	vst v63  }
0x2b: {  	_ =	swait.ge [sflag:s15], $0x1380  }
0x2c: {  	[sflag:s15] =	ssyncset.done $0x0  }
0x2d: {  	s25 =	sadd.s32 $0x30FB0, s25;
	[sflag:s15] =	ssyncadd.s32 $0xFFFFEC80  }
0x2e: {  	[tilespmem:s19], [sflag:$0x3] =	stream.linear.gather [hbm4b:s25+s24], $0x1380, $0x38;
	[tilespmem:$0x1FD00] =	vst v63  }
0x2f: {  	_ =	swait.ge [sflag:s15], $0x1380  }
0x30: {  	[sflag:s15] =	ssyncset.done $0x0  }
0x31: {  	[sflag:s15] =	ssyncadd.s32 $0xFFFFEC80  }
.LBB2_5:
0x32: {  	p1 =	sne.s32 s24, $0x4C00  }
.Ltmp1:
0x33: {  	_ = 	snop;
	(pc) =	sbr.rel @p1 .LBB2_5-.Ltmp1, $4  }
0x34: {  	_ = 	snop  }
0x35: {  	s25 =	sshra.s32 s24, $0x2  }
0x36: {  	s24 =	sadd.s32 $0x200, s24;
	s26 =	sadd.s32 $0x6180, s25;
	s25 =	sadd.s32 $0x3A80, s25  }
0x37: {  	[tilespmem:s26], [sflag:$0x2] =	stream.indirect.gather [hbm4b:s4+s17], $0x1, s25, s17, $0xb8;
	[tilespmem:$0x1FD00] =	vst v63  }
0x38: {  	s24 =	simm.s32 $0x27  }
.LBB2_7:
0x39: {  	p1 =	sne.s32 s24, $0x1  }
.Ltmp2:
0x3a: {  	_ = 	snop;
	(pc) =	sbr.rel @p1 .LBB2_7-.Ltmp2, $4  }
0x3b: {  	_ = 	snop  }
0x3c: {  	_ =	swait.ge [sflag:s20], $0x80  }
0x3d: {  	[sflag:s20] =	ssyncset.done $0x0  }
0x3e: {  	s24 =	sadd.s32 $0xFFFFFFFF, s24;
	[sflag:s20] =	ssyncadd.s32 $0xFFFFFF80  }
0x3f: {  	s24 =	simm.s32 $0x0  }
.LBB2_9:
0x40: {  	s25 =	sshra.s32 s24, $0x2  }
0x41: {  	v0 =	vld [tilespmem:s25+$0x1380];
	_ =	sdelay $0x2  }
0x42: {  	v1 =	vld [tilespmem:s25+$0x2700];
	_ =	sdelay $0x4  }
0x43: {  	[tilespmem:v0+s14+$0x0] =	vst.idx.add.f32.msk $0xffff, v1  }
0x44: {  	v0 =	vld [tilespmem:s25+$0x1390];
	_ =	sdelay $0x2  }
0x45: {  	v1 =	vld [tilespmem:s25+$0x2710];
	_ =	sdelay $0x4  }
0x46: {  	[tilespmem:v0+s14+$0x0] =	vst.idx.add.f32.msk $0xffff, v1  }
0x47: {  	v0 =	vld [tilespmem:s25+$0x13A0];
	_ =	sdelay $0x2  }
0x48: {  	v1 =	vld [tilespmem:s25+$0x2720];
	_ =	sdelay $0x4  }
0x49: {  	[tilespmem:v0+s14+$0x0] =	vst.idx.add.f32.msk $0xffff, v1  }
0x4a: {  	v0 =	vld [tilespmem:s25+$0x13B0];
	_ =	sdelay $0x2  }
0x4b: {  	v1 =	vld [tilespmem:s25+$0x2730];
	_ =	sdelay $0x4  }
0x4c: {  	[tilespmem:v0+s14+$0x0] =	vst.idx.add.f32.msk $0xffff, v1  }
0x4d: {  	v0 =	vld [tilespmem:s25+$0x13C0];
	_ =	sdelay $0x2  }
0x4e: {  	v1 =	vld [tilespmem:s25+$0x2740];
	_ =	sdelay $0x4  }
0x4f: {  	[tilespmem:v0+s14+$0x0] =	vst.idx.add.f32.msk $0xffff, v1  }
0x50: {  	v0 =	vld [tilespmem:s25+$0x13D0];
	_ =	sdelay $0x2  }
0x51: {  	v1 =	vld [tilespmem:s25+$0x2750];
	_ =	sdelay $0x4  }
0x52: {  	[tilespmem:v0+s14+$0x0] =	vst.idx.add.f32.msk $0xffff, v1  }
0x53: {  	v0 =	vld [tilespmem:s25+$0x13E0];
	_ =	sdelay $0x2  }
0x54: {  	v1 =	vld [tilespmem:s25+$0x2760];
	_ =	sdelay $0x4  }
0x55: {  	[tilespmem:v0+s14+$0x0] =	vst.idx.add.f32.msk $0xffff, v1  }
0x56: {  	v0 =	vld [tilespmem:s25+$0x13F0];
	_ =	sdelay $0x2  }
0x57: {  	p1 =	sne.s32 s24, $0x4C00;
	v1 =	vld [tilespmem:s25+$0x2770]  }
.Ltmp3:
0x58: {  	_ = 	snop;
	(pc) =	sbr.rel @p1 .LBB2_9-.Ltmp3, $2  }
0x59: {  	_ =	sdelay $0x2  }
0x5a: {  	s24 =	sadd.s32 $0x200, s24;
	[tilespmem:v0+s14+$0x0] =	vst.idx.add.f32.msk $0xffff, v1  }
0x5b: {  	s24 =	simm.s32 $0x27  }
.LBB2_11:
0x5c: {  	p1 =	sne.s32 s24, $0x1  }
.Ltmp4:
0x5d: {  	_ = 	snop;
	(pc) =	sbr.rel @p1 .LBB2_11-.Ltmp4, $4  }
0x5e: {  	_ = 	snop  }
0x5f: {  	_ =	swait.ge [sflag:s21], $0x80  }
0x60: {  	[sflag:s21] =	ssyncset.done $0x0  }
0x61: {  	s24 =	sadd.s32 $0xFFFFFFFF, s24;
	[sflag:s21] =	ssyncadd.s32 $0xFFFFFF80  }
0x62: {  	s24 =	simm.s32 $0x0  }
.LBB2_13:
0x63: {  	s25 =	sshra.s32 s24, $0x2  }
0x64: {  	v0 =	vld [tilespmem:s25+$0x4E00];
	_ =	sdelay $0x2  }
0x65: {  	v1 =	vld [tilespmem:s25+$0x6180];
	_ =	sdelay $0x4  }
0x66: {  	[tilespmem:v0+s14+$0x0] =	vst.idx.add.f32.msk $0xffff, v1  }
0x67: {  	v0 =	vld [tilespmem:s25+$0x4E10];
	_ =	sdelay $0x2  }
0x68: {  	v1 =	vld [tilespmem:s25+$0x6190];
	_ =	sdelay $0x4  }
0x69: {  	[tilespmem:v0+s14+$0x0] =	vst.idx.add.f32.msk $0xffff, v1  }
0x6a: {  	v0 =	vld [tilespmem:s25+$0x4E20];
	_ =	sdelay $0x2  }
0x6b: {  	v1 =	vld [tilespmem:s25+$0x61A0];
	_ =	sdelay $0x4  }
0x6c: {  	[tilespmem:v0+s14+$0x0] =	vst.idx.add.f32.msk $0xffff, v1  }
0x6d: {  	v0 =	vld [tilespmem:s25+$0x4E30];
	_ =	sdelay $0x2  }
0x6e: {  	v1 =	vld [tilespmem:s25+$0x61B0];
	_ =	sdelay $0x4  }
0x6f: {  	[tilespmem:v0+s14+$0x0] =	vst.idx.add.f32.msk $0xffff, v1  }
0x70: {  	v0 =	vld [tilespmem:s25+$0x4E40];
	_ =	sdelay $0x2  }
0x71: {  	v1 =	vld [tilespmem:s25+$0x61C0];
	_ =	sdelay $0x4  }
0x72: {  	[tilespmem:v0+s14+$0x0] =	vst.idx.add.f32.msk $0xffff, v1  }
0x73: {  	v0 =	vld [tilespmem:s25+$0x4E50];
	_ =	sdelay $0x2  }
0x74: {  	v1 =	vld [tilespmem:s25+$0x61D0];
	_ =	sdelay $0x4  }
0x75: {  	[tilespmem:v0+s14+$0x0] =	vst.idx.add.f32.msk $0xffff, v1  }
0x76: {  	v0 =	vld [tilespmem:s25+$0x4E60];
	_ =	sdelay $0x2  }
0x77: {  	v1 =	vld [tilespmem:s25+$0x61E0];
	_ =	sdelay $0x4  }
0x78: {  	[tilespmem:v0+s14+$0x0] =	vst.idx.add.f32.msk $0xffff, v1  }
0x79: {  	v0 =	vld [tilespmem:s25+$0x4E70];
	_ =	sdelay $0x2  }
0x7a: {  	p1 =	sne.s32 s24, $0x4C00;
	v1 =	vld [tilespmem:s25+$0x61F0]  }
.Ltmp5:
0x7b: {  	_ = 	snop;
	(pc) =	sbr.rel @p1 .LBB2_13-.Ltmp5, $2  }
0x7c: {  	_ =	sdelay $0x2  }
0x7d: {  	s24 =	sadd.s32 $0x200, s24;
	[tilespmem:v0+s14+$0x0] =	vst.idx.add.f32.msk $0xffff, v1  }
0x7e: {  	s23 =	sadd.s32 $0x1, s23  }
0x7f: {  	p1 =	sne.s32 s23, $0x5  }
.Ltmp6:
0x80: {  	_ = 	snop;
	(pc) =	sbr.rel @p1 .LBB2_2-.Ltmp6, $1  }
0x81: {  	_ =	sdelay $0x3  }
0x82: {  	s23 =	simm.s32 @!p0 $0x0;
	s24 =	simm.s32 @!p0 $0x3  }
0x83: {  	[tilespmem:s23], [sflag:$0x3] =	stream.linear.gather @!p0 [hbm4b:s8+s23], $0x80, $0x38;
	[tilespmem:$0x1FD00] =	vst v63  }
0x84: {  	_ =	swait.ge @!p0 [sflag:s24], $0x80  }
0x85: {  	[sflag:s24] =	ssyncset.done @!p0 $0x0  }
0x86: {  	s25 =	simm.s32 @!p0 $0x1380;
	[sflag:s24] =	ssyncadd.s32 @!p0 $0xFFFFFF80  }
0x87: {  	[tilespmem:s25], [sflag:$0x3] =	stream.linear.gather @!p0 [hbm4b:s9+s23], $0x80, $0x38;
	[tilespmem:$0x1FD00] =	vst v63  }
0x88: {  	_ =	swait.ge @!p0 [sflag:s24], $0x80  }
0x89: {  	[sflag:s24] =	ssyncset.done @!p0 $0x0  }
0x8a: {  	s26 =	simm.s32 @!p0 $0x2700;
	s25 =	simm.s32 @!p0 $0x80;
	[sflag:s24] =	ssyncadd.s32 @!p0 $0xFFFFFF80  }
0x8b: {  	[tilespmem:s26], [sflag:$0x3] =	stream.indirect.gather @!p0 [hbm4b:s4+s25], $0x1, s23, s25, $0xb8;
	[tilespmem:$0x1FD00] =	vst v63  }
0x8c: {  	_ =	swait.ge @!p0 [sflag:s24], $0x80  }
0x8d: {  	[sflag:s24] =	ssyncset.done @!p0 $0x0  }
0x8e: {  	[sflag:s24] =	ssyncadd.s32 @!p0 $0xFFFFFF80  }
0x8f: {  	v0 =	vld @!p0 [tilespmem:$0x1380];
	_ =	sdelay $0x2  }
0x90: {  	v1 =	vld @!p0 [tilespmem:$0x2700];
	_ =	sdelay $0x3  }
0x91: {  	s23 =	simm.s32 @!p0 $0x7500  }
0x92: {  	[tilespmem:v0+s23+$0x0] =	vst.idx.add.f32.msk @!p0 $0xffff, v1  }
0x93: {  	v0 =	vld @!p0 [tilespmem:$0x1390];
	_ =	sdelay $0x2  }
0x94: {  	v1 =	vld @!p0 [tilespmem:$0x2710];
	_ =	sdelay $0x4  }
0x95: {  	[tilespmem:v0+s23+$0x0] =	vst.idx.add.f32.msk @!p0 $0xffff, v1  }
0x96: {  	v0 =	vld @!p0 [tilespmem:$0x13A0];
	_ =	sdelay $0x2  }
0x97: {  	v1 =	vld @!p0 [tilespmem:$0x2720];
	_ =	sdelay $0x4  }
0x98: {  	[tilespmem:v0+s23+$0x0] =	vst.idx.add.f32.msk @!p0 $0xffff, v1  }
0x99: {  	v0 =	vld @!p0 [tilespmem:$0x13B0];
	_ =	sdelay $0x2  }
0x9a: {  	v1 =	vld @!p0 [tilespmem:$0x2730];
	_ =	sdelay $0x4  }
0x9b: {  	[tilespmem:v0+s23+$0x0] =	vst.idx.add.f32.msk @!p0 $0xffff, v1  }
0x9c: {  	v0 =	vld @!p0 [tilespmem:$0x13C0];
	_ =	sdelay $0x2  }
0x9d: {  	v1 =	vld @!p0 [tilespmem:$0x2740];
	_ =	sdelay $0x4  }
0x9e: {  	[tilespmem:v0+s23+$0x0] =	vst.idx.add.f32.msk @!p0 $0xffff, v1  }
0x9f: {  	v0 =	vld @!p0 [tilespmem:$0x13D0];
	_ =	sdelay $0x2  }
0xa0: {  	v1 =	vld @!p0 [tilespmem:$0x2750];
	_ =	sdelay $0x4  }
0xa1: {  	[tilespmem:v0+s23+$0x0] =	vst.idx.add.f32.msk @!p0 $0xffff, v1  }
0xa2: {  	v0 =	vld @!p0 [tilespmem:$0x13E0];
	_ =	sdelay $0x2  }
0xa3: {  	v1 =	vld @!p0 [tilespmem:$0x2760];
	_ =	sdelay $0x4  }
0xa4: {  	[tilespmem:v0+s23+$0x0] =	vst.idx.add.f32.msk @!p0 $0xffff, v1  }
0xa5: {  	v0 =	vld @!p0 [tilespmem:$0x13F0];
	_ =	sdelay $0x2  }
0xa6: {  	v1 =	vld @!p0 [tilespmem:$0x2770];
	_ =	sdelay $0x4  }
0xa7: {  	[tilespmem:v0+s23+$0x0] =	vst.idx.add.f32.msk @!p0 $0xffff, v1;
	s23 =	simm.s32 $0x0  }
0xa8: {  	[hbm4b:s10+s23] =	stream.linear.scatter [tilespmem:s14], [sflag:$0x3], $0x18800, $0x38;
	[tilespmem:$0x1FD00] =	vst v63  }
0xa9: {  	_ =	swait.ge [sflag:s15], $0x18800  }
0xaa: {  	[sflag:s15] =	ssyncset.done $0x0  }
0xab: {  	[sflag:s15] =	ssyncadd.s32 $0xFFFE7800  }
0xac: {  	[tilespmem:s14], [sflag:$0x3] =	stream.linear.gather [hbm4b:s5+s23], $0x18800, $0x38;
	[tilespmem:$0x1FD00] =	vst v63  }
0xad: {  	_ =	swait.ge [sflag:s15], $0x18800  }
0xae: {  	[sflag:s15] =	ssyncset.done $0x0  }
0xaf: {  	s24 =	simm.s32 $0x0;
	[sflag:s15] =	ssyncadd.s32 $0xFFFE7800  }
.LBB2_16:
0xb0: {  	s25 =	smul.u32 $0x4E, s24;
	_ =	sdelay $0x1  }
0xb1: {  	s25 =	sadd.s32 s6, s25  }
0xb2: {  	s25 =	sshll.u32 s25, $0x4  }
0xb3: {  	s26 =	sadd.s32 s3, s25  }
0xb4: {  	[tilespmem:s23], [sflag:$0x3] =	stream.linear.gather [hbm4b:s26+s23], $0x1380, $0x38;
	[tilespmem:$0x1FD00] =	vst v63  }
0xb5: {  	_ =	swait.ge [sflag:s15], $0x1380  }
0xb6: {  	[sflag:s15] =	ssyncset.done $0x0  }
0xb7: {  	s31 =	sadd.s32 s25, s7;
	[sflag:s15] =	ssyncadd.s32 $0xFFFFEC80  }
0xb8: {  	[tilespmem:s16], [sflag:$0x3] =	stream.linear.gather [hbm4b:s31+s23], $0x1380, $0x38;
	[tilespmem:$0x1FD00] =	vst v63  }
0xb9: {  	_ =	swait.ge [sflag:s15], $0x1380  }
0xba: {  	s28 =	simm.s32 $0x0;
	[sflag:s15] =	ssyncset.done $0x0  }
0xbb: {  	s29 =	simm.s32 $0x2700;
	s26 =	simm.s32 $0x200;
	[sflag:s15] =	ssyncadd.s32 $0xFFFFEC80  }
.LBB2_17:
0xbc: {  	[tilespmem:s29], [sflag:$0x1] =	stream.indirect.gather [hbm4b:s11+s17], $0x1, s28, s17, $0xb8;
	[tilespmem:$0x1FD00] =	vst v63  }
0xbd: {  	s28 =	smov.u32 s26;
	p1 =	sne.s32 s26, $0x4C00  }
.Ltmp7:
0xbe: {  	s26 =	sadd.s32 $0x200, s26;
	(pc) =	sbr.rel @p1 .LBB2_17-.Ltmp7, $3  }
0xbf: {  	_ =	sdelay $0x1  }
0xc0: {  	s28 =	sshra.s32 s28, $0x2  }
0xc1: {  	s29 =	sadd.s32 $0x2700, s28  }
0xc2: {  	[tilespmem:s29], [sflag:$0x1] =	stream.indirect.gather [hbm4b:s11+s17], $0x1, s28, s17, $0xb8;
	[tilespmem:$0x1FD00] =	vst v63  }
0xc3: {  	s25 =	sand.u32 $0x1FFFFFF0, s25  }
0xc4: {  	s26 =	sadd.s32 s3, s25  }
0xc5: {  	s25 =	simm.s32 $0x0;
	s31 =	sadd.s32 $0x270, s26  }
0xc6: {  	[tilespmem:s18], [sflag:$0x3] =	stream.linear.gather [hbm4b:s31+s25], $0x1380, $0x38;
	[tilespmem:$0x1FD00] =	vst v63  }
0xc7: {  	_ =	swait.ge [sflag:s15], $0x1380  }
0xc8: {  	[sflag:s15] =	ssyncset.done $0x0  }
0xc9: {  	s26 =	sadd.s32 $0x30FB0, s26;
	[sflag:s15] =	ssyncadd.s32 $0xFFFFEC80  }
0xca: {  	[tilespmem:s19], [sflag:$0x3] =	stream.linear.gather [hbm4b:s26+s25], $0x1380, $0x38;
	[tilespmem:$0x1FD00] =	vst v63  }
0xcb: {  	_ =	swait.ge [sflag:s15], $0x1380  }
0xcc: {  	[sflag:s15] =	ssyncset.done $0x0  }
0xcd: {  	[sflag:s15] =	ssyncadd.s32 $0xFFFFEC80  }
.LBB2_19:
0xce: {  	p1 =	sne.s32 s25, $0x4C00  }
.Ltmp8:
0xcf: {  	_ = 	snop;
	(pc) =	sbr.rel @p1 .LBB2_19-.Ltmp8, $4  }
0xd0: {  	_ = 	snop  }
0xd1: {  	s26 =	sshra.s32 s25, $0x2  }
0xd2: {  	s25 =	sadd.s32 $0x200, s25;
	s28 =	sadd.s32 $0x3A80, s26;
	s26 =	sadd.s32 $0x6180, s26  }
0xd3: {  	[tilespmem:s26], [sflag:$0x2] =	stream.indirect.gather [hbm4b:s11+s17], $0x1, s28, s17, $0xb8;
	[tilespmem:$0x1FD00] =	vst v63  }
0xd4: {  	s25 =	simm.s32 $0x27  }
.LBB2_21:
0xd5: {  	p1 =	sne.s32 s25, $0x1  }
.Ltmp9:
0xd6: {  	_ = 	snop;
	(pc) =	sbr.rel @p1 .LBB2_21-.Ltmp9, $4  }
0xd7: {  	_ = 	snop  }
0xd8: {  	_ =	swait.ge [sflag:s20], $0x80  }
0xd9: {  	[sflag:s20] =	ssyncset.done $0x0  }
0xda: {  	s25 =	sadd.s32 $0xFFFFFFFF, s25;
	[sflag:s20] =	ssyncadd.s32 $0xFFFFFF80  }
0xdb: {  	s25 =	simm.s32 $0x0  }
.LBB2_23:
0xdc: {  	s26 =	sshra.s32 s25, $0x2  }
0xdd: {  	v0 =	vld [tilespmem:s26+$0x1380];
	_ =	sdelay $0x2  }
0xde: {  	v1 =	vld [tilespmem:s26+$0x2700];
	_ =	sdelay $0x4  }
0xdf: {  	[tilespmem:v0+s14+$0x0] =	vst.idx.add.f32.msk $0xffff, v1  }
0xe0: {  	v0 =	vld [tilespmem:s26+$0x1390];
	_ =	sdelay $0x2  }
0xe1: {  	v1 =	vld [tilespmem:s26+$0x2710];
	_ =	sdelay $0x4  }
0xe2: {  	[tilespmem:v0+s14+$0x0] =	vst.idx.add.f32.msk $0xffff, v1  }
0xe3: {  	v0 =	vld [tilespmem:s26+$0x13A0];
	_ =	sdelay $0x2  }
0xe4: {  	v1 =	vld [tilespmem:s26+$0x2720];
	_ =	sdelay $0x4  }
0xe5: {  	[tilespmem:v0+s14+$0x0] =	vst.idx.add.f32.msk $0xffff, v1  }
0xe6: {  	v0 =	vld [tilespmem:s26+$0x13B0];
	_ =	sdelay $0x2  }
0xe7: {  	v1 =	vld [tilespmem:s26+$0x2730];
	_ =	sdelay $0x4  }
0xe8: {  	[tilespmem:v0+s14+$0x0] =	vst.idx.add.f32.msk $0xffff, v1  }
0xe9: {  	v0 =	vld [tilespmem:s26+$0x13C0];
	_ =	sdelay $0x2  }
0xea: {  	v1 =	vld [tilespmem:s26+$0x2740];
	_ =	sdelay $0x4  }
0xeb: {  	[tilespmem:v0+s14+$0x0] =	vst.idx.add.f32.msk $0xffff, v1  }
0xec: {  	v0 =	vld [tilespmem:s26+$0x13D0];
	_ =	sdelay $0x2  }
0xed: {  	v1 =	vld [tilespmem:s26+$0x2750];
	_ =	sdelay $0x4  }
0xee: {  	[tilespmem:v0+s14+$0x0] =	vst.idx.add.f32.msk $0xffff, v1  }
0xef: {  	v0 =	vld [tilespmem:s26+$0x13E0];
	_ =	sdelay $0x2  }
0xf0: {  	v1 =	vld [tilespmem:s26+$0x2760];
	_ =	sdelay $0x4  }
0xf1: {  	[tilespmem:v0+s14+$0x0] =	vst.idx.add.f32.msk $0xffff, v1  }
0xf2: {  	v0 =	vld [tilespmem:s26+$0x13F0];
	_ =	sdelay $0x2  }
0xf3: {  	p1 =	sne.s32 s25, $0x4C00;
	v1 =	vld [tilespmem:s26+$0x2770]  }
.Ltmp10:
0xf4: {  	_ = 	snop;
	(pc) =	sbr.rel @p1 .LBB2_23-.Ltmp10, $2  }
0xf5: {  	_ =	sdelay $0x2  }
0xf6: {  	s25 =	sadd.s32 $0x200, s25;
	[tilespmem:v0+s14+$0x0] =	vst.idx.add.f32.msk $0xffff, v1  }
0xf7: {  	s25 =	simm.s32 $0x27  }
.LBB2_25:
0xf8: {  	p1 =	sne.s32 s25, $0x1  }
.Ltmp11:
0xf9: {  	_ = 	snop;
	(pc) =	sbr.rel @p1 .LBB2_25-.Ltmp11, $4  }
0xfa: {  	_ = 	snop  }
0xfb: {  	_ =	swait.ge [sflag:s21], $0x80  }
0xfc: {  	[sflag:s21] =	ssyncset.done $0x0  }
0xfd: {  	s25 =	sadd.s32 $0xFFFFFFFF, s25;
	[sflag:s21] =	ssyncadd.s32 $0xFFFFFF80  }
0xfe: {  	s25 =	simm.s32 $0x0  }
.LBB2_27:
0xff: {  	s26 =	sshra.s32 s25, $0x2  }
0x100: {  	v0 =	vld [tilespmem:s26+$0x4E00];
	_ =	sdelay $0x2  }
0x101: {  	v1 =	vld [tilespmem:s26+$0x6180];
	_ =	sdelay $0x4  }
0x102: {  	[tilespmem:v0+s14+$0x0] =	vst.idx.add.f32.msk $0xffff, v1  }
0x103: {  	v0 =	vld [tilespmem:s26+$0x4E10];
	_ =	sdelay $0x2  }
0x104: {  	v1 =	vld [tilespmem:s26+$0x6190];
	_ =	sdelay $0x4  }
0x105: {  	[tilespmem:v0+s14+$0x0] =	vst.idx.add.f32.msk $0xffff, v1  }
0x106: {  	v0 =	vld [tilespmem:s26+$0x4E20];
	_ =	sdelay $0x2  }
0x107: {  	v1 =	vld [tilespmem:s26+$0x61A0];
	_ =	sdelay $0x4  }
0x108: {  	[tilespmem:v0+s14+$0x0] =	vst.idx.add.f32.msk $0xffff, v1  }
0x109: {  	v0 =	vld [tilespmem:s26+$0x4E30];
	_ =	sdelay $0x2  }
0x10a: {  	v1 =	vld [tilespmem:s26+$0x61B0];
	_ =	sdelay $0x4  }
0x10b: {  	[tilespmem:v0+s14+$0x0] =	vst.idx.add.f32.msk $0xffff, v1  }
0x10c: {  	v0 =	vld [tilespmem:s26+$0x4E40];
	_ =	sdelay $0x2  }
0x10d: {  	v1 =	vld [tilespmem:s26+$0x61C0];
	_ =	sdelay $0x4  }
0x10e: {  	[tilespmem:v0+s14+$0x0] =	vst.idx.add.f32.msk $0xffff, v1  }
0x10f: {  	v0 =	vld [tilespmem:s26+$0x4E50];
	_ =	sdelay $0x2  }
0x110: {  	v1 =	vld [tilespmem:s26+$0x61D0];
	_ =	sdelay $0x4  }
0x111: {  	[tilespmem:v0+s14+$0x0] =	vst.idx.add.f32.msk $0xffff, v1  }
0x112: {  	v0 =	vld [tilespmem:s26+$0x4E60];
	_ =	sdelay $0x2  }
0x113: {  	v1 =	vld [tilespmem:s26+$0x61E0];
	_ =	sdelay $0x4  }
0x114: {  	[tilespmem:v0+s14+$0x0] =	vst.idx.add.f32.msk $0xffff, v1  }
0x115: {  	v0 =	vld [tilespmem:s26+$0x4E70];
	_ =	sdelay $0x2  }
0x116: {  	p1 =	sne.s32 s25, $0x4C00;
	v1 =	vld [tilespmem:s26+$0x61F0]  }
.Ltmp12:
0x117: {  	_ = 	snop;
	(pc) =	sbr.rel @p1 .LBB2_27-.Ltmp12, $2  }
0x118: {  	_ =	sdelay $0x2  }
0x119: {  	s25 =	sadd.s32 $0x200, s25;
	[tilespmem:v0+s14+$0x0] =	vst.idx.add.f32.msk $0xffff, v1  }
0x11a: {  	s24 =	sadd.s32 $0x1, s24  }
0x11b: {  	p1 =	seq.s32 s24, $0x5  }
.Ltmp13:
0x11c: {  	_ = 	snop;
	(pc) =	sbr.rel @!p1 .LBB2_16-.Ltmp13, $1  }
0x11d: {  	_ =	sdelay $0x3  }
0x11e: {  	s23 =	simm.s32 @!p0 $0x0;
	s24 =	simm.s32 @!p0 $0x3  }
0x11f: {  	[tilespmem:s23], [sflag:$0x3] =	stream.linear.gather @!p0 [hbm4b:s8+s23], $0x80, $0x38;
	[tilespmem:$0x1FD00] =	vst v63  }
0x120: {  	_ =	swait.ge @!p0 [sflag:s24], $0x80  }
0x121: {  	[sflag:s24] =	ssyncset.done @!p0 $0x0  }
0x122: {  	s25 =	simm.s32 @!p0 $0x1380;
	[sflag:s24] =	ssyncadd.s32 @!p0 $0xFFFFFF80  }
0x123: {  	[tilespmem:s25], [sflag:$0x3] =	stream.linear.gather @!p0 [hbm4b:s9+s23], $0x80, $0x38;
	[tilespmem:$0x1FD00] =	vst v63  }
0x124: {  	_ =	swait.ge @!p0 [sflag:s24], $0x80  }
0x125: {  	[sflag:s24] =	ssyncset.done @!p0 $0x0  }
0x126: {  	s26 =	simm.s32 @!p0 $0x2700;
	s25 =	simm.s32 @!p0 $0x80;
	[sflag:s24] =	ssyncadd.s32 @!p0 $0xFFFFFF80  }
0x127: {  	[tilespmem:s26], [sflag:$0x3] =	stream.indirect.gather @!p0 [hbm4b:s11+s25], $0x1, s23, s25, $0xb8;
	[tilespmem:$0x1FD00] =	vst v63  }
0x128: {  	_ =	swait.ge @!p0 [sflag:s24], $0x80  }
0x129: {  	[sflag:s24] =	ssyncset.done @!p0 $0x0  }
0x12a: {  	[sflag:s24] =	ssyncadd.s32 @!p0 $0xFFFFFF80  }
0x12b: {  	v0 =	vld @!p0 [tilespmem:$0x1380];
	_ =	sdelay $0x2  }
0x12c: {  	v1 =	vld @!p0 [tilespmem:$0x2700];
	_ =	sdelay $0x3  }
0x12d: {  	s23 =	simm.s32 @!p0 $0x7500  }
0x12e: {  	[tilespmem:v0+s23+$0x0] =	vst.idx.add.f32.msk @!p0 $0xffff, v1  }
0x12f: {  	v0 =	vld @!p0 [tilespmem:$0x1390];
	_ =	sdelay $0x2  }
0x130: {  	v1 =	vld @!p0 [tilespmem:$0x2710];
	_ =	sdelay $0x4  }
0x131: {  	[tilespmem:v0+s23+$0x0] =	vst.idx.add.f32.msk @!p0 $0xffff, v1  }
0x132: {  	v0 =	vld @!p0 [tilespmem:$0x13A0];
	_ =	sdelay $0x2  }
0x133: {  	v1 =	vld @!p0 [tilespmem:$0x2720];
	_ =	sdelay $0x4  }
0x134: {  	[tilespmem:v0+s23+$0x0] =	vst.idx.add.f32.msk @!p0 $0xffff, v1  }
0x135: {  	v0 =	vld @!p0 [tilespmem:$0x13B0];
	_ =	sdelay $0x2  }
0x136: {  	v1 =	vld @!p0 [tilespmem:$0x2730];
	_ =	sdelay $0x4  }
0x137: {  	[tilespmem:v0+s23+$0x0] =	vst.idx.add.f32.msk @!p0 $0xffff, v1  }
0x138: {  	v0 =	vld @!p0 [tilespmem:$0x13C0];
	_ =	sdelay $0x2  }
0x139: {  	v1 =	vld @!p0 [tilespmem:$0x2740];
	_ =	sdelay $0x4  }
0x13a: {  	[tilespmem:v0+s23+$0x0] =	vst.idx.add.f32.msk @!p0 $0xffff, v1  }
0x13b: {  	v0 =	vld @!p0 [tilespmem:$0x13D0];
	_ =	sdelay $0x2  }
0x13c: {  	v1 =	vld @!p0 [tilespmem:$0x2750];
	_ =	sdelay $0x4  }
0x13d: {  	[tilespmem:v0+s23+$0x0] =	vst.idx.add.f32.msk @!p0 $0xffff, v1  }
0x13e: {  	v0 =	vld @!p0 [tilespmem:$0x13E0];
	_ =	sdelay $0x2  }
0x13f: {  	v1 =	vld @!p0 [tilespmem:$0x2760];
	_ =	sdelay $0x4  }
0x140: {  	[tilespmem:v0+s23+$0x0] =	vst.idx.add.f32.msk @!p0 $0xffff, v1  }
0x141: {  	v0 =	vld @!p0 [tilespmem:$0x13F0];
	_ =	sdelay $0x2  }
0x142: {  	v1 =	vld @!p0 [tilespmem:$0x2770];
	_ =	sdelay $0x2  }
0x143: {  	s22 =	sadd.s32 $0x1, s22  }
0x144: {  	p1 =	sne.s32 s22, s13  }
.Ltmp14:
0x145: {  	[tilespmem:v0+s23+$0x0] =	vst.idx.add.f32.msk @!p0 $0xffff, v1;
	(pc) =	sbr.rel @p1 .LBB2_1-.Ltmp14, $4  }
0x146: {  	[hbm4b:s12+s2] =	stream.linear.scatter [tilespmem:s14], [sflag:$0x3], $0x18800, $0x38;
	[tilespmem:$0x1FD00] =	vst v63  }
0x147: {  	_ =	swait.ge [sflag:s15], $0x18800  }
0x148: {  	[sflag:s15] =	ssyncset.done $0x0  }
0x149: {  	[sflag:s15] =	ssyncadd.s32 $0xFFFE7800  }
0x14a: {  	_ =	sfence.sel $0x180000  }
0x14b: {  	[bflag:$0x0] =	sbarrier.arrive $0xFFFF  }
0x14c: {  	p0 =	sne.s32 s1, $0x0;
	_ =	strace $0x9000004A  }
0x14d: {  	s0 =	sadd.s32 @!p0 $0x100000, s0;
	[bflag:$0x2] =	sbarrier.arrive $0xFFFF  }
0x14e: {  	[sflag:s0] =	ssyncadd.tile.s32 @!p0 $0x1;
	_ =	shalt  }
.Lfunc_end2:
_tile_overlayer_lowered:
.L_overlay_start_2:
0x14f: {  	(tag) =	ssettag $0x2  }
0x150: {  	s0 =	rddreg [dreg:$0x0];
	s2 =	stileid.u32  }
0x151: {  	s1 =	rddreg [dreg:$0x1];
	p0 =	sne.s32 s2, $0x0  }
0x152: {  	s3 =	rddreg [dreg:$0x2];
	[bflag:$0x3] =	sbarrier.arrive $0xFFFF;
	s2 =	simm.s32 @!p0 $0x1C03  }
0x153: {  	[timem:s3], [sflag:s2] =	dma.local @!p0 [hbm:s0], s1  }
0x154: {  	s0 =	simm.s32 @!p0 $0x3  }
0x155: {  	_ =	swait.ge @!p0 [sflag:s0], s1  }
0x156: {  	s1 =	ssub.s32 @!p0 $0x0, s1;
	[sflag:s0] =	ssyncset.done @!p0 $0x0  }
0x157: {  	[sflag:s0] =	ssyncadd.s32 @!p0 s1  }
0x158: {  	[bflag:$0x3] =	sbarrier.arrive $0xFFFF  }
0x159: {  	_ =	shalt  }

</sc_bundles>
